<compile_context>
chip_gen: v7x
topology: tpu7x:2x2x1
jax: 0.10.2.dev20260603
libtpu: 0.0.44.dev20260713+nightly
codegen_flags: <defaults>
</compile_context>

<pallas_src>
import functools

import jax
import jax.numpy as jnp
from jax import lax
from jax.experimental import pallas as pl
from jax.experimental.pallas import tpu as pltpu
from jax.experimental.pallas import tpu_sc as plsc

N = 10000
E = 320000
D = 128

NC = 2
NS = 16
NW = NC * NS

B = 80
K = 125
EW = B * K
SA = N // NS
NBUF = 3
KM = 123

_mesh = plsc.VectorSubcoreMesh(core_axis_name="c", subcore_axis_name="s")
_sc_params = pltpu.CompilerParams(use_tc_tiling_on_sc=False)


def _fill_rows(buf, nrows, ncols, vec):
  def body(i, _):
    for j in range(ncols // 16):
      buf[i, pl.ds(j * 16, 16)] = vec
    return 0

  lax.fori_loop(0, nrows, body, 0)


def _stage_dst(dst_hbm, didx, base, isem):
  def start(j, _):
    pltpu.make_async_copy(dst_hbm.at[pl.ds(base + j * B, B)], didx.at[j],
                          isem).start()
    return 0

  lax.fori_loop(0, K, start, 0)

  def drain(j, _):
    pltpu.make_async_copy(dst_hbm.at[pl.ds(base + j * B, B)], didx.at[j],
                          isem).wait()
    return 0

  lax.fori_loop(0, K, drain, 0)


@functools.partial(
    pl.kernel,
    out_type=jax.ShapeDtypeStruct((NC * N, D), jnp.float32),
    mesh=_mesh,
    scratch_types=[
        pltpu.VMEM((K, B), jnp.int32),
        pltpu.VMEM((B, 16), jnp.float32),
        pltpu.VMEM((SA, 16), jnp.float32),
        pltpu.VMEM((SA, D), jnp.float32),
        pltpu.VMEM_SHARED((N, 16), jnp.float32),
        pltpu.SemaphoreType.DMA,
        pltpu.SemaphoreType.DMA,
    ],
    compiler_params=_sc_params,
)
def _deg_kernel(dst_hbm, out_hbm, didx, ones_v, buf16, buf128, acc, isem,
                ssem):
  c = lax.axis_index("c")
  s = lax.axis_index("s")
  wid = c * NS + s

  _fill_rows(ones_v, B, 16, jnp.ones((16,), jnp.float32))
  _fill_rows(buf16, SA, 16, jnp.zeros((16,), jnp.float32))
  _fill_rows(buf128, SA, D, jnp.zeros((16,), jnp.float32))

  pltpu.sync_copy(buf16, acc.at[pl.ds(s * SA, SA)])

  _stage_dst(dst_hbm, didx, wid * EW, isem)
  plsc.subcore_barrier()

  def fire(j, _):
    pltpu.async_copy(ones_v, acc.at[didx.at[j]], ssem, add=True)
    return 0

  lax.fori_loop(0, K, fire, 0)

  def drain(j, _):
    pltpu.make_async_copy(ones_v, acc.at[didx.at[j]], ssem).wait()
    return 0

  lax.fori_loop(0, K, drain, 0)
  plsc.subcore_barrier()

  pltpu.sync_copy(acc.at[pl.ds(s * SA, SA)], buf16)

  def widen(i, _):
    buf128[i, pl.ds(0, 16)] = buf16[i, :]
    return 0

  lax.fori_loop(0, SA, widen, 0)
  pltpu.sync_copy(buf128, out_hbm.at[pl.ds(c * N + s * SA, SA)])


@functools.partial(
    pl.kernel,
    out_type=jax.ShapeDtypeStruct((NC * N, D), jnp.float32),
    mesh=_mesh,
    scratch_types=[
        pltpu.VMEM((EW,), jnp.int32),
        pltpu.VMEM((K, B), jnp.int32),
        pltpu.VMEM((NBUF, B, D), jnp.float32),
        pltpu.VMEM_SHARED((N, D), jnp.float32),
        pltpu.SemaphoreType.DMA,
        [pltpu.SemaphoreType.DMA] * NBUF,
        [pltpu.SemaphoreType.DMA] * NBUF,
    ],
    compiler_params=_sc_params,
)
def _agg_kernel(y_hbm, src_hbm, dst_hbm, out_hbm, sidx, didx, rows, acc,
                isem, gsems, ssems):
  c = lax.axis_index("c")
  s = lax.axis_index("s")
  wid = c * NS + s

  def gdesc(j, b):
    return pltpu.make_async_copy(y_hbm.at[sidx.at[pl.ds(j * B, B)]],
                                 rows.at[b], gsems[b])

  def sdesc(j, b):
    return pltpu.make_async_copy(rows.at[b], acc.at[didx.at[j]], ssems[b])

  def scat(j, b):
    pltpu.async_copy(rows.at[b], acc.at[didx.at[j]], ssems[b], add=True)

  _fill_rows(rows.at[0], B, D, jnp.zeros((16,), jnp.float32))
  for k in range(SA // B):
    pltpu.sync_copy(rows.at[0], acc.at[pl.ds(s * SA + k * B, B)])
  pltpu.sync_copy(rows.at[0], acc.at[pl.ds(s * SA + SA - B, B)])

  pltpu.sync_copy(src_hbm.at[pl.ds(wid * EW, EW)], sidx)
  _stage_dst(dst_hbm, didx, wid * EW, isem)
  plsc.subcore_barrier()

  gdesc(0, 0).start()

  def outer(i, _):
    for b in range(NBUF):
      j = i * NBUF + b
      nb = (b + 1) % NBUF

      @pl.when(j >= NBUF - 1)
      def _():
        sdesc(j + 1 - NBUF, nb).wait()

      gdesc(j + 1, nb).start()
      gdesc(j, b).wait()
      scat(j, b)
    return 0

  lax.fori_loop(0, KM // NBUF, outer, 0)

  sdesc(KM - 2, 1).wait()
  gdesc(KM + 1, 1).start()
  gdesc(KM, 0).wait()
  scat(KM, 0)
  gdesc(KM + 1, 1).wait()
  scat(KM + 1, 1)
  sdesc(KM - 1, 2).wait()
  sdesc(KM, 0).wait()
  sdesc(KM + 1, 1).wait()
  plsc.subcore_barrier()

  pltpu.sync_copy(acc.at[pl.ds(s * SA, SA)],
                  out_hbm.at[pl.ds(c * N + s * SA, SA)])



RB = 1000
_GRID = (N // RB,)
_NB = N // RB


def _row_spec(cols, off=0):
  return pl.BlockSpec((RB, cols), lambda i, o=off: (i + o, 0))


def _full_spec(r, c):
  return pl.BlockSpec((r, c), lambda i: (0, 0))


def _deg_terms(d0, d1):
  deg = 1.0 + d0[:, 0:1] + d1[:, 0:1]
  dis = lax.rsqrt(deg)
  return dis, 1.0 / deg


def _tc1_body(x_ref, w1_ref, d0_ref, d1_ref, xw_ref, y_ref):
  dis, _ = _deg_terms(d0_ref[...], d1_ref[...])
  xw = jnp.dot(x_ref[...], w1_ref[...], preferred_element_type=jnp.float32)
  xw_ref[...] = xw
  y_ref[...] = xw * dis


def _tc2_body(p0_ref, p1_ref, xw1_ref, d0_ref, d1_ref, b1_ref, w2_ref,
              h_ref, xw2_ref, y2_ref):
  dis, deginv = _deg_terms(d0_ref[...], d1_ref[...])
  pre = ((p0_ref[...] + p1_ref[...]) * dis + xw1_ref[...] * deginv
         + b1_ref[...])
  h = jnp.maximum(pre, 0.0)
  h_ref[...] = h
  xw2 = jnp.dot(h, w2_ref[...], preferred_element_type=jnp.float32)
  xw2_ref[...] = xw2
  y2_ref[...] = xw2 * dis


def _tc3_body(q0_ref, q1_ref, xw2_ref, d0_ref, d1_ref, b2_ref, out_ref):
  dis, deginv = _deg_terms(d0_ref[...], d1_ref[...])
  out_ref[...] = ((q0_ref[...] + q1_ref[...]) * dis
                  + xw2_ref[...] * deginv + b2_ref[...])


_tc1 = pl.pallas_call(
    _tc1_body,
    grid=_GRID,
    in_specs=[_row_spec(D), _full_spec(D, D), _row_spec(D), _row_spec(D, _NB)],
    out_specs=[_row_spec(D), _row_spec(D)],
    out_shape=[jax.ShapeDtypeStruct((N, D), jnp.float32)] * 2,
)

_tc2 = pl.pallas_call(
    _tc2_body,
    grid=_GRID,
    in_specs=[_row_spec(D), _row_spec(D, _NB), _row_spec(D), _row_spec(D),
              _row_spec(D, _NB), _full_spec(1, D), _full_spec(D, D)],
    out_specs=[_row_spec(D), _row_spec(D), _row_spec(D)],
    out_shape=[jax.ShapeDtypeStruct((N, D), jnp.float32)] * 3,
)

_tc3 = pl.pallas_call(
    _tc3_body,
    grid=_GRID,
    in_specs=[_row_spec(D), _row_spec(D, _NB), _row_spec(D), _row_spec(D),
              _row_spec(D, _NB), _full_spec(1, D)],
    out_specs=_row_spec(D),
    out_shape=jax.ShapeDtypeStruct((N, D), jnp.float32),
)


def kernel(x, edge_index, W1, b1, W2, b2):
  src = edge_index[0]
  dst = edge_index[1]

  dp = _deg_kernel(dst)
  xw1, y1 = _tc1(x, W1, dp, dp)
  p = _agg_kernel(y1, src, dst)
  h, xw2, y2 = _tc2(p, p, xw1, dp, dp, b1.reshape(1, D), W2)
  q = _agg_kernel(y2, src, dst)
  logits = _tc3(q, q, xw2, dp, dp, b2.reshape(1, D))
  return (h, logits)

# --- scband reference (transcript-rebuilt; emitter-appended) ---
"""Pipeline reference for scband-gcn-23450521436311 (READ-ONLY COPY).

The authoritative reference and input builder live on the scoring server;
editing this copy changes nothing except your own understanding.
"""

import jax, jax.numpy as jnp
import numpy as np

N_NODES = 10000
N_EDGES = 320000
D_IN = 128
D_HID = 128
D_OUT = 128


def setup_inputs(seed: int = 0) -> dict:
    key = jax.random.key(seed)
    ks = jax.random.split(key, 6)
    x = jax.random.normal(ks[0], (N_NODES, D_IN), dtype=jnp.float32)
    edge_index = jax.random.randint(ks[1], (2, N_EDGES), 0, N_NODES, dtype=jnp.int32)
    W1 = jax.random.normal(ks[2], (D_IN, D_HID), dtype=jnp.float32) * (1.0 / np.sqrt(D_IN))
    b1 = jnp.zeros((D_HID,), dtype=jnp.float32)
    W2 = jax.random.normal(ks[3], (D_HID, D_OUT), dtype=jnp.float32) * (1.0 / np.sqrt(D_HID))
    b2 = jnp.zeros((D_OUT,), dtype=jnp.float32)
    return {"x": x, "edge_index": edge_index, "W1": W1, "b1": b1, "W2": W2, "b2": b2}


def _gcn_conv(x, src, dst, W, b):
    # GCNConv: add self-loops, symmetric normalization D^{-1/2}(A+I)D^{-1/2} X W + b
    n = x.shape[0]
    loop = jnp.arange(n, dtype=src.dtype)
    s = jnp.concatenate([src, loop])
    d = jnp.concatenate([dst, loop])
    deg = jnp.zeros((n,), dtype=x.dtype).at[d].add(1.0)
    deg_inv_sqrt = jnp.where(deg > 0, jax.lax.rsqrt(jnp.maximum(deg, 1e-12)), 0.0)
    norm = deg_inv_sqrt[s] * deg_inv_sqrt[d]
    xw = x @ W
    msg = xw[s] * norm[:, None]
    out = jnp.zeros((n, W.shape[1]), dtype=x.dtype).at[d].add(msg)
    return out + b


def reference(x, edge_index, W1, b1, W2, b2):
    src = edge_index[0]
    dst = edge_index[1]
    # layer 1 + relu; dropout is identity in eval mode (training=False)
    h = _gcn_conv(x, src, dst, W1, b1)
    h = jax.nn.relu(h)
    # last layer -> logits
    logits = _gcn_conv(h, src, dst, W2, b2)
    return (h, logits)

if __name__ == "__main__":
    import jax
    _d = setup_inputs()
    print(jax.jit(kernel)(*tuple(_d.values())))

</pallas_src>

<mosaic_0001>
#map = affine_map<(d0, d1) -> (0)>
#map1 = affine_map<(d0, d1) -> (0, 0)>
module attributes {stable_mosaic.version = 14 : i64} {
  func.func @_deg_kernel(%arg0: i32, %arg1: i32, %arg2: memref<320000xi32, #tpu.memory_space<hbm>>, %arg3: memref<20000x128xf32, #tpu.memory_space<hbm>>, %arg4: memref<125x80xi32, #tpu.memory_space<vmem>>, %arg5: memref<80x16xf32, #tpu.memory_space<vmem>>, %arg6: memref<625x16xf32, #tpu.memory_space<vmem>>, %arg7: memref<625x128xf32, #tpu.memory_space<vmem>>, %arg8: memref<10000x16xf32, #tpu.memory_space<vmem_shared>>, %arg9: memref<!tpu.dma_semaphore, #tpu.memory_space<semaphore_mem>>, %arg10: memref<!tpu.dma_semaphore, #tpu.memory_space<semaphore_mem>>) attributes {dimension_semantics = [#tpu.dimension_semantics<core_parallel>, #tpu.dimension_semantics<subcore_parallel>], iteration_bounds = array<i64: 2, 16>, scalar_prefetch = 0 : i64, scratch_operands = 7 : i64, tpu.core_type = #tpu.core_type<sc_vector_subcore>, window_params = [{transform_indices = #map}, {transform_indices = #map1}]} {
    %mul3A = arith.constant 16 : i32
    %mul3A_0 = arith.muli %arg0, %mul3A : i32
    %add3A = arith.addi %mul3A_0, %arg1 : i32
    %broadcast_in_dim3A = arith.constant 1.000000e+00 : f32
    %broadcast_in_dim3A_1 = vector.broadcast %broadcast_in_dim3A : f32 to vector<16xf32>
    %scan3A = arith.constant 0 : i32
    %scan3A_2 = arith.constant 0 : i32
    %scan3A_3 = arith.constant 80 : i32
    %scan3A_4 = arith.addi %scan3A_2, %scan3A_3 : i32
    %scan3A_5 = arith.constant 1 : i32
    %scan3A_6 = scf.for %scan3A_73 = %scan3A_2 to %scan3A_4 step %scan3A_5 iter_args(%scan3A_74 = %scan3A) -> (i32)  : i32 {
      %swap3A = arith.index_cast %scan3A_73 : i32 to index
      %swap3A_75 = arith.constant 0 : index
      %swap3A_76 = tpu.vector_load %arg5[%swap3A, %swap3A_75] {strides = array<i32>} : memref<80x16xf32, #tpu.memory_space<vmem>>, vector<1x16xf32>,
      %swap3A_77 = vector.shape_cast %swap3A_76 : vector<1x16xf32> to vector<16xf32>
      %swap3A_78 = vector.shape_cast %broadcast_in_dim3A_1 : vector<16xf32> to vector<1x16xf32>
      tpu.vector_store %arg5[%swap3A, %swap3A_75], %swap3A_78 {strides = array<i32>} : memref<80x16xf32, #tpu.memory_space<vmem>>, vector<1x16xf32>,
      %scan3A_79 = arith.constant 0 : i32
      scf.yield %scan3A_79 : i32
    }
    %scan3A_7 = arith.constant 80 : i32
    %broadcast_in_dim3A_8 = arith.constant 0.000000e+00 : f32
    %broadcast_in_dim3A_9 = vector.broadcast %broadcast_in_dim3A_8 : f32 to vector<16xf32>
    %scan3A_10 = arith.constant 0 : i32
    %scan3A_11 = arith.constant 0 : i32
    %scan3A_12 = arith.constant 625 : i32
    %scan3A_13 = arith.addi %scan3A_11, %scan3A_12 : i32
    %scan3A_14 = arith.constant 1 : i32
    %scan3A_15 = scf.for %scan3A_73 = %scan3A_11 to %scan3A_13 step %scan3A_14 iter_args(%scan3A_74 = %scan3A_10) -> (i32)  : i32 {
      %swap3A = arith.index_cast %scan3A_73 : i32 to index
      %swap3A_75 = arith.constant 0 : index
      %swap3A_76 = tpu.vector_load %arg6[%swap3A, %swap3A_75] {strides = array<i32>} : memref<625x16xf32, #tpu.memory_space<vmem>>, vector<1x16xf32>,
      %swap3A_77 = vector.shape_cast %swap3A_76 : vector<1x16xf32> to vector<16xf32>
      %swap3A_78 = vector.shape_cast %broadcast_in_dim3A_9 : vector<16xf32> to vector<1x16xf32>
      tpu.vector_store %arg6[%swap3A, %swap3A_75], %swap3A_78 {strides = array<i32>} : memref<625x16xf32, #tpu.memory_space<vmem>>, vector<1x16xf32>,
      %scan3A_79 = arith.constant 0 : i32
      scf.yield %scan3A_79 : i32
    }
    %scan3A_16 = arith.constant 625 : i32
    %broadcast_in_dim3A_17 = arith.constant 0.000000e+00 : f32
    %broadcast_in_dim3A_18 = vector.broadcast %broadcast_in_dim3A_17 : f32 to vector<16xf32>
    %scan3A_19 = arith.constant 0 : i32
    %scan3A_20 = arith.constant 0 : i32
    %scan3A_21 = arith.constant 625 : i32
    %scan3A_22 = arith.addi %scan3A_20, %scan3A_21 : i32
    %scan3A_23 = arith.constant 1 : i32
    %scan3A_24 = scf.for %scan3A_73 = %scan3A_20 to %scan3A_22 step %scan3A_23 iter_args(%scan3A_74 = %scan3A_19) -> (i32)  : i32 {
      %swap3A = arith.index_cast %scan3A_73 : i32 to index
      %swap3A_75 = arith.constant 0 : index
      %swap3A_76 = tpu.vector_load %arg7[%swap3A, %swap3A_75] {strides = array<i32>} : memref<625x128xf32, #tpu.memory_space<vmem>>, vector<1x16xf32>,
      %swap3A_77 = vector.shape_cast %swap3A_76 : vector<1x16xf32> to vector<16xf32>
      %swap3A_78 = vector.shape_cast %broadcast_in_dim3A_18 : vector<16xf32> to vector<1x16xf32>
      tpu.vector_store %arg7[%swap3A, %swap3A_75], %swap3A_78 {strides = array<i32>} : memref<625x128xf32, #tpu.memory_space<vmem>>, vector<1x16xf32>,
      %swap3A_79 = arith.index_cast %scan3A_73 : i32 to index
      %swap3A_80 = arith.constant 16 : index
      %swap3A_81 = tpu.vector_load %arg7[%swap3A_79, %swap3A_80] {strides = array<i32>} : memref<625x128xf32, #tpu.memory_space<vmem>>, vector<1x16xf32>,
      %swap3A_82 = vector.shape_cast %swap3A_81 : vector<1x16xf32> to vector<16xf32>
      %swap3A_83 = vector.shape_cast %broadcast_in_dim3A_18 : vector<16xf32> to vector<1x16xf32>
      tpu.vector_store %arg7[%swap3A_79, %swap3A_80], %swap3A_83 {strides = array<i32>} : memref<625x128xf32, #tpu.memory_space<vmem>>, vector<1x16xf32>,
      %swap3A_84 = arith.index_cast %scan3A_73 : i32 to index
      %swap3A_85 = arith.constant 32 : index
      %swap3A_86 = tpu.vector_load %arg7[%swap3A_84, %swap3A_85] {strides = array<i32>} : memref<625x128xf32, #tpu.memory_space<vmem>>, vector<1x16xf32>,
      %swap3A_87 = vector.shape_cast %swap3A_86 : vector<1x16xf32> to vector<16xf32>
      %swap3A_88 = vector.shape_cast %broadcast_in_dim3A_18 : vector<16xf32> to vector<1x16xf32>
      tpu.vector_store %arg7[%swap3A_84, %swap3A_85], %swap3A_88 {strides = array<i32>} : memref<625x128xf32, #tpu.memory_space<vmem>>, vector<1x16xf32>,
      %swap3A_89 = arith.index_cast %scan3A_73 : i32 to index
      %swap3A_90 = arith.constant 48 : index
      %swap3A_91 = tpu.vector_load %arg7[%swap3A_89, %swap3A_90] {strides = array<i32>} : memref<625x128xf32, #tpu.memory_space<vmem>>, vector<1x16xf32>,
      %swap3A_92 = vector.shape_cast %swap3A_91 : vector<1x16xf32> to vector<16xf32>
      %swap3A_93 = vector.shape_cast %broadcast_in_dim3A_18 : vector<16xf32> to vector<1x16xf32>
      tpu.vector_store %arg7[%swap3A_89, %swap3A_90], %swap3A_93 {strides = array<i32>} : memref<625x128xf32, #tpu.memory_space<vmem>>, vector<1x16xf32>,
      %swap3A_94 = arith.index_cast %scan3A_73 : i32 to index
      %swap3A_95 = arith.constant 64 : index
      %swap3A_96 = tpu.vector_load %arg7[%swap3A_94, %swap3A_95] {strides = array<i32>} : memref<625x128xf32, #tpu.memory_space<vmem>>, vector<1x16xf32>,
      %swap3A_97 = vector.shape_cast %swap3A_96 : vector<1x16xf32> to vector<16xf32>
      %swap3A_98 = vector.shape_cast %broadcast_in_dim3A_18 : vector<16xf32> to vector<1x16xf32>
      tpu.vector_store %arg7[%swap3A_94, %swap3A_95], %swap3A_98 {strides = array<i32>} : memref<625x128xf32, #tpu.memory_space<vmem>>, vector<1x16xf32>,
      %swap3A_99 = arith.index_cast %scan3A_73 : i32 to index
      %swap3A_100 = arith.constant 80 : index
      %swap3A_101 = tpu.vector_load %arg7[%swap3A_99, %swap3A_100] {strides = array<i32>} : memref<625x128xf32, #tpu.memory_space<vmem>>, vector<1x16xf32>,
      %swap3A_102 = vector.shape_cast %swap3A_101 : vector<1x16xf32> to vector<16xf32>
      %swap3A_103 = vector.shape_cast %broadcast_in_dim3A_18 : vector<16xf32> to vector<1x16xf32>
      tpu.vector_store %arg7[%swap3A_99, %swap3A_100], %swap3A_103 {strides = array<i32>} : memref<625x128xf32, #tpu.memory_space<vmem>>, vector<1x16xf32>,
      %swap3A_104 = arith.index_cast %scan3A_73 : i32 to index
      %swap3A_105 = arith.constant 96 : index
      %swap3A_106 = tpu.vector_load %arg7[%swap3A_104, %swap3A_105] {strides = array<i32>} : memref<625x128xf32, #tpu.memory_space<vmem>>, vector<1x16xf32>,
      %swap3A_107 = vector.shape_cast %swap3A_106 : vector<1x16xf32> to vector<16xf32>
      %swap3A_108 = vector.shape_cast %broadcast_in_dim3A_18 : vector<16xf32> to vector<1x16xf32>
      tpu.vector_store %arg7[%swap3A_104, %swap3A_105], %swap3A_108 {strides = array<i32>} : memref<625x128xf32, #tpu.memory_space<vmem>>, vector<1x16xf32>,
      %swap3A_109 = arith.index_cast %scan3A_73 : i32 to index
      %swap3A_110 = arith.constant 112 : index
      %swap3A_111 = tpu.vector_load %arg7[%swap3A_109, %swap3A_110] {strides = array<i32>} : memref<625x128xf32, #tpu.memory_space<vmem>>, vector<1x16xf32>,
      %swap3A_112 = vector.shape_cast %swap3A_111 : vector<1x16xf32> to vector<16xf32>
      %swap3A_113 = vector.shape_cast %broadcast_in_dim3A_18 : vector<16xf32> to vector<1x16xf32>
      tpu.vector_store %arg7[%swap3A_109, %swap3A_110], %swap3A_113 {strides = array<i32>} : memref<625x128xf32, #tpu.memory_space<vmem>>, vector<1x16xf32>,
      %scan3A_114 = arith.constant 0 : i32
      scf.yield %scan3A_114 : i32
    }
    %scan3A_25 = arith.constant 625 : i32
    %mul3A_26 = arith.constant 625 : i32
    %mul3A_27 = arith.muli %arg1, %mul3A_26 : i32
    "tpu.region"() ({
      %run_scoped3A = tpu.sem_alloc : memref<!tpu.dma_semaphore, #tpu.memory_space<semaphore_mem>>
      %dma_start3A = arith.constant 0 : i32
      %dma_start3A_73 = tpu.memref_slice %arg8[%mul3A_27, %dma_start3A] : memref<10000x16xf32, #tpu.memory_space<vmem_shared>> -> memref<625x16xf32, #tpu.memory_space<vmem_shared>>
      %dma_start3A_74 = arith.constant 0 : i32
      %dma_start3A_75 = tpu.memref_slice %arg8[%mul3A_27, %dma_start3A_74] : memref<10000x16xf32, #tpu.memory_space<vmem_shared>> -> memref<625x16xf32, #tpu.memory_space<vmem_shared>>
      tpu.enqueue_dma source(%arg6 : memref<625x16xf32, #tpu.memory_space<vmem>>) target(%dma_start3A_75 : memref<625x16xf32, #tpu.memory_space<vmem_shared>>) target_semaphore(%run_scoped3A : memref<!tpu.dma_semaphore, #tpu.memory_space<semaphore_mem>>)
      %dma_wait3A = arith.constant 0 : i32
      %dma_wait3A_76 = tpu.memref_slice %arg8[%mul3A_27, %dma_wait3A] : memref<10000x16xf32, #tpu.memory_space<vmem_shared>> -> memref<625x16xf32, #tpu.memory_space<vmem_shared>>
      %dma_wait3A_77 = arith.constant 0 : i32
      %dma_wait3A_78 = tpu.memref_slice %arg8[%mul3A_27, %dma_wait3A_77] : memref<10000x16xf32, #tpu.memory_space<vmem_shared>> -> memref<625x16xf32, #tpu.memory_space<vmem_shared>>
      tpu.wait_dma2 semaphore(%run_scoped3A : memref<!tpu.dma_semaphore, #tpu.memory_space<semaphore_mem>>) src(%arg6 : memref<625x16xf32, #tpu.memory_space<vmem>>) dst(%dma_wait3A_78 : memref<625x16xf32, #tpu.memory_space<vmem_shared>>)
      tpu.yield
    }) : () -> ()
    %mul3A_28 = arith.constant 10000 : i32
    %mul3A_29 = arith.muli %add3A, %mul3A_28 : i32
    %scan3A_30 = arith.constant 0 : i32
    %scan3A_31 = arith.constant 0 : i32
    %scan3A_32 = arith.constant 125 : i32
    %scan3A_33 = arith.addi %scan3A_31, %scan3A_32 : i32
    %scan3A_34 = arith.constant 1 : i32
    %scan3A_35 = scf.for %scan3A_73 = %scan3A_31 to %scan3A_33 step %scan3A_34 iter_args(%scan3A_74 = %scan3A_30) -> (i32)  : i32 {
      %mul3A_75 = arith.constant 80 : i32
      %mul3A_76 = arith.muli %scan3A_73, %mul3A_75 : i32
      %add3A_77 = arith.addi %mul3A_29, %mul3A_76 : i32
      %dma_start3A = arith.constant 0 : i32
      %dma_start3A_78 = tpu.memref_slice %arg4[%scan3A_73, %dma_start3A] : memref<125x80xi32, #tpu.memory_space<vmem>> -> memref<1x80xi32, #tpu.memory_space<vmem>>
      %dma_start3A_79 = tpu.memref_squeeze %dma_start3A_78 : memref<1x80xi32, #tpu.memory_space<vmem>> -> memref<80xi32, #tpu.memory_space<vmem>>
      %dma_start3A_80 = tpu.memref_slice %arg2[%add3A_77] : memref<320000xi32, #tpu.memory_space<hbm>> -> memref<80xi32, #tpu.memory_space<hbm>>
      %dma_start3A_81 = arith.constant 0 : i32
      %dma_start3A_82 = tpu.memref_slice %arg4[%scan3A_73, %dma_start3A_81] : memref<125x80xi32, #tpu.memory_space<vmem>> -> memref<1x80xi32, #tpu.memory_space<vmem>>
      %dma_start3A_83 = tpu.memref_squeeze %dma_start3A_82 : memref<1x80xi32, #tpu.memory_space<vmem>> -> memref<80xi32, #tpu.memory_space<vmem>>
      %dma_start3A_84 = tpu.memref_slice %arg2[%add3A_77] : memref<320000xi32, #tpu.memory_space<hbm>> -> memref<80xi32, #tpu.memory_space<hbm>>
      tpu.enqueue_dma source(%dma_start3A_84 : memref<80xi32, #tpu.memory_space<hbm>>) target(%dma_start3A_83 : memref<80xi32, #tpu.memory_space<vmem>>) target_semaphore(%arg9 : memref<!tpu.dma_semaphore, #tpu.memory_space<semaphore_mem>>)
      %scan3A_85 = arith.constant 0 : i32
      scf.yield %scan3A_85 : i32
    }
    %scan3A_36 = arith.constant 125 : i32
    %scan3A_37 = arith.constant 0 : i32
    %scan3A_38 = arith.constant 0 : i32
    %scan3A_39 = arith.constant 125 : i32
    %scan3A_40 = arith.addi %scan3A_38, %scan3A_39 : i32
    %scan3A_41 = arith.constant 1 : i32
    %scan3A_42 = scf.for %scan3A_73 = %scan3A_38 to %scan3A_40 step %scan3A_41 iter_args(%scan3A_74 = %scan3A_37) -> (i32)  : i32 {
      %mul3A_75 = arith.constant 80 : i32
      %mul3A_76 = arith.muli %scan3A_73, %mul3A_75 : i32
      %add3A_77 = arith.addi %mul3A_29, %mul3A_76 : i32
      %dma_wait3A = arith.constant 0 : i32
      %dma_wait3A_78 = tpu.memref_slice %arg4[%scan3A_73, %dma_wait3A] : memref<125x80xi32, #tpu.memory_space<vmem>> -> memref<1x80xi32, #tpu.memory_space<vmem>>
      %dma_wait3A_79 = tpu.memref_squeeze %dma_wait3A_78 : memref<1x80xi32, #tpu.memory_space<vmem>> -> memref<80xi32, #tpu.memory_space<vmem>>
      %dma_wait3A_80 = tpu.memref_slice %arg2[%add3A_77] : memref<320000xi32, #tpu.memory_space<hbm>> -> memref<80xi32, #tpu.memory_space<hbm>>
      %dma_wait3A_81 = arith.constant 0 : i32
      %dma_wait3A_82 = tpu.memref_slice %arg4[%scan3A_73, %dma_wait3A_81] : memref<125x80xi32, #tpu.memory_space<vmem>> -> memref<1x80xi32, #tpu.memory_space<vmem>>
      %dma_wait3A_83 = tpu.memref_squeeze %dma_wait3A_82 : memref<1x80xi32, #tpu.memory_space<vmem>> -> memref<80xi32, #tpu.memory_space<vmem>>
      %dma_wait3A_84 = tpu.memref_slice %arg2[%add3A_77] : memref<320000xi32, #tpu.memory_space<hbm>> -> memref<80xi32, #tpu.memory_space<hbm>>
      tpu.wait_dma2 semaphore(%arg9 : memref<!tpu.dma_semaphore, #tpu.memory_space<semaphore_mem>>) src(%dma_wait3A_84 : memref<80xi32, #tpu.memory_space<hbm>>) dst(%dma_wait3A_83 : memref<80xi32, #tpu.memory_space<vmem>>)
      %scan3A_85 = arith.constant 0 : i32
      scf.yield %scan3A_85 : i32
    }
    %scan3A_43 = arith.constant 125 : i32
    %barrier3A = arith.constant 0 : index
    tpu.barrier barrier_id(%barrier3A)
    %scan3A_44 = arith.constant 0 : i32
    %scan3A_45 = arith.constant 0 : i32
    %scan3A_46 = arith.constant 125 : i32
    %scan3A_47 = arith.addi %scan3A_45, %scan3A_46 : i32
    %scan3A_48 = arith.constant 1 : i32
    %scan3A_49 = scf.for %scan3A_73 = %scan3A_45 to %scan3A_47 step %scan3A_48 iter_args(%scan3A_74 = %scan3A_44) -> (i32)  : i32 {
      %dma_start3A = arith.constant 0 : i32
      %dma_start3A_75 = tpu.memref_slice %arg4[%scan3A_73, %dma_start3A] : memref<125x80xi32, #tpu.memory_space<vmem>> -> memref<1x80xi32, #tpu.memory_space<vmem>>
      %dma_start3A_76 = tpu.memref_squeeze %dma_start3A_75 : memref<1x80xi32, #tpu.memory_space<vmem>> -> memref<80xi32, #tpu.memory_space<vmem>>
      %dma_start3A_77 = arith.constant 0 : i32
      %dma_start3A_78 = arith.constant 0 : i32
      %dma_start3A_79 = tpu.memref_slice %arg8[%dma_start3A_77, %dma_start3A_78] : memref<10000x16xf32, #tpu.memory_space<vmem_shared>> -> memref<10000x16xf32, #tpu.memory_space<vmem_shared>>
      tpu.enqueue_indirect_dma source(%arg5 : memref<80x16xf32, #tpu.memory_space<vmem>>) target(%dma_start3A_79 : memref<10000x16xf32, #tpu.memory_space<vmem_shared>>) offsets(%dma_start3A_76 : memref<80xi32, #tpu.memory_space<vmem>>) semaphore(%arg10 : memref<!tpu.dma_semaphore, #tpu.memory_space<semaphore_mem>>) {add = true}
      %scan3A_80 = arith.constant 0 : i32
      scf.yield %scan3A_80 : i32
    }
    %scan3A_50 = arith.constant 125 : i32
    %scan3A_51 = arith.constant 0 : i32
    %scan3A_52 = arith.constant 0 : i32
    %scan3A_53 = arith.constant 125 : i32
    %scan3A_54 = arith.addi %scan3A_52, %scan3A_53 : i32
    %scan3A_55 = arith.constant 1 : i32
    %scan3A_56 = scf.for %scan3A_73 = %scan3A_52 to %scan3A_54 step %scan3A_55 iter_args(%scan3A_74 = %scan3A_51) -> (i32)  : i32 {
      %dma_wait3A = arith.constant 0 : i32
      %dma_wait3A_75 = tpu.memref_slice %arg4[%scan3A_73, %dma_wait3A] : memref<125x80xi32, #tpu.memory_space<vmem>> -> memref<1x80xi32, #tpu.memory_space<vmem>>
      %dma_wait3A_76 = tpu.memref_squeeze %dma_wait3A_75 : memref<1x80xi32, #tpu.memory_space<vmem>> -> memref<80xi32, #tpu.memory_space<vmem>>
      %dma_wait3A_77 = arith.constant 0 : i32
      %dma_wait3A_78 = arith.constant 0 : i32
      %dma_wait3A_79 = tpu.memref_slice %arg8[%dma_wait3A_77, %dma_wait3A_78] : memref<10000x16xf32, #tpu.memory_space<vmem_shared>> -> memref<10000x16xf32, #tpu.memory_space<vmem_shared>>
      tpu.wait_indirect_dma semaphore(%arg10 : memref<!tpu.dma_semaphore, #tpu.memory_space<semaphore_mem>>) src(%arg5 : memref<80x16xf32, #tpu.memory_space<vmem>>) dst(%dma_wait3A_79 : memref<10000x16xf32, #tpu.memory_space<vmem_shared>>)
      %scan3A_80 = arith.constant 0 : i32
      scf.yield %scan3A_80 : i32
    }
    %scan3A_57 = arith.constant 125 : i32
    %barrier3A_58 = arith.constant 0 : index
    tpu.barrier barrier_id(%barrier3A_58)
    %mul3A_59 = arith.constant 625 : i32
    %mul3A_60 = arith.muli %arg1, %mul3A_59 : i32
    "tpu.region"() ({
      %run_scoped3A = tpu.sem_alloc : memref<!tpu.dma_semaphore, #tpu.memory_space<semaphore_mem>>
      %dma_start3A = arith.constant 0 : i32
      %dma_start3A_73 = tpu.memref_slice %arg8[%mul3A_60, %dma_start3A] : memref<10000x16xf32, #tpu.memory_space<vmem_shared>> -> memref<625x16xf32, #tpu.memory_space<vmem_shared>>
      %dma_start3A_74 = arith.constant 0 : i32
      %dma_start3A_75 = tpu.memref_slice %arg8[%mul3A_60, %dma_start3A_74] : memref<10000x16xf32, #tpu.memory_space<vmem_shared>> -> memref<625x16xf32, #tpu.memory_space<vmem_shared>>
      tpu.enqueue_dma source(%dma_start3A_75 : memref<625x16xf32, #tpu.memory_space<vmem_shared>>) target(%arg6 : memref<625x16xf32, #tpu.memory_space<vmem>>) target_semaphore(%run_scoped3A : memref<!tpu.dma_semaphore, #tpu.memory_space<semaphore_mem>>)
      %dma_wait3A = arith.constant 0 : i32
      %dma_wait3A_76 = tpu.memref_slice %arg8[%mul3A_60, %dma_wait3A] : memref<10000x16xf32, #tpu.memory_space<vmem_shared>> -> memref<625x16xf32, #tpu.memory_space<vmem_shared>>
      %dma_wait3A_77 = arith.constant 0 : i32
      %dma_wait3A_78 = tpu.memref_slice %arg8[%mul3A_60, %dma_wait3A_77] : memref<10000x16xf32, #tpu.memory_space<vmem_shared>> -> memref<625x16xf32, #tpu.memory_space<vmem_shared>>
      tpu.wait_dma2 semaphore(%run_scoped3A : memref<!tpu.dma_semaphore, #tpu.memory_space<semaphore_mem>>) src(%dma_wait3A_78 : memref<625x16xf32, #tpu.memory_space<vmem_shared>>) dst(%arg6 : memref<625x16xf32, #tpu.memory_space<vmem>>)
      tpu.yield
    }) : () -> ()
    %scan3A_61 = arith.constant 0 : i32
    %scan3A_62 = arith.constant 0 : i32
    %scan3A_63 = arith.constant 625 : i32
    %scan3A_64 = arith.addi %scan3A_62, %scan3A_63 : i32
    %scan3A_65 = arith.constant 1 : i32
    %scan3A_66 = scf.for %scan3A_73 = %scan3A_62 to %scan3A_64 step %scan3A_65 iter_args(%scan3A_74 = %scan3A_61) -> (i32)  : i32 {
      %get3A = arith.index_cast %scan3A_73 : i32 to index
      %get3A_75 = arith.constant 0 : index
      %get3A_76 = tpu.vector_load %arg6[%get3A, %get3A_75] {strides = array<i32>} : memref<625x16xf32, #tpu.memory_space<vmem>>, vector<1x16xf32>,
      %get3A_77 = vector.shape_cast %get3A_76 : vector<1x16xf32> to vector<16xf32>
      %swap3A = arith.index_cast %scan3A_73 : i32 to index
      %swap3A_78 = arith.constant 0 : index
      %swap3A_79 = tpu.vector_load %arg7[%swap3A, %swap3A_78] {strides = array<i32>} : memref<625x128xf32, #tpu.memory_space<vmem>>, vector<1x16xf32>,
      %swap3A_80 = vector.shape_cast %swap3A_79 : vector<1x16xf32> to vector<16xf32>
      %swap3A_81 = vector.shape_cast %get3A_77 : vector<16xf32> to vector<1x16xf32>
      tpu.vector_store %arg7[%swap3A, %swap3A_78], %swap3A_81 {strides = array<i32>} : memref<625x128xf32, #tpu.memory_space<vmem>>, vector<1x16xf32>,
      %scan3A_82 = arith.constant 0 : i32
      scf.yield %scan3A_82 : i32
    }
    %scan3A_67 = arith.constant 625 : i32
    %mul3A_68 = arith.constant 10000 : i32
    %mul3A_69 = arith.muli %arg0, %mul3A_68 : i32
    %mul3A_70 = arith.constant 625 : i32
    %mul3A_71 = arith.muli %arg1, %mul3A_70 : i32
    %add3A_72 = arith.addi %mul3A_69, %mul3A_71 : i32
    "tpu.region"() ({
      %run_scoped3A = tpu.sem_alloc : memref<!tpu.dma_semaphore, #tpu.memory_space<semaphore_mem>>
      %dma_start3A = arith.constant 0 : i32
      %dma_start3A_73 = tpu.memref_slice %arg3[%add3A_72, %dma_start3A] : memref<20000x128xf32, #tpu.memory_space<hbm>> -> memref<625x128xf32, #tpu.memory_space<hbm>>
      %dma_start3A_74 = arith.constant 0 : i32
      %dma_start3A_75 = tpu.memref_slice %arg3[%add3A_72, %dma_start3A_74] : memref<20000x128xf32, #tpu.memory_space<hbm>> -> memref<625x128xf32, #tpu.memory_space<hbm>>
      tpu.enqueue_dma source(%arg7 : memref<625x128xf32, #tpu.memory_space<vmem>>) target(%dma_start3A_75 : memref<625x128xf32, #tpu.memory_space<hbm>>) target_semaphore(%run_scoped3A : memref<!tpu.dma_semaphore, #tpu.memory_space<semaphore_mem>>)
      %dma_wait3A = arith.constant 0 : i32
      %dma_wait3A_76 = tpu.memref_slice %arg3[%add3A_72, %dma_wait3A] : memref<20000x128xf32, #tpu.memory_space<hbm>> -> memref<625x128xf32, #tpu.memory_space<hbm>>
      %dma_wait3A_77 = arith.constant 0 : i32
      %dma_wait3A_78 = tpu.memref_slice %arg3[%add3A_72, %dma_wait3A_77] : memref<20000x128xf32, #tpu.memory_space<hbm>> -> memref<625x128xf32, #tpu.memory_space<hbm>>
      tpu.wait_dma2 semaphore(%run_scoped3A : memref<!tpu.dma_semaphore, #tpu.memory_space<semaphore_mem>>) src(%arg7 : memref<625x128xf32, #tpu.memory_space<vmem>>) dst(%dma_wait3A_78 : memref<625x128xf32, #tpu.memory_space<hbm>>)
      tpu.yield
    }) : () -> ()
    return
  }
}

#map = affine_map<(d0, d1) -> (0, 0)>
#map1 = affine_map<(d0, d1) -> (0)>
module attributes {stable_mosaic.version = 14 : i64} {
  func.func @_agg_kernel(%arg0: i32, %arg1: i32, %arg2: memref<10000x128xf32, #tpu.memory_space<hbm>>, %arg3: memref<320000xi32, #tpu.memory_space<hbm>>, %arg4: memref<320000xi32, #tpu.memory_space<hbm>>, %arg5: memref<20000x128xf32, #tpu.memory_space<hbm>>, %arg6: memref<10000xi32, #tpu.memory_space<vmem>>, %arg7: memref<125x80xi32, #tpu.memory_space<vmem>>, %arg8: memref<3x80x128xf32, #tpu.memory_space<vmem>>, %arg9: memref<10000x128xf32, #tpu.memory_space<vmem_shared>>, %arg10: memref<!tpu.dma_semaphore, #tpu.memory_space<semaphore_mem>>, %arg11: memref<!tpu.dma_semaphore, #tpu.memory_space<semaphore_mem>>, %arg12: memref<!tpu.dma_semaphore, #tpu.memory_space<semaphore_mem>>, %arg13: memref<!tpu.dma_semaphore, #tpu.memory_space<semaphore_mem>>, %arg14: memref<!tpu.dma_semaphore, #tpu.memory_space<semaphore_mem>>, %arg15: memref<!tpu.dma_semaphore, #tpu.memory_space<semaphore_mem>>, %arg16: memref<!tpu.dma_semaphore, #tpu.memory_space<semaphore_mem>>) attributes {dimension_semantics = [#tpu.dimension_semantics<core_parallel>, #tpu.dimension_semantics<subcore_parallel>], iteration_bounds = array<i64: 2, 16>, scalar_prefetch = 0 : i64, scratch_operands = 11 : i64, tpu.core_type = #tpu.core_type<sc_vector_subcore>, window_params = [{transform_indices = #map}, {transform_indices = #map1}, {transform_indices = #map1}, {transform_indices = #map}]} {
    %mul3A = arith.constant 16 : i32
    %mul3A_0 = arith.muli %arg0, %mul3A : i32
    %add3A = arith.addi %mul3A_0, %arg1 : i32
    %broadcast_in_dim3A = arith.constant 0.000000e+00 : f32
    %broadcast_in_dim3A_1 = vector.broadcast %broadcast_in_dim3A : f32 to vector<16xf32>
    %scan3A = arith.constant 0 : i32
    %scan3A_2 = arith.constant 0 : i32
    %scan3A_3 = arith.constant 0 : i32
    %scan3A_4 = arith.constant 80 : i32
    %scan3A_5 = arith.addi %scan3A_3, %scan3A_4 : i32
    %scan3A_6 = arith.constant 1 : i32
    %scan3A_7 = scf.for %scan3A_192 = %scan3A_3 to %scan3A_5 step %scan3A_6 iter_args(%scan3A_193 = %scan3A_2) -> (i32)  : i32 {
      %swap3A = arith.constant 0 : i32
      %swap3A_194 = arith.constant 0 : i32
      %swap3A_195 = tpu.memref_slice %arg8[%scan3A, %swap3A, %swap3A_194] : memref<3x80x128xf32, #tpu.memory_space<vmem>> -> memref<1x80x128xf32, #tpu.memory_space<vmem>>
      %swap3A_196 = tpu.memref_squeeze %swap3A_195 : memref<1x80x128xf32, #tpu.memory_space<vmem>> -> memref<80x128xf32, #tpu.memory_space<vmem>>
      %swap3A_197 = arith.index_cast %scan3A_192 : i32 to index
      %swap3A_198 = arith.constant 0 : index
      %swap3A_199 = tpu.vector_load %swap3A_196[%swap3A_197, %swap3A_198] {strides = array<i32>} : memref<80x128xf32, #tpu.memory_space<vmem>>, vector<1x16xf32>,
      %swap3A_200 = vector.shape_cast %swap3A_199 : vector<1x16xf32> to vector<16xf32>
      %swap3A_201 = vector.shape_cast %broadcast_in_dim3A_1 : vector<16xf32> to vector<1x16xf32>
      tpu.vector_store %swap3A_196[%swap3A_197, %swap3A_198], %swap3A_201 {strides = array<i32>} : memref<80x128xf32, #tpu.memory_space<vmem>>, vector<1x16xf32>,
      %swap3A_202 = arith.constant 0 : i32
      %swap3A_203 = arith.constant 0 : i32
      %swap3A_204 = tpu.memref_slice %arg8[%scan3A, %swap3A_202, %swap3A_203] : memref<3x80x128xf32, #tpu.memory_space<vmem>> -> memref<1x80x128xf32, #tpu.memory_space<vmem>>
      %swap3A_205 = tpu.memref_squeeze %swap3A_204 : memref<1x80x128xf32, #tpu.memory_space<vmem>> -> memref<80x128xf32, #tpu.memory_space<vmem>>
      %swap3A_206 = arith.index_cast %scan3A_192 : i32 to index
      %swap3A_207 = arith.constant 16 : index
      %swap3A_208 = tpu.vector_load %swap3A_205[%swap3A_206, %swap3A_207] {strides = array<i32>} : memref<80x128xf32, #tpu.memory_space<vmem>>, vector<1x16xf32>,
      %swap3A_209 = vector.shape_cast %swap3A_208 : vector<1x16xf32> to vector<16xf32>
      %swap3A_210 = vector.shape_cast %broadcast_in_dim3A_1 : vector<16xf32> to vector<1x16xf32>
      tpu.vector_store %swap3A_205[%swap3A_206, %swap3A_207], %swap3A_210 {strides = array<i32>} : memref<80x128xf32, #tpu.memory_space<vmem>>, vector<1x16xf32>,
      %swap3A_211 = arith.constant 0 : i32
      %swap3A_212 = arith.constant 0 : i32
      %swap3A_213 = tpu.memref_slice %arg8[%scan3A, %swap3A_211, %swap3A_212] : memref<3x80x128xf32, #tpu.memory_space<vmem>> -> memref<1x80x128xf32, #tpu.memory_space<vmem>>
      %swap3A_214 = tpu.memref_squeeze %swap3A_213 : memref<1x80x128xf32, #tpu.memory_space<vmem>> -> memref<80x128xf32, #tpu.memory_space<vmem>>
      %swap3A_215 = arith.index_cast %scan3A_192 : i32 to index
      %swap3A_216 = arith.constant 32 : index
      %swap3A_217 = tpu.vector_load %swap3A_214[%swap3A_215, %swap3A_216] {strides = array<i32>} : memref<80x128xf32, #tpu.memory_space<vmem>>, vector<1x16xf32>,
      %swap3A_218 = vector.shape_cast %swap3A_217 : vector<1x16xf32> to vector<16xf32>
      %swap3A_219 = vector.shape_cast %broadcast_in_dim3A_1 : vector<16xf32> to vector<1x16xf32>
      tpu.vector_store %swap3A_214[%swap3A_215, %swap3A_216], %swap3A_219 {strides = array<i32>} : memref<80x128xf32, #tpu.memory_space<vmem>>, vector<1x16xf32>,
      %swap3A_220 = arith.constant 0 : i32
      %swap3A_221 = arith.constant 0 : i32
      %swap3A_222 = tpu.memref_slice %arg8[%scan3A, %swap3A_220, %swap3A_221] : memref<3x80x128xf32, #tpu.memory_space<vmem>> -> memref<1x80x128xf32, #tpu.memory_space<vmem>>
      %swap3A_223 = tpu.memref_squeeze %swap3A_222 : memref<1x80x128xf32, #tpu.memory_space<vmem>> -> memref<80x128xf32, #tpu.memory_space<vmem>>
      %swap3A_224 = arith.index_cast %scan3A_192 : i32 to index
      %swap3A_225 = arith.constant 48 : index
      %swap3A_226 = tpu.vector_load %swap3A_223[%swap3A_224, %swap3A_225] {strides = array<i32>} : memref<80x128xf32, #tpu.memory_space<vmem>>, vector<1x16xf32>,
      %swap3A_227 = vector.shape_cast %swap3A_226 : vector<1x16xf32> to vector<16xf32>
      %swap3A_228 = vector.shape_cast %broadcast_in_dim3A_1 : vector<16xf32> to vector<1x16xf32>
      tpu.vector_store %swap3A_223[%swap3A_224, %swap3A_225], %swap3A_228 {strides = array<i32>} : memref<80x128xf32, #tpu.memory_space<vmem>>, vector<1x16xf32>,
      %swap3A_229 = arith.constant 0 : i32
      %swap3A_230 = arith.constant 0 : i32
      %swap3A_231 = tpu.memref_slice %arg8[%scan3A, %swap3A_229, %swap3A_230] : memref<3x80x128xf32, #tpu.memory_space<vmem>> -> memref<1x80x128xf32, #tpu.memory_space<vmem>>
      %swap3A_232 = tpu.memref_squeeze %swap3A_231 : memref<1x80x128xf32, #tpu.memory_space<vmem>> -> memref<80x128xf32, #tpu.memory_space<vmem>>
      %swap3A_233 = arith.index_cast %scan3A_192 : i32 to index
      %swap3A_234 = arith.constant 64 : index
      %swap3A_235 = tpu.vector_load %swap3A_232[%swap3A_233, %swap3A_234] {strides = array<i32>} : memref<80x128xf32, #tpu.memory_space<vmem>>, vector<1x16xf32>,
      %swap3A_236 = vector.shape_cast %swap3A_235 : vector<1x16xf32> to vector<16xf32>
      %swap3A_237 = vector.shape_cast %broadcast_in_dim3A_1 : vector<16xf32> to vector<1x16xf32>
      tpu.vector_store %swap3A_232[%swap3A_233, %swap3A_234], %swap3A_237 {strides = array<i32>} : memref<80x128xf32, #tpu.memory_space<vmem>>, vector<1x16xf32>,
      %swap3A_238 = arith.constant 0 : i32
      %swap3A_239 = arith.constant 0 : i32
      %swap3A_240 = tpu.memref_slice %arg8[%scan3A, %swap3A_238, %swap3A_239] : memref<3x80x128xf32, #tpu.memory_space<vmem>> -> memref<1x80x128xf32, #tpu.memory_space<vmem>>
      %swap3A_241 = tpu.memref_squeeze %swap3A_240 : memref<1x80x128xf32, #tpu.memory_space<vmem>> -> memref<80x128xf32, #tpu.memory_space<vmem>>
      %swap3A_242 = arith.index_cast %scan3A_192 : i32 to index
      %swap3A_243 = arith.constant 80 : index
      %swap3A_244 = tpu.vector_load %swap3A_241[%swap3A_242, %swap3A_243] {strides = array<i32>} : memref<80x128xf32, #tpu.memory_space<vmem>>, vector<1x16xf32>,
      %swap3A_245 = vector.shape_cast %swap3A_244 : vector<1x16xf32> to vector<16xf32>
      %swap3A_246 = vector.shape_cast %broadcast_in_dim3A_1 : vector<16xf32> to vector<1x16xf32>
      tpu.vector_store %swap3A_241[%swap3A_242, %swap3A_243], %swap3A_246 {strides = array<i32>} : memref<80x128xf32, #tpu.memory_space<vmem>>, vector<1x16xf32>,
      %swap3A_247 = arith.constant 0 : i32
      %swap3A_248 = arith.constant 0 : i32
      %swap3A_249 = tpu.memref_slice %arg8[%scan3A, %swap3A_247, %swap3A_248] : memref<3x80x128xf32, #tpu.memory_space<vmem>> -> memref<1x80x128xf32, #tpu.memory_space<vmem>>
      %swap3A_250 = tpu.memref_squeeze %swap3A_249 : memref<1x80x128xf32, #tpu.memory_space<vmem>> -> memref<80x128xf32, #tpu.memory_space<vmem>>
      %swap3A_251 = arith.index_cast %scan3A_192 : i32 to index
      %swap3A_252 = arith.constant 96 : index
      %swap3A_253 = tpu.vector_load %swap3A_250[%swap3A_251, %swap3A_252] {strides = array<i32>} : memref<80x128xf32, #tpu.memory_space<vmem>>, vector<1x16xf32>,
      %swap3A_254 = vector.shape_cast %swap3A_253 : vector<1x16xf32> to vector<16xf32>
      %swap3A_255 = vector.shape_cast %broadcast_in_dim3A_1 : vector<16xf32> to vector<1x16xf32>
      tpu.vector_store %swap3A_250[%swap3A_251, %swap3A_252], %swap3A_255 {strides = array<i32>} : memref<80x128xf32, #tpu.memory_space<vmem>>, vector<1x16xf32>,
      %swap3A_256 = arith.constant 0 : i32
      %swap3A_257 = arith.constant 0 : i32
      %swap3A_258 = tpu.memref_slice %arg8[%scan3A, %swap3A_256, %swap3A_257] : memref<3x80x128xf32, #tpu.memory_space<vmem>> -> memref<1x80x128xf32, #tpu.memory_space<vmem>>
      %swap3A_259 = tpu.memref_squeeze %swap3A_258 : memref<1x80x128xf32, #tpu.memory_space<vmem>> -> memref<80x128xf32, #tpu.memory_space<vmem>>
      %swap3A_260 = arith.index_cast %scan3A_192 : i32 to index
      %swap3A_261 = arith.constant 112 : index
      %swap3A_262 = tpu.vector_load %swap3A_259[%swap3A_260, %swap3A_261] {strides = array<i32>} : memref<80x128xf32, #tpu.memory_space<vmem>>, vector<1x16xf32>,
      %swap3A_263 = vector.shape_cast %swap3A_262 : vector<1x16xf32> to vector<16xf32>
      %swap3A_264 = vector.shape_cast %broadcast_in_dim3A_1 : vector<16xf32> to vector<1x16xf32>
      tpu.vector_store %swap3A_259[%swap3A_260, %swap3A_261], %swap3A_264 {strides = array<i32>} : memref<80x128xf32, #tpu.memory_space<vmem>>, vector<1x16xf32>,
      %scan3A_265 = arith.constant 0 : i32
      scf.yield %scan3A_265 : i32
    }
    %scan3A_8 = arith.constant 80 : i32
    %mul3A_9 = arith.constant 625 : i32
    %mul3A_10 = arith.muli %arg1, %mul3A_9 : i32
    %add3A_11 = arith.constant 0 : i32
    %add3A_12 = arith.addi %mul3A_10, %add3A_11 : i32
    %run_scoped3A = arith.constant 0 : i32
    "tpu.region"() ({
      %run_scoped3A_192 = tpu.sem_alloc : memref<!tpu.dma_semaphore, #tpu.memory_space<semaphore_mem>>
      %dma_start3A_193 = arith.constant 0 : i32
      %dma_start3A_194 = arith.constant 0 : i32
      %dma_start3A_195 = tpu.memref_slice %arg8[%run_scoped3A, %dma_start3A_193, %dma_start3A_194] : memref<3x80x128xf32, #tpu.memory_space<vmem>> -> memref<1x80x128xf32, #tpu.memory_space<vmem>>
      %dma_start3A_196 = tpu.memref_squeeze %dma_start3A_195 : memref<1x80x128xf32, #tpu.memory_space<vmem>> -> memref<80x128xf32, #tpu.memory_space<vmem>>
      %dma_start3A_197 = arith.constant 0 : i32
      %dma_start3A_198 = tpu.memref_slice %arg9[%add3A_12, %dma_start3A_197] : memref<10000x128xf32, #tpu.memory_space<vmem_shared>> -> memref<80x128xf32, #tpu.memory_space<vmem_shared>>
      %dma_start3A_199 = arith.constant 0 : i32
      %dma_start3A_200 = tpu.memref_slice %arg9[%add3A_12, %dma_start3A_199] : memref<10000x128xf32, #tpu.memory_space<vmem_shared>> -> memref<80x128xf32, #tpu.memory_space<vmem_shared>>
      %dma_start3A_201 = arith.constant 0 : i32
      %dma_start3A_202 = arith.constant 0 : i32
      %dma_start3A_203 = tpu.memref_slice %arg8[%run_scoped3A, %dma_start3A_201, %dma_start3A_202] : memref<3x80x128xf32, #tpu.memory_space<vmem>> -> memref<1x80x128xf32, #tpu.memory_space<vmem>>
      %dma_start3A_204 = tpu.memref_squeeze %dma_start3A_203 : memref<1x80x128xf32, #tpu.memory_space<vmem>> -> memref<80x128xf32, #tpu.memory_space<vmem>>
      tpu.enqueue_dma source(%dma_start3A_204 : memref<80x128xf32, #tpu.memory_space<vmem>>) target(%dma_start3A_200 : memref<80x128xf32, #tpu.memory_space<vmem_shared>>) target_semaphore(%run_scoped3A_192 : memref<!tpu.dma_semaphore, #tpu.memory_space<semaphore_mem>>)
      %dma_wait3A_205 = arith.constant 0 : i32
      %dma_wait3A_206 = arith.constant 0 : i32
      %dma_wait3A_207 = tpu.memref_slice %arg8[%run_scoped3A, %dma_wait3A_205, %dma_wait3A_206] : memref<3x80x128xf32, #tpu.memory_space<vmem>> -> memref<1x80x128xf32, #tpu.memory_space<vmem>>
      %dma_wait3A_208 = tpu.memref_squeeze %dma_wait3A_207 : memref<1x80x128xf32, #tpu.memory_space<vmem>> -> memref<80x128xf32, #tpu.memory_space<vmem>>
      %dma_wait3A_209 = arith.constant 0 : i32
      %dma_wait3A_210 = tpu.memref_slice %arg9[%add3A_12, %dma_wait3A_209] : memref<10000x128xf32, #tpu.memory_space<vmem_shared>> -> memref<80x128xf32, #tpu.memory_space<vmem_shared>>
      %dma_wait3A_211 = arith.constant 0 : i32
      %dma_wait3A_212 = tpu.memref_slice %arg9[%add3A_12, %dma_wait3A_211] : memref<10000x128xf32, #tpu.memory_space<vmem_shared>> -> memref<80x128xf32, #tpu.memory_space<vmem_shared>>
      %dma_wait3A_213 = arith.constant 0 : i32
      %dma_wait3A_214 = arith.constant 0 : i32
      %dma_wait3A_215 = tpu.memref_slice %arg8[%run_scoped3A, %dma_wait3A_213, %dma_wait3A_214] : memref<3x80x128xf32, #tpu.memory_space<vmem>> -> memref<1x80x128xf32, #tpu.memory_space<vmem>>
      %dma_wait3A_216 = tpu.memref_squeeze %dma_wait3A_215 : memref<1x80x128xf32, #tpu.memory_space<vmem>> -> memref<80x128xf32, #tpu.memory_space<vmem>>
      tpu.wait_dma2 semaphore(%run_scoped3A_192 : memref<!tpu.dma_semaphore, #tpu.memory_space<semaphore_mem>>) src(%dma_wait3A_216 : memref<80x128xf32, #tpu.memory_space<vmem>>) dst(%dma_wait3A_212 : memref<80x128xf32, #tpu.memory_space<vmem_shared>>)
      tpu.yield
    }) : () -> ()
    %mul3A_13 = arith.constant 625 : i32
    %mul3A_14 = arith.muli %arg1, %mul3A_13 : i32
    %add3A_15 = arith.constant 80 : i32
    %add3A_16 = arith.addi %mul3A_14, %add3A_15 : i32
    %run_scoped3A_17 = arith.constant 0 : i32
    "tpu.region"() ({
      %run_scoped3A_192 = tpu.sem_alloc : memref<!tpu.dma_semaphore, #tpu.memory_space<semaphore_mem>>
      %dma_start3A_193 = arith.constant 0 : i32
      %dma_start3A_194 = arith.constant 0 : i32
      %dma_start3A_195 = tpu.memref_slice %arg8[%run_scoped3A_17, %dma_start3A_193, %dma_start3A_194] : memref<3x80x128xf32, #tpu.memory_space<vmem>> -> memref<1x80x128xf32, #tpu.memory_space<vmem>>
      %dma_start3A_196 = tpu.memref_squeeze %dma_start3A_195 : memref<1x80x128xf32, #tpu.memory_space<vmem>> -> memref<80x128xf32, #tpu.memory_space<vmem>>
      %dma_start3A_197 = arith.constant 0 : i32
      %dma_start3A_198 = tpu.memref_slice %arg9[%add3A_16, %dma_start3A_197] : memref<10000x128xf32, #tpu.memory_space<vmem_shared>> -> memref<80x128xf32, #tpu.memory_space<vmem_shared>>
      %dma_start3A_199 = arith.constant 0 : i32
      %dma_start3A_200 = tpu.memref_slice %arg9[%add3A_16, %dma_start3A_199] : memref<10000x128xf32, #tpu.memory_space<vmem_shared>> -> memref<80x128xf32, #tpu.memory_space<vmem_shared>>
      %dma_start3A_201 = arith.constant 0 : i32
      %dma_start3A_202 = arith.constant 0 : i32
      %dma_start3A_203 = tpu.memref_slice %arg8[%run_scoped3A_17, %dma_start3A_201, %dma_start3A_202] : memref<3x80x128xf32, #tpu.memory_space<vmem>> -> memref<1x80x128xf32, #tpu.memory_space<vmem>>
      %dma_start3A_204 = tpu.memref_squeeze %dma_start3A_203 : memref<1x80x128xf32, #tpu.memory_space<vmem>> -> memref<80x128xf32, #tpu.memory_space<vmem>>
      tpu.enqueue_dma source(%dma_start3A_204 : memref<80x128xf32, #tpu.memory_space<vmem>>) target(%dma_start3A_200 : memref<80x128xf32, #tpu.memory_space<vmem_shared>>) target_semaphore(%run_scoped3A_192 : memref<!tpu.dma_semaphore, #tpu.memory_space<semaphore_mem>>)
      %dma_wait3A_205 = arith.constant 0 : i32
      %dma_wait3A_206 = arith.constant 0 : i32
      %dma_wait3A_207 = tpu.memref_slice %arg8[%run_scoped3A_17, %dma_wait3A_205, %dma_wait3A_206] : memref<3x80x128xf32, #tpu.memory_space<vmem>> -> memref<1x80x128xf32, #tpu.memory_space<vmem>>
      %dma_wait3A_208 = tpu.memref_squeeze %dma_wait3A_207 : memref<1x80x128xf32, #tpu.memory_space<vmem>> -> memref<80x128xf32, #tpu.memory_space<vmem>>
      %dma_wait3A_209 = arith.constant 0 : i32
      %dma_wait3A_210 = tpu.memref_slice %arg9[%add3A_16, %dma_wait3A_209] : memref<10000x128xf32, #tpu.memory_space<vmem_shared>> -> memref<80x128xf32, #tpu.memory_space<vmem_shared>>
      %dma_wait3A_211 = arith.constant 0 : i32
      %dma_wait3A_212 = tpu.memref_slice %arg9[%add3A_16, %dma_wait3A_211] : memref<10000x128xf32, #tpu.memory_space<vmem_shared>> -> memref<80x128xf32, #tpu.memory_space<vmem_shared>>
      %dma_wait3A_213 = arith.constant 0 : i32
      %dma_wait3A_214 = arith.constant 0 : i32
      %dma_wait3A_215 = tpu.memref_slice %arg8[%run_scoped3A_17, %dma_wait3A_213, %dma_wait3A_214] : memref<3x80x128xf32, #tpu.memory_space<vmem>> -> memref<1x80x128xf32, #tpu.memory_space<vmem>>
      %dma_wait3A_216 = tpu.memref_squeeze %dma_wait3A_215 : memref<1x80x128xf32, #tpu.memory_space<vmem>> -> memref<80x128xf32, #tpu.memory_space<vmem>>
      tpu.wait_dma2 semaphore(%run_scoped3A_192 : memref<!tpu.dma_semaphore, #tpu.memory_space<semaphore_mem>>) src(%dma_wait3A_216 : memref<80x128xf32, #tpu.memory_space<vmem>>) dst(%dma_wait3A_212 : memref<80x128xf32, #tpu.memory_space<vmem_shared>>)
      tpu.yield
    }) : () -> ()
    %mul3A_18 = arith.constant 625 : i32
    %mul3A_19 = arith.muli %arg1, %mul3A_18 : i32
    %add3A_20 = arith.constant 160 : i32
    %add3A_21 = arith.addi %mul3A_19, %add3A_20 : i32
    %run_scoped3A_22 = arith.constant 0 : i32
    "tpu.region"() ({
      %run_scoped3A_192 = tpu.sem_alloc : memref<!tpu.dma_semaphore, #tpu.memory_space<semaphore_mem>>
      %dma_start3A_193 = arith.constant 0 : i32
      %dma_start3A_194 = arith.constant 0 : i32
      %dma_start3A_195 = tpu.memref_slice %arg8[%run_scoped3A_22, %dma_start3A_193, %dma_start3A_194] : memref<3x80x128xf32, #tpu.memory_space<vmem>> -> memref<1x80x128xf32, #tpu.memory_space<vmem>>
      %dma_start3A_196 = tpu.memref_squeeze %dma_start3A_195 : memref<1x80x128xf32, #tpu.memory_space<vmem>> -> memref<80x128xf32, #tpu.memory_space<vmem>>
      %dma_start3A_197 = arith.constant 0 : i32
      %dma_start3A_198 = tpu.memref_slice %arg9[%add3A_21, %dma_start3A_197] : memref<10000x128xf32, #tpu.memory_space<vmem_shared>> -> memref<80x128xf32, #tpu.memory_space<vmem_shared>>
      %dma_start3A_199 = arith.constant 0 : i32
      %dma_start3A_200 = tpu.memref_slice %arg9[%add3A_21, %dma_start3A_199] : memref<10000x128xf32, #tpu.memory_space<vmem_shared>> -> memref<80x128xf32, #tpu.memory_space<vmem_shared>>
      %dma_start3A_201 = arith.constant 0 : i32
      %dma_start3A_202 = arith.constant 0 : i32
      %dma_start3A_203 = tpu.memref_slice %arg8[%run_scoped3A_22, %dma_start3A_201, %dma_start3A_202] : memref<3x80x128xf32, #tpu.memory_space<vmem>> -> memref<1x80x128xf32, #tpu.memory_space<vmem>>
      %dma_start3A_204 = tpu.memref_squeeze %dma_start3A_203 : memref<1x80x128xf32, #tpu.memory_space<vmem>> -> memref<80x128xf32, #tpu.memory_space<vmem>>
      tpu.enqueue_dma source(%dma_start3A_204 : memref<80x128xf32, #tpu.memory_space<vmem>>) target(%dma_start3A_200 : memref<80x128xf32, #tpu.memory_space<vmem_shared>>) target_semaphore(%run_scoped3A_192 : memref<!tpu.dma_semaphore, #tpu.memory_space<semaphore_mem>>)
      %dma_wait3A_205 = arith.constant 0 : i32
      %dma_wait3A_206 = arith.constant 0 : i32
      %dma_wait3A_207 = tpu.memref_slice %arg8[%run_scoped3A_22, %dma_wait3A_205, %dma_wait3A_206] : memref<3x80x128xf32, #tpu.memory_space<vmem>> -> memref<1x80x128xf32, #tpu.memory_space<vmem>>
      %dma_wait3A_208 = tpu.memref_squeeze %dma_wait3A_207 : memref<1x80x128xf32, #tpu.memory_space<vmem>> -> memref<80x128xf32, #tpu.memory_space<vmem>>
      %dma_wait3A_209 = arith.constant 0 : i32
      %dma_wait3A_210 = tpu.memref_slice %arg9[%add3A_21, %dma_wait3A_209] : memref<10000x128xf32, #tpu.memory_space<vmem_shared>> -> memref<80x128xf32, #tpu.memory_space<vmem_shared>>
      %dma_wait3A_211 = arith.constant 0 : i32
      %dma_wait3A_212 = tpu.memref_slice %arg9[%add3A_21, %dma_wait3A_211] : memref<10000x128xf32, #tpu.memory_space<vmem_shared>> -> memref<80x128xf32, #tpu.memory_space<vmem_shared>>
      %dma_wait3A_213 = arith.constant 0 : i32
      %dma_wait3A_214 = arith.constant 0 : i32
      %dma_wait3A_215 = tpu.memref_slice %arg8[%run_scoped3A_22, %dma_wait3A_213, %dma_wait3A_214] : memref<3x80x128xf32, #tpu.memory_space<vmem>> -> memref<1x80x128xf32, #tpu.memory_space<vmem>>
      %dma_wait3A_216 = tpu.memref_squeeze %dma_wait3A_215 : memref<1x80x128xf32, #tpu.memory_space<vmem>> -> memref<80x128xf32, #tpu.memory_space<vmem>>
      tpu.wait_dma2 semaphore(%run_scoped3A_192 : memref<!tpu.dma_semaphore, #tpu.memory_space<semaphore_mem>>) src(%dma_wait3A_216 : memref<80x128xf32, #tpu.memory_space<vmem>>) dst(%dma_wait3A_212 : memref<80x128xf32, #tpu.memory_space<vmem_shared>>)
      tpu.yield
    }) : () -> ()
    %mul3A_23 = arith.constant 625 : i32
    %mul3A_24 = arith.muli %arg1, %mul3A_23 : i32
    %add3A_25 = arith.constant 240 : i32
    %add3A_26 = arith.addi %mul3A_24, %add3A_25 : i32
    %run_scoped3A_27 = arith.constant 0 : i32
    "tpu.region"() ({
      %run_scoped3A_192 = tpu.sem_alloc : memref<!tpu.dma_semaphore, #tpu.memory_space<semaphore_mem>>
      %dma_start3A_193 = arith.constant 0 : i32
      %dma_start3A_194 = arith.constant 0 : i32
      %dma_start3A_195 = tpu.memref_slice %arg8[%run_scoped3A_27, %dma_start3A_193, %dma_start3A_194] : memref<3x80x128xf32, #tpu.memory_space<vmem>> -> memref<1x80x128xf32, #tpu.memory_space<vmem>>
      %dma_start3A_196 = tpu.memref_squeeze %dma_start3A_195 : memref<1x80x128xf32, #tpu.memory_space<vmem>> -> memref<80x128xf32, #tpu.memory_space<vmem>>
      %dma_start3A_197 = arith.constant 0 : i32
      %dma_start3A_198 = tpu.memref_slice %arg9[%add3A_26, %dma_start3A_197] : memref<10000x128xf32, #tpu.memory_space<vmem_shared>> -> memref<80x128xf32, #tpu.memory_space<vmem_shared>>
      %dma_start3A_199 = arith.constant 0 : i32
      %dma_start3A_200 = tpu.memref_slice %arg9[%add3A_26, %dma_start3A_199] : memref<10000x128xf32, #tpu.memory_space<vmem_shared>> -> memref<80x128xf32, #tpu.memory_space<vmem_shared>>
      %dma_start3A_201 = arith.constant 0 : i32
      %dma_start3A_202 = arith.constant 0 : i32
      %dma_start3A_203 = tpu.memref_slice %arg8[%run_scoped3A_27, %dma_start3A_201, %dma_start3A_202] : memref<3x80x128xf32, #tpu.memory_space<vmem>> -> memref<1x80x128xf32, #tpu.memory_space<vmem>>
      %dma_start3A_204 = tpu.memref_squeeze %dma_start3A_203 : memref<1x80x128xf32, #tpu.memory_space<vmem>> -> memref<80x128xf32, #tpu.memory_space<vmem>>
      tpu.enqueue_dma source(%dma_start3A_204 : memref<80x128xf32, #tpu.memory_space<vmem>>) target(%dma_start3A_200 : memref<80x128xf32, #tpu.memory_space<vmem_shared>>) target_semaphore(%run_scoped3A_192 : memref<!tpu.dma_semaphore, #tpu.memory_space<semaphore_mem>>)
      %dma_wait3A_205 = arith.constant 0 : i32
      %dma_wait3A_206 = arith.constant 0 : i32
      %dma_wait3A_207 = tpu.memref_slice %arg8[%run_scoped3A_27, %dma_wait3A_205, %dma_wait3A_206] : memref<3x80x128xf32, #tpu.memory_space<vmem>> -> memref<1x80x128xf32, #tpu.memory_space<vmem>>
      %dma_wait3A_208 = tpu.memref_squeeze %dma_wait3A_207 : memref<1x80x128xf32, #tpu.memory_space<vmem>> -> memref<80x128xf32, #tpu.memory_space<vmem>>
      %dma_wait3A_209 = arith.constant 0 : i32
      %dma_wait3A_210 = tpu.memref_slice %arg9[%add3A_26, %dma_wait3A_209] : memref<10000x128xf32, #tpu.memory_space<vmem_shared>> -> memref<80x128xf32, #tpu.memory_space<vmem_shared>>
      %dma_wait3A_211 = arith.constant 0 : i32
      %dma_wait3A_212 = tpu.memref_slice %arg9[%add3A_26, %dma_wait3A_211] : memref<10000x128xf32, #tpu.memory_space<vmem_shared>> -> memref<80x128xf32, #tpu.memory_space<vmem_shared>>
      %dma_wait3A_213 = arith.constant 0 : i32
      %dma_wait3A_214 = arith.constant 0 : i32
      %dma_wait3A_215 = tpu.memref_slice %arg8[%run_scoped3A_27, %dma_wait3A_213, %dma_wait3A_214] : memref<3x80x128xf32, #tpu.memory_space<vmem>> -> memref<1x80x128xf32, #tpu.memory_space<vmem>>
      %dma_wait3A_216 = tpu.memref_squeeze %dma_wait3A_215 : memref<1x80x128xf32, #tpu.memory_space<vmem>> -> memref<80x128xf32, #tpu.memory_space<vmem>>
      tpu.wait_dma2 semaphore(%run_scoped3A_192 : memref<!tpu.dma_semaphore, #tpu.memory_space<semaphore_mem>>) src(%dma_wait3A_216 : memref<80x128xf32, #tpu.memory_space<vmem>>) dst(%dma_wait3A_212 : memref<80x128xf32, #tpu.memory_space<vmem_shared>>)
      tpu.yield
    }) : () -> ()
    %mul3A_28 = arith.constant 625 : i32
    %mul3A_29 = arith.muli %arg1, %mul3A_28 : i32
    %add3A_30 = arith.constant 320 : i32
    %add3A_31 = arith.addi %mul3A_29, %add3A_30 : i32
    %run_scoped3A_32 = arith.constant 0 : i32
    "tpu.region"() ({
      %run_scoped3A_192 = tpu.sem_alloc : memref<!tpu.dma_semaphore, #tpu.memory_space<semaphore_mem>>
      %dma_start3A_193 = arith.constant 0 : i32
      %dma_start3A_194 = arith.constant 0 : i32
      %dma_start3A_195 = tpu.memref_slice %arg8[%run_scoped3A_32, %dma_start3A_193, %dma_start3A_194] : memref<3x80x128xf32, #tpu.memory_space<vmem>> -> memref<1x80x128xf32, #tpu.memory_space<vmem>>
      %dma_start3A_196 = tpu.memref_squeeze %dma_start3A_195 : memref<1x80x128xf32, #tpu.memory_space<vmem>> -> memref<80x128xf32, #tpu.memory_space<vmem>>
      %dma_start3A_197 = arith.constant 0 : i32
      %dma_start3A_198 = tpu.memref_slice %arg9[%add3A_31, %dma_start3A_197] : memref<10000x128xf32, #tpu.memory_space<vmem_shared>> -> memref<80x128xf32, #tpu.memory_space<vmem_shared>>
      %dma_start3A_199 = arith.constant 0 : i32
      %dma_start3A_200 = tpu.memref_slice %arg9[%add3A_31, %dma_start3A_199] : memref<10000x128xf32, #tpu.memory_space<vmem_shared>> -> memref<80x128xf32, #tpu.memory_space<vmem_shared>>
      %dma_start3A_201 = arith.constant 0 : i32
      %dma_start3A_202 = arith.constant 0 : i32
      %dma_start3A_203 = tpu.memref_slice %arg8[%run_scoped3A_32, %dma_start3A_201, %dma_start3A_202] : memref<3x80x128xf32, #tpu.memory_space<vmem>> -> memref<1x80x128xf32, #tpu.memory_space<vmem>>
      %dma_start3A_204 = tpu.memref_squeeze %dma_start3A_203 : memref<1x80x128xf32, #tpu.memory_space<vmem>> -> memref<80x128xf32, #tpu.memory_space<vmem>>
      tpu.enqueue_dma source(%dma_start3A_204 : memref<80x128xf32, #tpu.memory_space<vmem>>) target(%dma_start3A_200 : memref<80x128xf32, #tpu.memory_space<vmem_shared>>) target_semaphore(%run_scoped3A_192 : memref<!tpu.dma_semaphore, #tpu.memory_space<semaphore_mem>>)
      %dma_wait3A_205 = arith.constant 0 : i32
      %dma_wait3A_206 = arith.constant 0 : i32
      %dma_wait3A_207 = tpu.memref_slice %arg8[%run_scoped3A_32, %dma_wait3A_205, %dma_wait3A_206] : memref<3x80x128xf32, #tpu.memory_space<vmem>> -> memref<1x80x128xf32, #tpu.memory_space<vmem>>
      %dma_wait3A_208 = tpu.memref_squeeze %dma_wait3A_207 : memref<1x80x128xf32, #tpu.memory_space<vmem>> -> memref<80x128xf32, #tpu.memory_space<vmem>>
      %dma_wait3A_209 = arith.constant 0 : i32
      %dma_wait3A_210 = tpu.memref_slice %arg9[%add3A_31, %dma_wait3A_209] : memref<10000x128xf32, #tpu.memory_space<vmem_shared>> -> memref<80x128xf32, #tpu.memory_space<vmem_shared>>
      %dma_wait3A_211 = arith.constant 0 : i32
      %dma_wait3A_212 = tpu.memref_slice %arg9[%add3A_31, %dma_wait3A_211] : memref<10000x128xf32, #tpu.memory_space<vmem_shared>> -> memref<80x128xf32, #tpu.memory_space<vmem_shared>>
      %dma_wait3A_213 = arith.constant 0 : i32
      %dma_wait3A_214 = arith.constant 0 : i32
      %dma_wait3A_215 = tpu.memref_slice %arg8[%run_scoped3A_32, %dma_wait3A_213, %dma_wait3A_214] : memref<3x80x128xf32, #tpu.memory_space<vmem>> -> memref<1x80x128xf32, #tpu.memory_space<vmem>>
      %dma_wait3A_216 = tpu.memref_squeeze %dma_wait3A_215 : memref<1x80x128xf32, #tpu.memory_space<vmem>> -> memref<80x128xf32, #tpu.memory_space<vmem>>
      tpu.wait_dma2 semaphore(%run_scoped3A_192 : memref<!tpu.dma_semaphore, #tpu.memory_space<semaphore_mem>>) src(%dma_wait3A_216 : memref<80x128xf32, #tpu.memory_space<vmem>>) dst(%dma_wait3A_212 : memref<80x128xf32, #tpu.memory_space<vmem_shared>>)
      tpu.yield
    }) : () -> ()
    %mul3A_33 = arith.constant 625 : i32
    %mul3A_34 = arith.muli %arg1, %mul3A_33 : i32
    %add3A_35 = arith.constant 400 : i32
    %add3A_36 = arith.addi %mul3A_34, %add3A_35 : i32
    %run_scoped3A_37 = arith.constant 0 : i32
    "tpu.region"() ({
      %run_scoped3A_192 = tpu.sem_alloc : memref<!tpu.dma_semaphore, #tpu.memory_space<semaphore_mem>>
      %dma_start3A_193 = arith.constant 0 : i32
      %dma_start3A_194 = arith.constant 0 : i32
      %dma_start3A_195 = tpu.memref_slice %arg8[%run_scoped3A_37, %dma_start3A_193, %dma_start3A_194] : memref<3x80x128xf32, #tpu.memory_space<vmem>> -> memref<1x80x128xf32, #tpu.memory_space<vmem>>
      %dma_start3A_196 = tpu.memref_squeeze %dma_start3A_195 : memref<1x80x128xf32, #tpu.memory_space<vmem>> -> memref<80x128xf32, #tpu.memory_space<vmem>>
      %dma_start3A_197 = arith.constant 0 : i32
      %dma_start3A_198 = tpu.memref_slice %arg9[%add3A_36, %dma_start3A_197] : memref<10000x128xf32, #tpu.memory_space<vmem_shared>> -> memref<80x128xf32, #tpu.memory_space<vmem_shared>>
      %dma_start3A_199 = arith.constant 0 : i32
      %dma_start3A_200 = tpu.memref_slice %arg9[%add3A_36, %dma_start3A_199] : memref<10000x128xf32, #tpu.memory_space<vmem_shared>> -> memref<80x128xf32, #tpu.memory_space<vmem_shared>>
      %dma_start3A_201 = arith.constant 0 : i32
      %dma_start3A_202 = arith.constant 0 : i32
      %dma_start3A_203 = tpu.memref_slice %arg8[%run_scoped3A_37, %dma_start3A_201, %dma_start3A_202] : memref<3x80x128xf32, #tpu.memory_space<vmem>> -> memref<1x80x128xf32, #tpu.memory_space<vmem>>
      %dma_start3A_204 = tpu.memref_squeeze %dma_start3A_203 : memref<1x80x128xf32, #tpu.memory_space<vmem>> -> memref<80x128xf32, #tpu.memory_space<vmem>>
      tpu.enqueue_dma source(%dma_start3A_204 : memref<80x128xf32, #tpu.memory_space<vmem>>) target(%dma_start3A_200 : memref<80x128xf32, #tpu.memory_space<vmem_shared>>) target_semaphore(%run_scoped3A_192 : memref<!tpu.dma_semaphore, #tpu.memory_space<semaphore_mem>>)
      %dma_wait3A_205 = arith.constant 0 : i32
      %dma_wait3A_206 = arith.constant 0 : i32
      %dma_wait3A_207 = tpu.memref_slice %arg8[%run_scoped3A_37, %dma_wait3A_205, %dma_wait3A_206] : memref<3x80x128xf32, #tpu.memory_space<vmem>> -> memref<1x80x128xf32, #tpu.memory_space<vmem>>
      %dma_wait3A_208 = tpu.memref_squeeze %dma_wait3A_207 : memref<1x80x128xf32, #tpu.memory_space<vmem>> -> memref<80x128xf32, #tpu.memory_space<vmem>>
      %dma_wait3A_209 = arith.constant 0 : i32
      %dma_wait3A_210 = tpu.memref_slice %arg9[%add3A_36, %dma_wait3A_209] : memref<10000x128xf32, #tpu.memory_space<vmem_shared>> -> memref<80x128xf32, #tpu.memory_space<vmem_shared>>
      %dma_wait3A_211 = arith.constant 0 : i32
      %dma_wait3A_212 = tpu.memref_slice %arg9[%add3A_36, %dma_wait3A_211] : memref<10000x128xf32, #tpu.memory_space<vmem_shared>> -> memref<80x128xf32, #tpu.memory_space<vmem_shared>>
      %dma_wait3A_213 = arith.constant 0 : i32
      %dma_wait3A_214 = arith.constant 0 : i32
      %dma_wait3A_215 = tpu.memref_slice %arg8[%run_scoped3A_37, %dma_wait3A_213, %dma_wait3A_214] : memref<3x80x128xf32, #tpu.memory_space<vmem>> -> memref<1x80x128xf32, #tpu.memory_space<vmem>>
      %dma_wait3A_216 = tpu.memref_squeeze %dma_wait3A_215 : memref<1x80x128xf32, #tpu.memory_space<vmem>> -> memref<80x128xf32, #tpu.memory_space<vmem>>
      tpu.wait_dma2 semaphore(%run_scoped3A_192 : memref<!tpu.dma_semaphore, #tpu.memory_space<semaphore_mem>>) src(%dma_wait3A_216 : memref<80x128xf32, #tpu.memory_space<vmem>>) dst(%dma_wait3A_212 : memref<80x128xf32, #tpu.memory_space<vmem_shared>>)
      tpu.yield
    }) : () -> ()
    %mul3A_38 = arith.constant 625 : i32
    %mul3A_39 = arith.muli %arg1, %mul3A_38 : i32
    %add3A_40 = arith.constant 480 : i32
    %add3A_41 = arith.addi %mul3A_39, %add3A_40 : i32
    %run_scoped3A_42 = arith.constant 0 : i32
    "tpu.region"() ({
      %run_scoped3A_192 = tpu.sem_alloc : memref<!tpu.dma_semaphore, #tpu.memory_space<semaphore_mem>>
      %dma_start3A_193 = arith.constant 0 : i32
      %dma_start3A_194 = arith.constant 0 : i32
      %dma_start3A_195 = tpu.memref_slice %arg8[%run_scoped3A_42, %dma_start3A_193, %dma_start3A_194] : memref<3x80x128xf32, #tpu.memory_space<vmem>> -> memref<1x80x128xf32, #tpu.memory_space<vmem>>
      %dma_start3A_196 = tpu.memref_squeeze %dma_start3A_195 : memref<1x80x128xf32, #tpu.memory_space<vmem>> -> memref<80x128xf32, #tpu.memory_space<vmem>>
      %dma_start3A_197 = arith.constant 0 : i32
      %dma_start3A_198 = tpu.memref_slice %arg9[%add3A_41, %dma_start3A_197] : memref<10000x128xf32, #tpu.memory_space<vmem_shared>> -> memref<80x128xf32, #tpu.memory_space<vmem_shared>>
      %dma_start3A_199 = arith.constant 0 : i32
      %dma_start3A_200 = tpu.memref_slice %arg9[%add3A_41, %dma_start3A_199] : memref<10000x128xf32, #tpu.memory_space<vmem_shared>> -> memref<80x128xf32, #tpu.memory_space<vmem_shared>>
      %dma_start3A_201 = arith.constant 0 : i32
      %dma_start3A_202 = arith.constant 0 : i32
      %dma_start3A_203 = tpu.memref_slice %arg8[%run_scoped3A_42, %dma_start3A_201, %dma_start3A_202] : memref<3x80x128xf32, #tpu.memory_space<vmem>> -> memref<1x80x128xf32, #tpu.memory_space<vmem>>
      %dma_start3A_204 = tpu.memref_squeeze %dma_start3A_203 : memref<1x80x128xf32, #tpu.memory_space<vmem>> -> memref<80x128xf32, #tpu.memory_space<vmem>>
      tpu.enqueue_dma source(%dma_start3A_204 : memref<80x128xf32, #tpu.memory_space<vmem>>) target(%dma_start3A_200 : memref<80x128xf32, #tpu.memory_space<vmem_shared>>) target_semaphore(%run_scoped3A_192 : memref<!tpu.dma_semaphore, #tpu.memory_space<semaphore_mem>>)
      %dma_wait3A_205 = arith.constant 0 : i32
      %dma_wait3A_206 = arith.constant 0 : i32
      %dma_wait3A_207 = tpu.memref_slice %arg8[%run_scoped3A_42, %dma_wait3A_205, %dma_wait3A_206] : memref<3x80x128xf32, #tpu.memory_space<vmem>> -> memref<1x80x128xf32, #tpu.memory_space<vmem>>
      %dma_wait3A_208 = tpu.memref_squeeze %dma_wait3A_207 : memref<1x80x128xf32, #tpu.memory_space<vmem>> -> memref<80x128xf32, #tpu.memory_space<vmem>>
      %dma_wait3A_209 = arith.constant 0 : i32
      %dma_wait3A_210 = tpu.memref_slice %arg9[%add3A_41, %dma_wait3A_209] : memref<10000x128xf32, #tpu.memory_space<vmem_shared>> -> memref<80x128xf32, #tpu.memory_space<vmem_shared>>
      %dma_wait3A_211 = arith.constant 0 : i32
      %dma_wait3A_212 = tpu.memref_slice %arg9[%add3A_41, %dma_wait3A_211] : memref<10000x128xf32, #tpu.memory_space<vmem_shared>> -> memref<80x128xf32, #tpu.memory_space<vmem_shared>>
      %dma_wait3A_213 = arith.constant 0 : i32
      %dma_wait3A_214 = arith.constant 0 : i32
      %dma_wait3A_215 = tpu.memref_slice %arg8[%run_scoped3A_42, %dma_wait3A_213, %dma_wait3A_214] : memref<3x80x128xf32, #tpu.memory_space<vmem>> -> memref<1x80x128xf32, #tpu.memory_space<vmem>>
      %dma_wait3A_216 = tpu.memref_squeeze %dma_wait3A_215 : memref<1x80x128xf32, #tpu.memory_space<vmem>> -> memref<80x128xf32, #tpu.memory_space<vmem>>
      tpu.wait_dma2 semaphore(%run_scoped3A_192 : memref<!tpu.dma_semaphore, #tpu.memory_space<semaphore_mem>>) src(%dma_wait3A_216 : memref<80x128xf32, #tpu.memory_space<vmem>>) dst(%dma_wait3A_212 : memref<80x128xf32, #tpu.memory_space<vmem_shared>>)
      tpu.yield
    }) : () -> ()
    %mul3A_43 = arith.constant 625 : i32
    %mul3A_44 = arith.muli %arg1, %mul3A_43 : i32
    %add3A_45 = arith.constant 625 : i32
    %add3A_46 = arith.addi %mul3A_44, %add3A_45 : i32
    %sub3A = arith.constant 80 : i32
    %sub3A_47 = arith.subi %add3A_46, %sub3A : i32
    %run_scoped3A_48 = arith.constant 0 : i32
    "tpu.region"() ({
      %run_scoped3A_192 = tpu.sem_alloc : memref<!tpu.dma_semaphore, #tpu.memory_space<semaphore_mem>>
      %dma_start3A_193 = arith.constant 0 : i32
      %dma_start3A_194 = arith.constant 0 : i32
      %dma_start3A_195 = tpu.memref_slice %arg8[%run_scoped3A_48, %dma_start3A_193, %dma_start3A_194] : memref<3x80x128xf32, #tpu.memory_space<vmem>> -> memref<1x80x128xf32, #tpu.memory_space<vmem>>
      %dma_start3A_196 = tpu.memref_squeeze %dma_start3A_195 : memref<1x80x128xf32, #tpu.memory_space<vmem>> -> memref<80x128xf32, #tpu.memory_space<vmem>>
      %dma_start3A_197 = arith.constant 0 : i32
      %dma_start3A_198 = tpu.memref_slice %arg9[%sub3A_47, %dma_start3A_197] : memref<10000x128xf32, #tpu.memory_space<vmem_shared>> -> memref<80x128xf32, #tpu.memory_space<vmem_shared>>
      %dma_start3A_199 = arith.constant 0 : i32
      %dma_start3A_200 = tpu.memref_slice %arg9[%sub3A_47, %dma_start3A_199] : memref<10000x128xf32, #tpu.memory_space<vmem_shared>> -> memref<80x128xf32, #tpu.memory_space<vmem_shared>>
      %dma_start3A_201 = arith.constant 0 : i32
      %dma_start3A_202 = arith.constant 0 : i32
      %dma_start3A_203 = tpu.memref_slice %arg8[%run_scoped3A_48, %dma_start3A_201, %dma_start3A_202] : memref<3x80x128xf32, #tpu.memory_space<vmem>> -> memref<1x80x128xf32, #tpu.memory_space<vmem>>
      %dma_start3A_204 = tpu.memref_squeeze %dma_start3A_203 : memref<1x80x128xf32, #tpu.memory_space<vmem>> -> memref<80x128xf32, #tpu.memory_space<vmem>>
      tpu.enqueue_dma source(%dma_start3A_204 : memref<80x128xf32, #tpu.memory_space<vmem>>) target(%dma_start3A_200 : memref<80x128xf32, #tpu.memory_space<vmem_shared>>) target_semaphore(%run_scoped3A_192 : memref<!tpu.dma_semaphore, #tpu.memory_space<semaphore_mem>>)
      %dma_wait3A_205 = arith.constant 0 : i32
      %dma_wait3A_206 = arith.constant 0 : i32
      %dma_wait3A_207 = tpu.memref_slice %arg8[%run_scoped3A_48, %dma_wait3A_205, %dma_wait3A_206] : memref<3x80x128xf32, #tpu.memory_space<vmem>> -> memref<1x80x128xf32, #tpu.memory_space<vmem>>
      %dma_wait3A_208 = tpu.memref_squeeze %dma_wait3A_207 : memref<1x80x128xf32, #tpu.memory_space<vmem>> -> memref<80x128xf32, #tpu.memory_space<vmem>>
      %dma_wait3A_209 = arith.constant 0 : i32
      %dma_wait3A_210 = tpu.memref_slice %arg9[%sub3A_47, %dma_wait3A_209] : memref<10000x128xf32, #tpu.memory_space<vmem_shared>> -> memref<80x128xf32, #tpu.memory_space<vmem_shared>>
      %dma_wait3A_211 = arith.constant 0 : i32
      %dma_wait3A_212 = tpu.memref_slice %arg9[%sub3A_47, %dma_wait3A_211] : memref<10000x128xf32, #tpu.memory_space<vmem_shared>> -> memref<80x128xf32, #tpu.memory_space<vmem_shared>>
      %dma_wait3A_213 = arith.constant 0 : i32
      %dma_wait3A_214 = arith.constant 0 : i32
      %dma_wait3A_215 = tpu.memref_slice %arg8[%run_scoped3A_48, %dma_wait3A_213, %dma_wait3A_214] : memref<3x80x128xf32, #tpu.memory_space<vmem>> -> memref<1x80x128xf32, #tpu.memory_space<vmem>>
      %dma_wait3A_216 = tpu.memref_squeeze %dma_wait3A_215 : memref<1x80x128xf32, #tpu.memory_space<vmem>> -> memref<80x128xf32, #tpu.memory_space<vmem>>
      tpu.wait_dma2 semaphore(%run_scoped3A_192 : memref<!tpu.dma_semaphore, #tpu.memory_space<semaphore_mem>>) src(%dma_wait3A_216 : memref<80x128xf32, #tpu.memory_space<vmem>>) dst(%dma_wait3A_212 : memref<80x128xf32, #tpu.memory_space<vmem_shared>>)
      tpu.yield
    }) : () -> ()
    %mul3A_49 = arith.constant 10000 : i32
    %mul3A_50 = arith.muli %add3A, %mul3A_49 : i32
    "tpu.region"() ({
      %run_scoped3A_192 = tpu.sem_alloc : memref<!tpu.dma_semaphore, #tpu.memory_space<semaphore_mem>>
      %dma_start3A_193 = tpu.memref_slice %arg3[%mul3A_50] : memref<320000xi32, #tpu.memory_space<hbm>> -> memref<10000xi32, #tpu.memory_space<hbm>>
      %dma_start3A_194 = tpu.memref_slice %arg3[%mul3A_50] : memref<320000xi32, #tpu.memory_space<hbm>> -> memref<10000xi32, #tpu.memory_space<hbm>>
      tpu.enqueue_dma source(%dma_start3A_194 : memref<10000xi32, #tpu.memory_space<hbm>>) target(%arg6 : memref<10000xi32, #tpu.memory_space<vmem>>) target_semaphore(%run_scoped3A_192 : memref<!tpu.dma_semaphore, #tpu.memory_space<semaphore_mem>>)
      %dma_wait3A_195 = tpu.memref_slice %arg3[%mul3A_50] : memref<320000xi32, #tpu.memory_space<hbm>> -> memref<10000xi32, #tpu.memory_space<hbm>>
      %dma_wait3A_196 = tpu.memref_slice %arg3[%mul3A_50] : memref<320000xi32, #tpu.memory_space<hbm>> -> memref<10000xi32, #tpu.memory_space<hbm>>
      tpu.wait_dma2 semaphore(%run_scoped3A_192 : memref<!tpu.dma_semaphore, #tpu.memory_space<semaphore_mem>>) src(%dma_wait3A_196 : memref<10000xi32, #tpu.memory_space<hbm>>) dst(%arg6 : memref<10000xi32, #tpu.memory_space<vmem>>)
      tpu.yield
    }) : () -> ()
    %mul3A_51 = arith.constant 10000 : i32
    %mul3A_52 = arith.muli %add3A, %mul3A_51 : i32
    %scan3A_53 = arith.constant 0 : i32
    %scan3A_54 = arith.constant 0 : i32
    %scan3A_55 = arith.constant 125 : i32
    %scan3A_56 = arith.addi %scan3A_54, %scan3A_55 : i32
    %scan3A_57 = arith.constant 1 : i32
    %scan3A_58 = scf.for %scan3A_192 = %scan3A_54 to %scan3A_56 step %scan3A_57 iter_args(%scan3A_193 = %scan3A_53) -> (i32)  : i32 {
      %mul3A_194 = arith.constant 80 : i32
      %mul3A_195 = arith.muli %scan3A_192, %mul3A_194 : i32
      %add3A_196 = arith.addi %mul3A_52, %mul3A_195 : i32
      %dma_start3A_197 = arith.constant 0 : i32
      %dma_start3A_198 = tpu.memref_slice %arg7[%scan3A_192, %dma_start3A_197] : memref<125x80xi32, #tpu.memory_space<vmem>> -> memref<1x80xi32, #tpu.memory_space<vmem>>
      %dma_start3A_199 = tpu.memref_squeeze %dma_start3A_198 : memref<1x80xi32, #tpu.memory_space<vmem>> -> memref<80xi32, #tpu.memory_space<vmem>>
      %dma_start3A_200 = tpu.memref_slice %arg4[%add3A_196] : memref<320000xi32, #tpu.memory_space<hbm>> -> memref<80xi32, #tpu.memory_space<hbm>>
      %dma_start3A_201 = arith.constant 0 : i32
      %dma_start3A_202 = tpu.memref_slice %arg7[%scan3A_192, %dma_start3A_201] : memref<125x80xi32, #tpu.memory_space<vmem>> -> memref<1x80xi32, #tpu.memory_space<vmem>>
      %dma_start3A_203 = tpu.memref_squeeze %dma_start3A_202 : memref<1x80xi32, #tpu.memory_space<vmem>> -> memref<80xi32, #tpu.memory_space<vmem>>
      %dma_start3A_204 = tpu.memref_slice %arg4[%add3A_196] : memref<320000xi32, #tpu.memory_space<hbm>> -> memref<80xi32, #tpu.memory_space<hbm>>
      tpu.enqueue_dma source(%dma_start3A_204 : memref<80xi32, #tpu.memory_space<hbm>>) target(%dma_start3A_203 : memref<80xi32, #tpu.memory_space<vmem>>) target_semaphore(%arg10 : memref<!tpu.dma_semaphore, #tpu.memory_space<semaphore_mem>>)
      %scan3A_205 = arith.constant 0 : i32
      scf.yield %scan3A_205 : i32
    }
    %scan3A_59 = arith.constant 125 : i32
    %scan3A_60 = arith.constant 0 : i32
    %scan3A_61 = arith.constant 0 : i32
    %scan3A_62 = arith.constant 125 : i32
    %scan3A_63 = arith.addi %scan3A_61, %scan3A_62 : i32
    %scan3A_64 = arith.constant 1 : i32
    %scan3A_65 = scf.for %scan3A_192 = %scan3A_61 to %scan3A_63 step %scan3A_64 iter_args(%scan3A_193 = %scan3A_60) -> (i32)  : i32 {
      %mul3A_194 = arith.constant 80 : i32
      %mul3A_195 = arith.muli %scan3A_192, %mul3A_194 : i32
      %add3A_196 = arith.addi %mul3A_52, %mul3A_195 : i32
      %dma_wait3A_197 = arith.constant 0 : i32
      %dma_wait3A_198 = tpu.memref_slice %arg7[%scan3A_192, %dma_wait3A_197] : memref<125x80xi32, #tpu.memory_space<vmem>> -> memref<1x80xi32, #tpu.memory_space<vmem>>
      %dma_wait3A_199 = tpu.memref_squeeze %dma_wait3A_198 : memref<1x80xi32, #tpu.memory_space<vmem>> -> memref<80xi32, #tpu.memory_space<vmem>>
      %dma_wait3A_200 = tpu.memref_slice %arg4[%add3A_196] : memref<320000xi32, #tpu.memory_space<hbm>> -> memref<80xi32, #tpu.memory_space<hbm>>
      %dma_wait3A_201 = arith.constant 0 : i32
      %dma_wait3A_202 = tpu.memref_slice %arg7[%scan3A_192, %dma_wait3A_201] : memref<125x80xi32, #tpu.memory_space<vmem>> -> memref<1x80xi32, #tpu.memory_space<vmem>>
      %dma_wait3A_203 = tpu.memref_squeeze %dma_wait3A_202 : memref<1x80xi32, #tpu.memory_space<vmem>> -> memref<80xi32, #tpu.memory_space<vmem>>
      %dma_wait3A_204 = tpu.memref_slice %arg4[%add3A_196] : memref<320000xi32, #tpu.memory_space<hbm>> -> memref<80xi32, #tpu.memory_space<hbm>>
      tpu.wait_dma2 semaphore(%arg10 : memref<!tpu.dma_semaphore, #tpu.memory_space<semaphore_mem>>) src(%dma_wait3A_204 : memref<80xi32, #tpu.memory_space<hbm>>) dst(%dma_wait3A_203 : memref<80xi32, #tpu.memory_space<vmem>>)
      %scan3A_205 = arith.constant 0 : i32
      scf.yield %scan3A_205 : i32
    }
    %scan3A_66 = arith.constant 125 : i32
    %barrier3A = arith.constant 0 : index
    tpu.barrier barrier_id(%barrier3A)
    %dma_start3A = arith.constant 0 : i32
    %dma_start3A_67 = arith.constant 0 : i32
    %dma_start3A_68 = arith.constant 0 : i32
    %dma_start3A_69 = tpu.memref_slice %arg8[%dma_start3A, %dma_start3A_67, %dma_start3A_68] : memref<3x80x128xf32, #tpu.memory_space<vmem>> -> memref<1x80x128xf32, #tpu.memory_space<vmem>>
    %dma_start3A_70 = tpu.memref_squeeze %dma_start3A_69 : memref<1x80x128xf32, #tpu.memory_space<vmem>> -> memref<80x128xf32, #tpu.memory_space<vmem>>
    %dma_start3A_71 = arith.constant 0 : i32
    %dma_start3A_72 = tpu.memref_slice %arg6[%dma_start3A_71] : memref<10000xi32, #tpu.memory_space<vmem>> -> memref<80xi32, #tpu.memory_space<vmem>>
    %dma_start3A_73 = arith.constant 0 : i32
    %dma_start3A_74 = arith.constant 0 : i32
    %dma_start3A_75 = tpu.memref_slice %arg2[%dma_start3A_73, %dma_start3A_74] : memref<10000x128xf32, #tpu.memory_space<hbm>> -> memref<10000x128xf32, #tpu.memory_space<hbm>>
    tpu.enqueue_indirect_dma source(%dma_start3A_75 : memref<10000x128xf32, #tpu.memory_space<hbm>>) target(%dma_start3A_70 : memref<80x128xf32, #tpu.memory_space<vmem>>) offsets(%dma_start3A_72 : memref<80xi32, #tpu.memory_space<vmem>>) semaphore(%arg11 : memref<!tpu.dma_semaphore, #tpu.memory_space<semaphore_mem>>)
    %scan3A_76 = arith.constant 0 : i32
    %scan3A_77 = arith.constant 0 : i32
    %scan3A_78 = arith.constant 41 : i32
    %scan3A_79 = arith.addi %scan3A_77, %scan3A_78 : i32
    %scan3A_80 = arith.constant 1 : i32
    %scan3A_81 = scf.for %scan3A_192 = %scan3A_77 to %scan3A_79 step %scan3A_80 iter_args(%scan3A_193 = %scan3A_76) -> (i32)  : i32 {
      %mul3A_194 = arith.constant 3 : i32
      %mul3A_195 = arith.muli %scan3A_192, %mul3A_194 : i32
      %add3A_196 = arith.constant 0 : i32
      %add3A_197 = arith.addi %mul3A_195, %add3A_196 : i32
      %ge3A = arith.constant 2 : i32
      %ge3A_198 = arith.cmpi sge, %add3A_197, %ge3A : i32
      %convert_element_type3A = arith.extui %ge3A_198 : i1 to i32
      %cond3A = arith.constant 0 : i32
      %cond3A_199 = arith.cmpi ne, %convert_element_type3A, %cond3A : i32
      scf.if %cond3A_199 {
        %add3A_324 = arith.constant 1 : i32
        %add3A_325 = arith.addi %add3A_197, %add3A_324 : i32
        %sub3A_326 = arith.constant 3 : i32
        %sub3A_327 = arith.subi %add3A_325, %sub3A_326 : i32
        %dma_wait3A_328 = arith.constant 1 : i32
        %dma_wait3A_329 = arith.constant 0 : i32
        %dma_wait3A_330 = arith.constant 0 : i32
        %dma_wait3A_331 = tpu.memref_slice %arg8[%dma_wait3A_328, %dma_wait3A_329, %dma_wait3A_330] : memref<3x80x128xf32, #tpu.memory_space<vmem>> -> memref<1x80x128xf32, #tpu.memory_space<vmem>>
        %dma_wait3A_332 = tpu.memref_squeeze %dma_wait3A_331 : memref<1x80x128xf32, #tpu.memory_space<vmem>> -> memref<80x128xf32, #tpu.memory_space<vmem>>
        %dma_wait3A_333 = arith.constant 0 : i32
        %dma_wait3A_334 = tpu.memref_slice %arg7[%sub3A_327, %dma_wait3A_333] : memref<125x80xi32, #tpu.memory_space<vmem>> -> memref<1x80xi32, #tpu.memory_space<vmem>>
        %dma_wait3A_335 = tpu.memref_squeeze %dma_wait3A_334 : memref<1x80xi32, #tpu.memory_space<vmem>> -> memref<80xi32, #tpu.memory_space<vmem>>
        %dma_wait3A_336 = arith.constant 0 : i32
        %dma_wait3A_337 = arith.constant 0 : i32
        %dma_wait3A_338 = tpu.memref_slice %arg9[%dma_wait3A_336, %dma_wait3A_337] : memref<10000x128xf32, #tpu.memory_space<vmem_shared>> -> memref<10000x128xf32, #tpu.memory_space<vmem_shared>>
        tpu.wait_indirect_dma semaphore(%arg15 : memref<!tpu.dma_semaphore, #tpu.memory_space<semaphore_mem>>) src(%dma_wait3A_332 : memref<80x128xf32, #tpu.memory_space<vmem>>) dst(%dma_wait3A_338 : memref<10000x128xf32, #tpu.memory_space<vmem_shared>>)
      } else {
      }
      %add3A_200 = arith.constant 1 : i32
      %add3A_201 = arith.addi %add3A_197, %add3A_200 : i32
      %mul3A_202 = arith.constant 80 : i32
      %mul3A_203 = arith.muli %add3A_201, %mul3A_202 : i32
      %dma_start3A_204 = arith.constant 1 : i32
      %dma_start3A_205 = arith.constant 0 : i32
      %dma_start3A_206 = arith.constant 0 : i32
      %dma_start3A_207 = tpu.memref_slice %arg8[%dma_start3A_204, %dma_start3A_205, %dma_start3A_206] : memref<3x80x128xf32, #tpu.memory_space<vmem>> -> memref<1x80x128xf32, #tpu.memory_space<vmem>>
      %dma_start3A_208 = tpu.memref_squeeze %dma_start3A_207 : memref<1x80x128xf32, #tpu.memory_space<vmem>> -> memref<80x128xf32, #tpu.memory_space<vmem>>
      %dma_start3A_209 = tpu.memref_slice %arg6[%mul3A_203] : memref<10000xi32, #tpu.memory_space<vmem>> -> memref<80xi32, #tpu.memory_space<vmem>>
      %dma_start3A_210 = arith.constant 0 : i32
      %dma_start3A_211 = arith.constant 0 : i32
      %dma_start3A_212 = tpu.memref_slice %arg2[%dma_start3A_210, %dma_start3A_211] : memref<10000x128xf32, #tpu.memory_space<hbm>> -> memref<10000x128xf32, #tpu.memory_space<hbm>>
      tpu.enqueue_indirect_dma source(%dma_start3A_212 : memref<10000x128xf32, #tpu.memory_space<hbm>>) target(%dma_start3A_208 : memref<80x128xf32, #tpu.memory_space<vmem>>) offsets(%dma_start3A_209 : memref<80xi32, #tpu.memory_space<vmem>>) semaphore(%arg12 : memref<!tpu.dma_semaphore, #tpu.memory_space<semaphore_mem>>)
      %mul3A_213 = arith.constant 80 : i32
      %mul3A_214 = arith.muli %add3A_197, %mul3A_213 : i32
      %dma_wait3A_215 = arith.constant 0 : i32
      %dma_wait3A_216 = arith.constant 0 : i32
      %dma_wait3A_217 = arith.constant 0 : i32
      %dma_wait3A_218 = tpu.memref_slice %arg8[%dma_wait3A_215, %dma_wait3A_216, %dma_wait3A_217] : memref<3x80x128xf32, #tpu.memory_space<vmem>> -> memref<1x80x128xf32, #tpu.memory_space<vmem>>
      %dma_wait3A_219 = tpu.memref_squeeze %dma_wait3A_218 : memref<1x80x128xf32, #tpu.memory_space<vmem>> -> memref<80x128xf32, #tpu.memory_space<vmem>>
      %dma_wait3A_220 = tpu.memref_slice %arg6[%mul3A_214] : memref<10000xi32, #tpu.memory_space<vmem>> -> memref<80xi32, #tpu.memory_space<vmem>>
      %dma_wait3A_221 = arith.constant 0 : i32
      %dma_wait3A_222 = arith.constant 0 : i32
      %dma_wait3A_223 = tpu.memref_slice %arg2[%dma_wait3A_221, %dma_wait3A_222] : memref<10000x128xf32, #tpu.memory_space<hbm>> -> memref<10000x128xf32, #tpu.memory_space<hbm>>
      tpu.wait_indirect_dma semaphore(%arg11 : memref<!tpu.dma_semaphore, #tpu.memory_space<semaphore_mem>>) src(%dma_wait3A_223 : memref<10000x128xf32, #tpu.memory_space<hbm>>) dst(%dma_wait3A_219 : memref<80x128xf32, #tpu.memory_space<vmem>>)
      %dma_start3A_224 = arith.constant 0 : i32
      %dma_start3A_225 = arith.constant 0 : i32
      %dma_start3A_226 = arith.constant 0 : i32
      %dma_start3A_227 = tpu.memref_slice %arg8[%dma_start3A_224, %dma_start3A_225, %dma_start3A_226] : memref<3x80x128xf32, #tpu.memory_space<vmem>> -> memref<1x80x128xf32, #tpu.memory_space<vmem>>
      %dma_start3A_228 = tpu.memref_squeeze %dma_start3A_227 : memref<1x80x128xf32, #tpu.memory_space<vmem>> -> memref<80x128xf32, #tpu.memory_space<vmem>>
      %dma_start3A_229 = arith.constant 0 : i32
      %dma_start3A_230 = tpu.memref_slice %arg7[%add3A_197, %dma_start3A_229] : memref<125x80xi32, #tpu.memory_space<vmem>> -> memref<1x80xi32, #tpu.memory_space<vmem>>
      %dma_start3A_231 = tpu.memref_squeeze %dma_start3A_230 : memref<1x80xi32, #tpu.memory_space<vmem>> -> memref<80xi32, #tpu.memory_space<vmem>>
      %dma_start3A_232 = arith.constant 0 : i32
      %dma_start3A_233 = arith.constant 0 : i32
      %dma_start3A_234 = tpu.memref_slice %arg9[%dma_start3A_232, %dma_start3A_233] : memref<10000x128xf32, #tpu.memory_space<vmem_shared>> -> memref<10000x128xf32, #tpu.memory_space<vmem_shared>>
      tpu.enqueue_indirect_dma source(%dma_start3A_228 : memref<80x128xf32, #tpu.memory_space<vmem>>) target(%dma_start3A_234 : memref<10000x128xf32, #tpu.memory_space<vmem_shared>>) offsets(%dma_start3A_231 : memref<80xi32, #tpu.memory_space<vmem>>) semaphore(%arg14 : memref<!tpu.dma_semaphore, #tpu.memory_space<semaphore_mem>>) {add = true}
      %mul3A_235 = arith.constant 3 : i32
      %mul3A_236 = arith.muli %scan3A_192, %mul3A_235 : i32
      %add3A_237 = arith.constant 1 : i32
      %add3A_238 = arith.addi %mul3A_236, %add3A_237 : i32
      %ge3A_239 = arith.constant 2 : i32
      %ge3A_240 = arith.cmpi sge, %add3A_238, %ge3A_239 : i32
      %convert_element_type3A_241 = arith.extui %ge3A_240 : i1 to i32
      %cond3A_242 = arith.constant 0 : i32
      %cond3A_243 = arith.cmpi ne, %convert_element_type3A_241, %cond3A_242 : i32
      scf.if %cond3A_243 {
        %add3A_324 = arith.constant 1 : i32
        %add3A_325 = arith.addi %add3A_238, %add3A_324 : i32
        %sub3A_326 = arith.constant 3 : i32
        %sub3A_327 = arith.subi %add3A_325, %sub3A_326 : i32
        %dma_wait3A_328 = arith.constant 2 : i32
        %dma_wait3A_329 = arith.constant 0 : i32
        %dma_wait3A_330 = arith.constant 0 : i32
        %dma_wait3A_331 = tpu.memref_slice %arg8[%dma_wait3A_328, %dma_wait3A_329, %dma_wait3A_330] : memref<3x80x128xf32, #tpu.memory_space<vmem>> -> memref<1x80x128xf32, #tpu.memory_space<vmem>>
        %dma_wait3A_332 = tpu.memref_squeeze %dma_wait3A_331 : memref<1x80x128xf32, #tpu.memory_space<vmem>> -> memref<80x128xf32, #tpu.memory_space<vmem>>
        %dma_wait3A_333 = arith.constant 0 : i32
        %dma_wait3A_334 = tpu.memref_slice %arg7[%sub3A_327, %dma_wait3A_333] : memref<125x80xi32, #tpu.memory_space<vmem>> -> memref<1x80xi32, #tpu.memory_space<vmem>>
        %dma_wait3A_335 = tpu.memref_squeeze %dma_wait3A_334 : memref<1x80xi32, #tpu.memory_space<vmem>> -> memref<80xi32, #tpu.memory_space<vmem>>
        %dma_wait3A_336 = arith.constant 0 : i32
        %dma_wait3A_337 = arith.constant 0 : i32
        %dma_wait3A_338 = tpu.memref_slice %arg9[%dma_wait3A_336, %dma_wait3A_337] : memref<10000x128xf32, #tpu.memory_space<vmem_shared>> -> memref<10000x128xf32, #tpu.memory_space<vmem_shared>>
        tpu.wait_indirect_dma semaphore(%arg16 : memref<!tpu.dma_semaphore, #tpu.memory_space<semaphore_mem>>) src(%dma_wait3A_332 : memref<80x128xf32, #tpu.memory_space<vmem>>) dst(%dma_wait3A_338 : memref<10000x128xf32, #tpu.memory_space<vmem_shared>>)
      } else {
      }
      %add3A_244 = arith.constant 1 : i32
      %add3A_245 = arith.addi %add3A_238, %add3A_244 : i32
      %mul3A_246 = arith.constant 80 : i32
      %mul3A_247 = arith.muli %add3A_245, %mul3A_246 : i32
      %dma_start3A_248 = arith.constant 2 : i32
      %dma_start3A_249 = arith.constant 0 : i32
      %dma_start3A_250 = arith.constant 0 : i32
      %dma_start3A_251 = tpu.memref_slice %arg8[%dma_start3A_248, %dma_start3A_249, %dma_start3A_250] : memref<3x80x128xf32, #tpu.memory_space<vmem>> -> memref<1x80x128xf32, #tpu.memory_space<vmem>>
      %dma_start3A_252 = tpu.memref_squeeze %dma_start3A_251 : memref<1x80x128xf32, #tpu.memory_space<vmem>> -> memref<80x128xf32, #tpu.memory_space<vmem>>
      %dma_start3A_253 = tpu.memref_slice %arg6[%mul3A_247] : memref<10000xi32, #tpu.memory_space<vmem>> -> memref<80xi32, #tpu.memory_space<vmem>>
      %dma_start3A_254 = arith.constant 0 : i32
      %dma_start3A_255 = arith.constant 0 : i32
      %dma_start3A_256 = tpu.memref_slice %arg2[%dma_start3A_254, %dma_start3A_255] : memref<10000x128xf32, #tpu.memory_space<hbm>> -> memref<10000x128xf32, #tpu.memory_space<hbm>>
      tpu.enqueue_indirect_dma source(%dma_start3A_256 : memref<10000x128xf32, #tpu.memory_space<hbm>>) target(%dma_start3A_252 : memref<80x128xf32, #tpu.memory_space<vmem>>) offsets(%dma_start3A_253 : memref<80xi32, #tpu.memory_space<vmem>>) semaphore(%arg13 : memref<!tpu.dma_semaphore, #tpu.memory_space<semaphore_mem>>)
      %mul3A_257 = arith.constant 80 : i32
      %mul3A_258 = arith.muli %add3A_238, %mul3A_257 : i32
      %dma_wait3A_259 = arith.constant 1 : i32
      %dma_wait3A_260 = arith.constant 0 : i32
      %dma_wait3A_261 = arith.constant 0 : i32
      %dma_wait3A_262 = tpu.memref_slice %arg8[%dma_wait3A_259, %dma_wait3A_260, %dma_wait3A_261] : memref<3x80x128xf32, #tpu.memory_space<vmem>> -> memref<1x80x128xf32, #tpu.memory_space<vmem>>
      %dma_wait3A_263 = tpu.memref_squeeze %dma_wait3A_262 : memref<1x80x128xf32, #tpu.memory_space<vmem>> -> memref<80x128xf32, #tpu.memory_space<vmem>>
      %dma_wait3A_264 = tpu.memref_slice %arg6[%mul3A_258] : memref<10000xi32, #tpu.memory_space<vmem>> -> memref<80xi32, #tpu.memory_space<vmem>>
      %dma_wait3A_265 = arith.constant 0 : i32
      %dma_wait3A_266 = arith.constant 0 : i32
      %dma_wait3A_267 = tpu.memref_slice %arg2[%dma_wait3A_265, %dma_wait3A_266] : memref<10000x128xf32, #tpu.memory_space<hbm>> -> memref<10000x128xf32, #tpu.memory_space<hbm>>
      tpu.wait_indirect_dma semaphore(%arg12 : memref<!tpu.dma_semaphore, #tpu.memory_space<semaphore_mem>>) src(%dma_wait3A_267 : memref<10000x128xf32, #tpu.memory_space<hbm>>) dst(%dma_wait3A_263 : memref<80x128xf32, #tpu.memory_space<vmem>>)
      %dma_start3A_268 = arith.constant 1 : i32
      %dma_start3A_269 = arith.constant 0 : i32
      %dma_start3A_270 = arith.constant 0 : i32
      %dma_start3A_271 = tpu.memref_slice %arg8[%dma_start3A_268, %dma_start3A_269, %dma_start3A_270] : memref<3x80x128xf32, #tpu.memory_space<vmem>> -> memref<1x80x128xf32, #tpu.memory_space<vmem>>
      %dma_start3A_272 = tpu.memref_squeeze %dma_start3A_271 : memref<1x80x128xf32, #tpu.memory_space<vmem>> -> memref<80x128xf32, #tpu.memory_space<vmem>>
      %dma_start3A_273 = arith.constant 0 : i32
      %dma_start3A_274 = tpu.memref_slice %arg7[%add3A_238, %dma_start3A_273] : memref<125x80xi32, #tpu.memory_space<vmem>> -> memref<1x80xi32, #tpu.memory_space<vmem>>
      %dma_start3A_275 = tpu.memref_squeeze %dma_start3A_274 : memref<1x80xi32, #tpu.memory_space<vmem>> -> memref<80xi32, #tpu.memory_space<vmem>>
      %dma_start3A_276 = arith.constant 0 : i32
      %dma_start3A_277 = arith.constant 0 : i32
      %dma_start3A_278 = tpu.memref_slice %arg9[%dma_start3A_276, %dma_start3A_277] : memref<10000x128xf32, #tpu.memory_space<vmem_shared>> -> memref<10000x128xf32, #tpu.memory_space<vmem_shared>>
      tpu.enqueue_indirect_dma source(%dma_start3A_272 : memref<80x128xf32, #tpu.memory_space<vmem>>) target(%dma_start3A_278 : memref<10000x128xf32, #tpu.memory_space<vmem_shared>>) offsets(%dma_start3A_275 : memref<80xi32, #tpu.memory_space<vmem>>) semaphore(%arg15 : memref<!tpu.dma_semaphore, #tpu.memory_space<semaphore_mem>>) {add = true}
      %mul3A_279 = arith.constant 3 : i32
      %mul3A_280 = arith.muli %scan3A_192, %mul3A_279 : i32
      %add3A_281 = arith.constant 2 : i32
      %add3A_282 = arith.addi %mul3A_280, %add3A_281 : i32
      %ge3A_283 = arith.constant 2 : i32
      %ge3A_284 = arith.cmpi sge, %add3A_282, %ge3A_283 : i32
      %convert_element_type3A_285 = arith.extui %ge3A_284 : i1 to i32
      %cond3A_286 = arith.constant 0 : i32
      %cond3A_287 = arith.cmpi ne, %convert_element_type3A_285, %cond3A_286 : i32
      scf.if %cond3A_287 {
        %add3A_324 = arith.constant 1 : i32
        %add3A_325 = arith.addi %add3A_282, %add3A_324 : i32
        %sub3A_326 = arith.constant 3 : i32
        %sub3A_327 = arith.subi %add3A_325, %sub3A_326 : i32
        %dma_wait3A_328 = arith.constant 0 : i32
        %dma_wait3A_329 = arith.constant 0 : i32
        %dma_wait3A_330 = arith.constant 0 : i32
        %dma_wait3A_331 = tpu.memref_slice %arg8[%dma_wait3A_328, %dma_wait3A_329, %dma_wait3A_330] : memref<3x80x128xf32, #tpu.memory_space<vmem>> -> memref<1x80x128xf32, #tpu.memory_space<vmem>>
        %dma_wait3A_332 = tpu.memref_squeeze %dma_wait3A_331 : memref<1x80x128xf32, #tpu.memory_space<vmem>> -> memref<80x128xf32, #tpu.memory_space<vmem>>
        %dma_wait3A_333 = arith.constant 0 : i32
        %dma_wait3A_334 = tpu.memref_slice %arg7[%sub3A_327, %dma_wait3A_333] : memref<125x80xi32, #tpu.memory_space<vmem>> -> memref<1x80xi32, #tpu.memory_space<vmem>>
        %dma_wait3A_335 = tpu.memref_squeeze %dma_wait3A_334 : memref<1x80xi32, #tpu.memory_space<vmem>> -> memref<80xi32, #tpu.memory_space<vmem>>
        %dma_wait3A_336 = arith.constant 0 : i32
        %dma_wait3A_337 = arith.constant 0 : i32
        %dma_wait3A_338 = tpu.memref_slice %arg9[%dma_wait3A_336, %dma_wait3A_337] : memref<10000x128xf32, #tpu.memory_space<vmem_shared>> -> memref<10000x128xf32, #tpu.memory_space<vmem_shared>>
        tpu.wait_indirect_dma semaphore(%arg14 : memref<!tpu.dma_semaphore, #tpu.memory_space<semaphore_mem>>) src(%dma_wait3A_332 : memref<80x128xf32, #tpu.memory_space<vmem>>) dst(%dma_wait3A_338 : memref<10000x128xf32, #tpu.memory_space<vmem_shared>>)
      } else {
      }
      %add3A_288 = arith.constant 1 : i32
      %add3A_289 = arith.addi %add3A_282, %add3A_288 : i32
      %mul3A_290 = arith.constant 80 : i32
      %mul3A_291 = arith.muli %add3A_289, %mul3A_290 : i32
      %dma_start3A_292 = arith.constant 0 : i32
      %dma_start3A_293 = arith.constant 0 : i32
      %dma_start3A_294 = arith.constant 0 : i32
      %dma_start3A_295 = tpu.memref_slice %arg8[%dma_start3A_292, %dma_start3A_293, %dma_start3A_294] : memref<3x80x128xf32, #tpu.memory_space<vmem>> -> memref<1x80x128xf32, #tpu.memory_space<vmem>>
      %dma_start3A_296 = tpu.memref_squeeze %dma_start3A_295 : memref<1x80x128xf32, #tpu.memory_space<vmem>> -> memref<80x128xf32, #tpu.memory_space<vmem>>
      %dma_start3A_297 = tpu.memref_slice %arg6[%mul3A_291] : memref<10000xi32, #tpu.memory_space<vmem>> -> memref<80xi32, #tpu.memory_space<vmem>>
      %dma_start3A_298 = arith.constant 0 : i32
      %dma_start3A_299 = arith.constant 0 : i32
      %dma_start3A_300 = tpu.memref_slice %arg2[%dma_start3A_298, %dma_start3A_299] : memref<10000x128xf32, #tpu.memory_space<hbm>> -> memref<10000x128xf32, #tpu.memory_space<hbm>>
      tpu.enqueue_indirect_dma source(%dma_start3A_300 : memref<10000x128xf32, #tpu.memory_space<hbm>>) target(%dma_start3A_296 : memref<80x128xf32, #tpu.memory_space<vmem>>) offsets(%dma_start3A_297 : memref<80xi32, #tpu.memory_space<vmem>>) semaphore(%arg11 : memref<!tpu.dma_semaphore, #tpu.memory_space<semaphore_mem>>)
      %mul3A_301 = arith.constant 80 : i32
      %mul3A_302 = arith.muli %add3A_282, %mul3A_301 : i32
      %dma_wait3A_303 = arith.constant 2 : i32
      %dma_wait3A_304 = arith.constant 0 : i32
      %dma_wait3A_305 = arith.constant 0 : i32
      %dma_wait3A_306 = tpu.memref_slice %arg8[%dma_wait3A_303, %dma_wait3A_304, %dma_wait3A_305] : memref<3x80x128xf32, #tpu.memory_space<vmem>> -> memref<1x80x128xf32, #tpu.memory_space<vmem>>
      %dma_wait3A_307 = tpu.memref_squeeze %dma_wait3A_306 : memref<1x80x128xf32, #tpu.memory_space<vmem>> -> memref<80x128xf32, #tpu.memory_space<vmem>>
      %dma_wait3A_308 = tpu.memref_slice %arg6[%mul3A_302] : memref<10000xi32, #tpu.memory_space<vmem>> -> memref<80xi32, #tpu.memory_space<vmem>>
      %dma_wait3A_309 = arith.constant 0 : i32
      %dma_wait3A_310 = arith.constant 0 : i32
      %dma_wait3A_311 = tpu.memref_slice %arg2[%dma_wait3A_309, %dma_wait3A_310] : memref<10000x128xf32, #tpu.memory_space<hbm>> -> memref<10000x128xf32, #tpu.memory_space<hbm>>
      tpu.wait_indirect_dma semaphore(%arg13 : memref<!tpu.dma_semaphore, #tpu.memory_space<semaphore_mem>>) src(%dma_wait3A_311 : memref<10000x128xf32, #tpu.memory_space<hbm>>) dst(%dma_wait3A_307 : memref<80x128xf32, #tpu.memory_space<vmem>>)
      %dma_start3A_312 = arith.constant 2 : i32
      %dma_start3A_313 = arith.constant 0 : i32
      %dma_start3A_314 = arith.constant 0 : i32
      %dma_start3A_315 = tpu.memref_slice %arg8[%dma_start3A_312, %dma_start3A_313, %dma_start3A_314] : memref<3x80x128xf32, #tpu.memory_space<vmem>> -> memref<1x80x128xf32, #tpu.memory_space<vmem>>
      %dma_start3A_316 = tpu.memref_squeeze %dma_start3A_315 : memref<1x80x128xf32, #tpu.memory_space<vmem>> -> memref<80x128xf32, #tpu.memory_space<vmem>>
      %dma_start3A_317 = arith.constant 0 : i32
      %dma_start3A_318 = tpu.memref_slice %arg7[%add3A_282, %dma_start3A_317] : memref<125x80xi32, #tpu.memory_space<vmem>> -> memref<1x80xi32, #tpu.memory_space<vmem>>
      %dma_start3A_319 = tpu.memref_squeeze %dma_start3A_318 : memref<1x80xi32, #tpu.memory_space<vmem>> -> memref<80xi32, #tpu.memory_space<vmem>>
      %dma_start3A_320 = arith.constant 0 : i32
      %dma_start3A_321 = arith.constant 0 : i32
      %dma_start3A_322 = tpu.memref_slice %arg9[%dma_start3A_320, %dma_start3A_321] : memref<10000x128xf32, #tpu.memory_space<vmem_shared>> -> memref<10000x128xf32, #tpu.memory_space<vmem_shared>>
      tpu.enqueue_indirect_dma source(%dma_start3A_316 : memref<80x128xf32, #tpu.memory_space<vmem>>) target(%dma_start3A_322 : memref<10000x128xf32, #tpu.memory_space<vmem_shared>>) offsets(%dma_start3A_319 : memref<80xi32, #tpu.memory_space<vmem>>) semaphore(%arg16 : memref<!tpu.dma_semaphore, #tpu.memory_space<semaphore_mem>>) {add = true}
      %scan3A_323 = arith.constant 0 : i32
      scf.yield %scan3A_323 : i32
    }
    %scan3A_82 = arith.constant 41 : i32
    %dma_wait3A = arith.constant 1 : i32
    %dma_wait3A_83 = arith.constant 121 : i32
    %dma_wait3A_84 = arith.constant 0 : i32
    %dma_wait3A_85 = arith.constant 0 : i32
    %dma_wait3A_86 = tpu.memref_slice %arg8[%dma_wait3A, %dma_wait3A_84, %dma_wait3A_85] : memref<3x80x128xf32, #tpu.memory_space<vmem>> -> memref<1x80x128xf32, #tpu.memory_space<vmem>>
    %dma_wait3A_87 = tpu.memref_squeeze %dma_wait3A_86 : memref<1x80x128xf32, #tpu.memory_space<vmem>> -> memref<80x128xf32, #tpu.memory_space<vmem>>
    %dma_wait3A_88 = arith.constant 0 : i32
    %dma_wait3A_89 = tpu.memref_slice %arg7[%dma_wait3A_83, %dma_wait3A_88] : memref<125x80xi32, #tpu.memory_space<vmem>> -> memref<1x80xi32, #tpu.memory_space<vmem>>
    %dma_wait3A_90 = tpu.memref_squeeze %dma_wait3A_89 : memref<1x80xi32, #tpu.memory_space<vmem>> -> memref<80xi32, #tpu.memory_space<vmem>>
    %dma_wait3A_91 = arith.constant 0 : i32
    %dma_wait3A_92 = arith.constant 0 : i32
    %dma_wait3A_93 = tpu.memref_slice %arg9[%dma_wait3A_91, %dma_wait3A_92] : memref<10000x128xf32, #tpu.memory_space<vmem_shared>> -> memref<10000x128xf32, #tpu.memory_space<vmem_shared>>
    tpu.wait_indirect_dma semaphore(%arg15 : memref<!tpu.dma_semaphore, #tpu.memory_space<semaphore_mem>>) src(%dma_wait3A_87 : memref<80x128xf32, #tpu.memory_space<vmem>>) dst(%dma_wait3A_93 : memref<10000x128xf32, #tpu.memory_space<vmem_shared>>)
    %dma_start3A_94 = arith.constant 1 : i32
    %dma_start3A_95 = arith.constant 0 : i32
    %dma_start3A_96 = arith.constant 0 : i32
    %dma_start3A_97 = tpu.memref_slice %arg8[%dma_start3A_94, %dma_start3A_95, %dma_start3A_96] : memref<3x80x128xf32, #tpu.memory_space<vmem>> -> memref<1x80x128xf32, #tpu.memory_space<vmem>>
    %dma_start3A_98 = tpu.memref_squeeze %dma_start3A_97 : memref<1x80x128xf32, #tpu.memory_space<vmem>> -> memref<80x128xf32, #tpu.memory_space<vmem>>
    %dma_start3A_99 = arith.constant 9920 : i32
    %dma_start3A_100 = tpu.memref_slice %arg6[%dma_start3A_99] : memref<10000xi32, #tpu.memory_space<vmem>> -> memref<80xi32, #tpu.memory_space<vmem>>
    %dma_start3A_101 = arith.constant 0 : i32
    %dma_start3A_102 = arith.constant 0 : i32
    %dma_start3A_103 = tpu.memref_slice %arg2[%dma_start3A_101, %dma_start3A_102] : memref<10000x128xf32, #tpu.memory_space<hbm>> -> memref<10000x128xf32, #tpu.memory_space<hbm>>
    tpu.enqueue_indirect_dma source(%dma_start3A_103 : memref<10000x128xf32, #tpu.memory_space<hbm>>) target(%dma_start3A_98 : memref<80x128xf32, #tpu.memory_space<vmem>>) offsets(%dma_start3A_100 : memref<80xi32, #tpu.memory_space<vmem>>) semaphore(%arg12 : memref<!tpu.dma_semaphore, #tpu.memory_space<semaphore_mem>>)
    %dma_wait3A_104 = arith.constant 0 : i32
    %dma_wait3A_105 = arith.constant 0 : i32
    %dma_wait3A_106 = arith.constant 0 : i32
    %dma_wait3A_107 = tpu.memref_slice %arg8[%dma_wait3A_104, %dma_wait3A_105, %dma_wait3A_106] : memref<3x80x128xf32, #tpu.memory_space<vmem>> -> memref<1x80x128xf32, #tpu.memory_space<vmem>>
    %dma_wait3A_108 = tpu.memref_squeeze %dma_wait3A_107 : memref<1x80x128xf32, #tpu.memory_space<vmem>> -> memref<80x128xf32, #tpu.memory_space<vmem>>
    %dma_wait3A_109 = arith.constant 9840 : i32
    %dma_wait3A_110 = tpu.memref_slice %arg6[%dma_wait3A_109] : memref<10000xi32, #tpu.memory_space<vmem>> -> memref<80xi32, #tpu.memory_space<vmem>>
    %dma_wait3A_111 = arith.constant 0 : i32
    %dma_wait3A_112 = arith.constant 0 : i32
    %dma_wait3A_113 = tpu.memref_slice %arg2[%dma_wait3A_111, %dma_wait3A_112] : memref<10000x128xf32, #tpu.memory_space<hbm>> -> memref<10000x128xf32, #tpu.memory_space<hbm>>
    tpu.wait_indirect_dma semaphore(%arg11 : memref<!tpu.dma_semaphore, #tpu.memory_space<semaphore_mem>>) src(%dma_wait3A_113 : memref<10000x128xf32, #tpu.memory_space<hbm>>) dst(%dma_wait3A_108 : memref<80x128xf32, #tpu.memory_space<vmem>>)
    %dma_start3A_114 = arith.constant 0 : i32
    %dma_start3A_115 = arith.constant 123 : i32
    %dma_start3A_116 = arith.constant 0 : i32
    %dma_start3A_117 = arith.constant 0 : i32
    %dma_start3A_118 = tpu.memref_slice %arg8[%dma_start3A_114, %dma_start3A_116, %dma_start3A_117] : memref<3x80x128xf32, #tpu.memory_space<vmem>> -> memref<1x80x128xf32, #tpu.memory_space<vmem>>
    %dma_start3A_119 = tpu.memref_squeeze %dma_start3A_118 : memref<1x80x128xf32, #tpu.memory_space<vmem>> -> memref<80x128xf32, #tpu.memory_space<vmem>>
    %dma_start3A_120 = arith.constant 0 : i32
    %dma_start3A_121 = tpu.memref_slice %arg7[%dma_start3A_115, %dma_start3A_120] : memref<125x80xi32, #tpu.memory_space<vmem>> -> memref<1x80xi32, #tpu.memory_space<vmem>>
    %dma_start3A_122 = tpu.memref_squeeze %dma_start3A_121 : memref<1x80xi32, #tpu.memory_space<vmem>> -> memref<80xi32, #tpu.memory_space<vmem>>
    %dma_start3A_123 = arith.constant 0 : i32
    %dma_start3A_124 = arith.constant 0 : i32
    %dma_start3A_125 = tpu.memref_slice %arg9[%dma_start3A_123, %dma_start3A_124] : memref<10000x128xf32, #tpu.memory_space<vmem_shared>> -> memref<10000x128xf32, #tpu.memory_space<vmem_shared>>
    tpu.enqueue_indirect_dma source(%dma_start3A_119 : memref<80x128xf32, #tpu.memory_space<vmem>>) target(%dma_start3A_125 : memref<10000x128xf32, #tpu.memory_space<vmem_shared>>) offsets(%dma_start3A_122 : memref<80xi32, #tpu.memory_space<vmem>>) semaphore(%arg14 : memref<!tpu.dma_semaphore, #tpu.memory_space<semaphore_mem>>) {add = true}
    %dma_wait3A_126 = arith.constant 1 : i32
    %dma_wait3A_127 = arith.constant 0 : i32
    %dma_wait3A_128 = arith.constant 0 : i32
    %dma_wait3A_129 = tpu.memref_slice %arg8[%dma_wait3A_126, %dma_wait3A_127, %dma_wait3A_128] : memref<3x80x128xf32, #tpu.memory_space<vmem>> -> memref<1x80x128xf32, #tpu.memory_space<vmem>>
    %dma_wait3A_130 = tpu.memref_squeeze %dma_wait3A_129 : memref<1x80x128xf32, #tpu.memory_space<vmem>> -> memref<80x128xf32, #tpu.memory_space<vmem>>
    %dma_wait3A_131 = arith.constant 9920 : i32
    %dma_wait3A_132 = tpu.memref_slice %arg6[%dma_wait3A_131] : memref<10000xi32, #tpu.memory_space<vmem>> -> memref<80xi32, #tpu.memory_space<vmem>>
    %dma_wait3A_133 = arith.constant 0 : i32
    %dma_wait3A_134 = arith.constant 0 : i32
    %dma_wait3A_135 = tpu.memref_slice %arg2[%dma_wait3A_133, %dma_wait3A_134] : memref<10000x128xf32, #tpu.memory_space<hbm>> -> memref<10000x128xf32, #tpu.memory_space<hbm>>
    tpu.wait_indirect_dma semaphore(%arg12 : memref<!tpu.dma_semaphore, #tpu.memory_space<semaphore_mem>>) src(%dma_wait3A_135 : memref<10000x128xf32, #tpu.memory_space<hbm>>) dst(%dma_wait3A_130 : memref<80x128xf32, #tpu.memory_space<vmem>>)
    %dma_start3A_136 = arith.constant 1 : i32
    %dma_start3A_137 = arith.constant 124 : i32
    %dma_start3A_138 = arith.constant 0 : i32
    %dma_start3A_139 = arith.constant 0 : i32
    %dma_start3A_140 = tpu.memref_slice %arg8[%dma_start3A_136, %dma_start3A_138, %dma_start3A_139] : memref<3x80x128xf32, #tpu.memory_space<vmem>> -> memref<1x80x128xf32, #tpu.memory_space<vmem>>
    %dma_start3A_141 = tpu.memref_squeeze %dma_start3A_140 : memref<1x80x128xf32, #tpu.memory_space<vmem>> -> memref<80x128xf32, #tpu.memory_space<vmem>>
    %dma_start3A_142 = arith.constant 0 : i32
    %dma_start3A_143 = tpu.memref_slice %arg7[%dma_start3A_137, %dma_start3A_142] : memref<125x80xi32, #tpu.memory_space<vmem>> -> memref<1x80xi32, #tpu.memory_space<vmem>>
    %dma_start3A_144 = tpu.memref_squeeze %dma_start3A_143 : memref<1x80xi32, #tpu.memory_space<vmem>> -> memref<80xi32, #tpu.memory_space<vmem>>
    %dma_start3A_145 = arith.constant 0 : i32
    %dma_start3A_146 = arith.constant 0 : i32
    %dma_start3A_147 = tpu.memref_slice %arg9[%dma_start3A_145, %dma_start3A_146] : memref<10000x128xf32, #tpu.memory_space<vmem_shared>> -> memref<10000x128xf32, #tpu.memory_space<vmem_shared>>
    tpu.enqueue_indirect_dma source(%dma_start3A_141 : memref<80x128xf32, #tpu.memory_space<vmem>>) target(%dma_start3A_147 : memref<10000x128xf32, #tpu.memory_space<vmem_shared>>) offsets(%dma_start3A_144 : memref<80xi32, #tpu.memory_space<vmem>>) semaphore(%arg15 : memref<!tpu.dma_semaphore, #tpu.memory_space<semaphore_mem>>) {add = true}
    %dma_wait3A_148 = arith.constant 2 : i32
    %dma_wait3A_149 = arith.constant 122 : i32
    %dma_wait3A_150 = arith.constant 0 : i32
    %dma_wait3A_151 = arith.constant 0 : i32
    %dma_wait3A_152 = tpu.memref_slice %arg8[%dma_wait3A_148, %dma_wait3A_150, %dma_wait3A_151] : memref<3x80x128xf32, #tpu.memory_space<vmem>> -> memref<1x80x128xf32, #tpu.memory_space<vmem>>
    %dma_wait3A_153 = tpu.memref_squeeze %dma_wait3A_152 : memref<1x80x128xf32, #tpu.memory_space<vmem>> -> memref<80x128xf32, #tpu.memory_space<vmem>>
    %dma_wait3A_154 = arith.constant 0 : i32
    %dma_wait3A_155 = tpu.memref_slice %arg7[%dma_wait3A_149, %dma_wait3A_154] : memref<125x80xi32, #tpu.memory_space<vmem>> -> memref<1x80xi32, #tpu.memory_space<vmem>>
    %dma_wait3A_156 = tpu.memref_squeeze %dma_wait3A_155 : memref<1x80xi32, #tpu.memory_space<vmem>> -> memref<80xi32, #tpu.memory_space<vmem>>
    %dma_wait3A_157 = arith.constant 0 : i32
    %dma_wait3A_158 = arith.constant 0 : i32
    %dma_wait3A_159 = tpu.memref_slice %arg9[%dma_wait3A_157, %dma_wait3A_158] : memref<10000x128xf32, #tpu.memory_space<vmem_shared>> -> memref<10000x128xf32, #tpu.memory_space<vmem_shared>>
    tpu.wait_indirect_dma semaphore(%arg16 : memref<!tpu.dma_semaphore, #tpu.memory_space<semaphore_mem>>) src(%dma_wait3A_153 : memref<80x128xf32, #tpu.memory_space<vmem>>) dst(%dma_wait3A_159 : memref<10000x128xf32, #tpu.memory_space<vmem_shared>>)
    %dma_wait3A_160 = arith.constant 0 : i32
    %dma_wait3A_161 = arith.constant 123 : i32
    %dma_wait3A_162 = arith.constant 0 : i32
    %dma_wait3A_163 = arith.constant 0 : i32
    %dma_wait3A_164 = tpu.memref_slice %arg8[%dma_wait3A_160, %dma_wait3A_162, %dma_wait3A_163] : memref<3x80x128xf32, #tpu.memory_space<vmem>> -> memref<1x80x128xf32, #tpu.memory_space<vmem>>
    %dma_wait3A_165 = tpu.memref_squeeze %dma_wait3A_164 : memref<1x80x128xf32, #tpu.memory_space<vmem>> -> memref<80x128xf32, #tpu.memory_space<vmem>>
    %dma_wait3A_166 = arith.constant 0 : i32
    %dma_wait3A_167 = tpu.memref_slice %arg7[%dma_wait3A_161, %dma_wait3A_166] : memref<125x80xi32, #tpu.memory_space<vmem>> -> memref<1x80xi32, #tpu.memory_space<vmem>>
    %dma_wait3A_168 = tpu.memref_squeeze %dma_wait3A_167 : memref<1x80xi32, #tpu.memory_space<vmem>> -> memref<80xi32, #tpu.memory_space<vmem>>
    %dma_wait3A_169 = arith.constant 0 : i32
    %dma_wait3A_170 = arith.constant 0 : i32
    %dma_wait3A_171 = tpu.memref_slice %arg9[%dma_wait3A_169, %dma_wait3A_170] : memref<10000x128xf32, #tpu.memory_space<vmem_shared>> -> memref<10000x128xf32, #tpu.memory_space<vmem_shared>>
    tpu.wait_indirect_dma semaphore(%arg14 : memref<!tpu.dma_semaphore, #tpu.memory_space<semaphore_mem>>) src(%dma_wait3A_165 : memref<80x128xf32, #tpu.memory_space<vmem>>) dst(%dma_wait3A_171 : memref<10000x128xf32, #tpu.memory_space<vmem_shared>>)
    %dma_wait3A_172 = arith.constant 1 : i32
    %dma_wait3A_173 = arith.constant 124 : i32
    %dma_wait3A_174 = arith.constant 0 : i32
    %dma_wait3A_175 = arith.constant 0 : i32
    %dma_wait3A_176 = tpu.memref_slice %arg8[%dma_wait3A_172, %dma_wait3A_174, %dma_wait3A_175] : memref<3x80x128xf32, #tpu.memory_space<vmem>> -> memref<1x80x128xf32, #tpu.memory_space<vmem>>
    %dma_wait3A_177 = tpu.memref_squeeze %dma_wait3A_176 : memref<1x80x128xf32, #tpu.memory_space<vmem>> -> memref<80x128xf32, #tpu.memory_space<vmem>>
    %dma_wait3A_178 = arith.constant 0 : i32
    %dma_wait3A_179 = tpu.memref_slice %arg7[%dma_wait3A_173, %dma_wait3A_178] : memref<125x80xi32, #tpu.memory_space<vmem>> -> memref<1x80xi32, #tpu.memory_space<vmem>>
    %dma_wait3A_180 = tpu.memref_squeeze %dma_wait3A_179 : memref<1x80xi32, #tpu.memory_space<vmem>> -> memref<80xi32, #tpu.memory_space<vmem>>
    %dma_wait3A_181 = arith.constant 0 : i32
    %dma_wait3A_182 = arith.constant 0 : i32
    %dma_wait3A_183 = tpu.memref_slice %arg9[%dma_wait3A_181, %dma_wait3A_182] : memref<10000x128xf32, #tpu.memory_space<vmem_shared>> -> memref<10000x128xf32, #tpu.memory_space<vmem_shared>>
    tpu.wait_indirect_dma semaphore(%arg15 : memref<!tpu.dma_semaphore, #tpu.memory_space<semaphore_mem>>) src(%dma_wait3A_177 : memref<80x128xf32, #tpu.memory_space<vmem>>) dst(%dma_wait3A_183 : memref<10000x128xf32, #tpu.memory_space<vmem_shared>>)
    %barrier3A_184 = arith.constant 0 : index
    tpu.barrier barrier_id(%barrier3A_184)
    %mul3A_185 = arith.constant 625 : i32
    %mul3A_186 = arith.muli %arg1, %mul3A_185 : i32
    %mul3A_187 = arith.constant 10000 : i32
    %mul3A_188 = arith.muli %arg0, %mul3A_187 : i32
    %mul3A_189 = arith.constant 625 : i32
    %mul3A_190 = arith.muli %arg1, %mul3A_189 : i32
    %add3A_191 = arith.addi %mul3A_188, %mul3A_190 : i32
    "tpu.region"() ({
      %run_scoped3A_192 = tpu.sem_alloc : memref<!tpu.dma_semaphore, #tpu.memory_space<semaphore_mem>>
      %dma_start3A_193 = arith.constant 0 : i32
      %dma_start3A_194 = tpu.memref_slice %arg5[%add3A_191, %dma_start3A_193] : memref<20000x128xf32, #tpu.memory_space<hbm>> -> memref<625x128xf32, #tpu.memory_space<hbm>>
      %dma_start3A_195 = arith.constant 0 : i32
      %dma_start3A_196 = tpu.memref_slice %arg9[%mul3A_186, %dma_start3A_195] : memref<10000x128xf32, #tpu.memory_space<vmem_shared>> -> memref<625x128xf32, #tpu.memory_space<vmem_shared>>
      tpu.enqueue_dma source(%dma_start3A_196 : memref<625x128xf32, #tpu.memory_space<vmem_shared>>) target(%dma_start3A_194 : memref<625x128xf32, #tpu.memory_space<hbm>>) target_semaphore(%run_scoped3A_192 : memref<!tpu.dma_semaphore, #tpu.memory_space<semaphore_mem>>)
      %dma_wait3A_197 = arith.constant 0 : i32
      %dma_wait3A_198 = tpu.memref_slice %arg5[%add3A_191, %dma_wait3A_197] : memref<20000x128xf32, #tpu.memory_space<hbm>> -> memref<625x128xf32, #tpu.memory_space<hbm>>
      %dma_wait3A_199 = arith.constant 0 : i32
      %dma_wait3A_200 = tpu.memref_slice %arg9[%mul3A_186, %dma_wait3A_199] : memref<10000x128xf32, #tpu.memory_space<vmem_shared>> -> memref<625x128xf32, #tpu.memory_space<vmem_shared>>
      tpu.wait_dma2 semaphore(%run_scoped3A_192 : memref<!tpu.dma_semaphore, #tpu.memory_space<semaphore_mem>>) src(%dma_wait3A_200 : memref<625x128xf32, #tpu.memory_space<vmem_shared>>) dst(%dma_wait3A_198 : memref<625x128xf32, #tpu.memory_space<hbm>>)
      tpu.yield
    }) : () -> ()
    return
  }
}

#map = affine_map<(d0, d1) -> (0, 0)>
#map1 = affine_map<(d0, d1) -> (0)>
module attributes {stable_mosaic.version = 14 : i64} {
  func.func @_agg_kernel(%arg0: i32, %arg1: i32, %arg2: memref<10000x128xf32, #tpu.memory_space<hbm>>, %arg3: memref<320000xi32, #tpu.memory_space<hbm>>, %arg4: memref<320000xi32, #tpu.memory_space<hbm>>, %arg5: memref<20000x128xf32, #tpu.memory_space<hbm>>, %arg6: memref<10000xi32, #tpu.memory_space<vmem>>, %arg7: memref<125x80xi32, #tpu.memory_space<vmem>>, %arg8: memref<3x80x128xf32, #tpu.memory_space<vmem>>, %arg9: memref<10000x128xf32, #tpu.memory_space<vmem_shared>>, %arg10: memref<!tpu.dma_semaphore, #tpu.memory_space<semaphore_mem>>, %arg11: memref<!tpu.dma_semaphore, #tpu.memory_space<semaphore_mem>>, %arg12: memref<!tpu.dma_semaphore, #tpu.memory_space<semaphore_mem>>, %arg13: memref<!tpu.dma_semaphore, #tpu.memory_space<semaphore_mem>>, %arg14: memref<!tpu.dma_semaphore, #tpu.memory_space<semaphore_mem>>, %arg15: memref<!tpu.dma_semaphore, #tpu.memory_space<semaphore_mem>>, %arg16: memref<!tpu.dma_semaphore, #tpu.memory_space<semaphore_mem>>) attributes {dimension_semantics = [#tpu.dimension_semantics<core_parallel>, #tpu.dimension_semantics<subcore_parallel>], iteration_bounds = array<i64: 2, 16>, scalar_prefetch = 0 : i64, scratch_operands = 11 : i64, tpu.core_type = #tpu.core_type<sc_vector_subcore>, window_params = [{transform_indices = #map}, {transform_indices = #map1}, {transform_indices = #map1}, {transform_indices = #map}]} {
    %mul3A = arith.constant 16 : i32
    %mul3A_0 = arith.muli %arg0, %mul3A : i32
    %add3A = arith.addi %mul3A_0, %arg1 : i32
    %broadcast_in_dim3A = arith.constant 0.000000e+00 : f32
    %broadcast_in_dim3A_1 = vector.broadcast %broadcast_in_dim3A : f32 to vector<16xf32>
    %scan3A = arith.constant 0 : i32
    %scan3A_2 = arith.constant 0 : i32
    %scan3A_3 = arith.constant 0 : i32
    %scan3A_4 = arith.constant 80 : i32
    %scan3A_5 = arith.addi %scan3A_3, %scan3A_4 : i32
    %scan3A_6 = arith.constant 1 : i32
    %scan3A_7 = scf.for %scan3A_192 = %scan3A_3 to %scan3A_5 step %scan3A_6 iter_args(%scan3A_193 = %scan3A_2) -> (i32)  : i32 {
      %swap3A = arith.constant 0 : i32
      %swap3A_194 = arith.constant 0 : i32
      %swap3A_195 = tpu.memref_slice %arg8[%scan3A, %swap3A, %swap3A_194] : memref<3x80x128xf32, #tpu.memory_space<vmem>> -> memref<1x80x128xf32, #tpu.memory_space<vmem>>
      %swap3A_196 = tpu.memref_squeeze %swap3A_195 : memref<1x80x128xf32, #tpu.memory_space<vmem>> -> memref<80x128xf32, #tpu.memory_space<vmem>>
      %swap3A_197 = arith.index_cast %scan3A_192 : i32 to index
      %swap3A_198 = arith.constant 0 : index
      %swap3A_199 = tpu.vector_load %swap3A_196[%swap3A_197, %swap3A_198] {strides = array<i32>} : memref<80x128xf32, #tpu.memory_space<vmem>>, vector<1x16xf32>,
      %swap3A_200 = vector.shape_cast %swap3A_199 : vector<1x16xf32> to vector<16xf32>
      %swap3A_201 = vector.shape_cast %broadcast_in_dim3A_1 : vector<16xf32> to vector<1x16xf32>
      tpu.vector_store %swap3A_196[%swap3A_197, %swap3A_198], %swap3A_201 {strides = array<i32>} : memref<80x128xf32, #tpu.memory_space<vmem>>, vector<1x16xf32>,
      %swap3A_202 = arith.constant 0 : i32
      %swap3A_203 = arith.constant 0 : i32
      %swap3A_204 = tpu.memref_slice %arg8[%scan3A, %swap3A_202, %swap3A_203] : memref<3x80x128xf32, #tpu.memory_space<vmem>> -> memref<1x80x128xf32, #tpu.memory_space<vmem>>
      %swap3A_205 = tpu.memref_squeeze %swap3A_204 : memref<1x80x128xf32, #tpu.memory_space<vmem>> -> memref<80x128xf32, #tpu.memory_space<vmem>>
      %swap3A_206 = arith.index_cast %scan3A_192 : i32 to index
      %swap3A_207 = arith.constant 16 : index
      %swap3A_208 = tpu.vector_load %swap3A_205[%swap3A_206, %swap3A_207] {strides = array<i32>} : memref<80x128xf32, #tpu.memory_space<vmem>>, vector<1x16xf32>,
      %swap3A_209 = vector.shape_cast %swap3A_208 : vector<1x16xf32> to vector<16xf32>
      %swap3A_210 = vector.shape_cast %broadcast_in_dim3A_1 : vector<16xf32> to vector<1x16xf32>
      tpu.vector_store %swap3A_205[%swap3A_206, %swap3A_207], %swap3A_210 {strides = array<i32>} : memref<80x128xf32, #tpu.memory_space<vmem>>, vector<1x16xf32>,
      %swap3A_211 = arith.constant 0 : i32
      %swap3A_212 = arith.constant 0 : i32
      %swap3A_213 = tpu.memref_slice %arg8[%scan3A, %swap3A_211, %swap3A_212] : memref<3x80x128xf32, #tpu.memory_space<vmem>> -> memref<1x80x128xf32, #tpu.memory_space<vmem>>
      %swap3A_214 = tpu.memref_squeeze %swap3A_213 : memref<1x80x128xf32, #tpu.memory_space<vmem>> -> memref<80x128xf32, #tpu.memory_space<vmem>>
      %swap3A_215 = arith.index_cast %scan3A_192 : i32 to index
      %swap3A_216 = arith.constant 32 : index
      %swap3A_217 = tpu.vector_load %swap3A_214[%swap3A_215, %swap3A_216] {strides = array<i32>} : memref<80x128xf32, #tpu.memory_space<vmem>>, vector<1x16xf32>,
      %swap3A_218 = vector.shape_cast %swap3A_217 : vector<1x16xf32> to vector<16xf32>
      %swap3A_219 = vector.shape_cast %broadcast_in_dim3A_1 : vector<16xf32> to vector<1x16xf32>
      tpu.vector_store %swap3A_214[%swap3A_215, %swap3A_216], %swap3A_219 {strides = array<i32>} : memref<80x128xf32, #tpu.memory_space<vmem>>, vector<1x16xf32>,
      %swap3A_220 = arith.constant 0 : i32
      %swap3A_221 = arith.constant 0 : i32
      %swap3A_222 = tpu.memref_slice %arg8[%scan3A, %swap3A_220, %swap3A_221] : memref<3x80x128xf32, #tpu.memory_space<vmem>> -> memref<1x80x128xf32, #tpu.memory_space<vmem>>
      %swap3A_223 = tpu.memref_squeeze %swap3A_222 : memref<1x80x128xf32, #tpu.memory_space<vmem>> -> memref<80x128xf32, #tpu.memory_space<vmem>>
      %swap3A_224 = arith.index_cast %scan3A_192 : i32 to index
      %swap3A_225 = arith.constant 48 : index
      %swap3A_226 = tpu.vector_load %swap3A_223[%swap3A_224, %swap3A_225] {strides = array<i32>} : memref<80x128xf32, #tpu.memory_space<vmem>>, vector<1x16xf32>,
      %swap3A_227 = vector.shape_cast %swap3A_226 : vector<1x16xf32> to vector<16xf32>
      %swap3A_228 = vector.shape_cast %broadcast_in_dim3A_1 : vector<16xf32> to vector<1x16xf32>
      tpu.vector_store %swap3A_223[%swap3A_224, %swap3A_225], %swap3A_228 {strides = array<i32>} : memref<80x128xf32, #tpu.memory_space<vmem>>, vector<1x16xf32>,
      %swap3A_229 = arith.constant 0 : i32
      %swap3A_230 = arith.constant 0 : i32
      %swap3A_231 = tpu.memref_slice %arg8[%scan3A, %swap3A_229, %swap3A_230] : memref<3x80x128xf32, #tpu.memory_space<vmem>> -> memref<1x80x128xf32, #tpu.memory_space<vmem>>
      %swap3A_232 = tpu.memref_squeeze %swap3A_231 : memref<1x80x128xf32, #tpu.memory_space<vmem>> -> memref<80x128xf32, #tpu.memory_space<vmem>>
      %swap3A_233 = arith.index_cast %scan3A_192 : i32 to index
      %swap3A_234 = arith.constant 64 : index
      %swap3A_235 = tpu.vector_load %swap3A_232[%swap3A_233, %swap3A_234] {strides = array<i32>} : memref<80x128xf32, #tpu.memory_space<vmem>>, vector<1x16xf32>,
      %swap3A_236 = vector.shape_cast %swap3A_235 : vector<1x16xf32> to vector<16xf32>
      %swap3A_237 = vector.shape_cast %broadcast_in_dim3A_1 : vector<16xf32> to vector<1x16xf32>
      tpu.vector_store %swap3A_232[%swap3A_233, %swap3A_234], %swap3A_237 {strides = array<i32>} : memref<80x128xf32, #tpu.memory_space<vmem>>, vector<1x16xf32>,
      %swap3A_238 = arith.constant 0 : i32
      %swap3A_239 = arith.constant 0 : i32
      %swap3A_240 = tpu.memref_slice %arg8[%scan3A, %swap3A_238, %swap3A_239] : memref<3x80x128xf32, #tpu.memory_space<vmem>> -> memref<1x80x128xf32, #tpu.memory_space<vmem>>
      %swap3A_241 = tpu.memref_squeeze %swap3A_240 : memref<1x80x128xf32, #tpu.memory_space<vmem>> -> memref<80x128xf32, #tpu.memory_space<vmem>>
      %swap3A_242 = arith.index_cast %scan3A_192 : i32 to index
      %swap3A_243 = arith.constant 80 : index
      %swap3A_244 = tpu.vector_load %swap3A_241[%swap3A_242, %swap3A_243] {strides = array<i32>} : memref<80x128xf32, #tpu.memory_space<vmem>>, vector<1x16xf32>,
      %swap3A_245 = vector.shape_cast %swap3A_244 : vector<1x16xf32> to vector<16xf32>
      %swap3A_246 = vector.shape_cast %broadcast_in_dim3A_1 : vector<16xf32> to vector<1x16xf32>
      tpu.vector_store %swap3A_241[%swap3A_242, %swap3A_243], %swap3A_246 {strides = array<i32>} : memref<80x128xf32, #tpu.memory_space<vmem>>, vector<1x16xf32>,
      %swap3A_247 = arith.constant 0 : i32
      %swap3A_248 = arith.constant 0 : i32
      %swap3A_249 = tpu.memref_slice %arg8[%scan3A, %swap3A_247, %swap3A_248] : memref<3x80x128xf32, #tpu.memory_space<vmem>> -> memref<1x80x128xf32, #tpu.memory_space<vmem>>
      %swap3A_250 = tpu.memref_squeeze %swap3A_249 : memref<1x80x128xf32, #tpu.memory_space<vmem>> -> memref<80x128xf32, #tpu.memory_space<vmem>>
      %swap3A_251 = arith.index_cast %scan3A_192 : i32 to index
      %swap3A_252 = arith.constant 96 : index
      %swap3A_253 = tpu.vector_load %swap3A_250[%swap3A_251, %swap3A_252] {strides = array<i32>} : memref<80x128xf32, #tpu.memory_space<vmem>>, vector<1x16xf32>,
      %swap3A_254 = vector.shape_cast %swap3A_253 : vector<1x16xf32> to vector<16xf32>
      %swap3A_255 = vector.shape_cast %broadcast_in_dim3A_1 : vector<16xf32> to vector<1x16xf32>
      tpu.vector_store %swap3A_250[%swap3A_251, %swap3A_252], %swap3A_255 {strides = array<i32>} : memref<80x128xf32, #tpu.memory_space<vmem>>, vector<1x16xf32>,
      %swap3A_256 = arith.constant 0 : i32
      %swap3A_257 = arith.constant 0 : i32
      %swap3A_258 = tpu.memref_slice %arg8[%scan3A, %swap3A_256, %swap3A_257] : memref<3x80x128xf32, #tpu.memory_space<vmem>> -> memref<1x80x128xf32, #tpu.memory_space<vmem>>
      %swap3A_259 = tpu.memref_squeeze %swap3A_258 : memref<1x80x128xf32, #tpu.memory_space<vmem>> -> memref<80x128xf32, #tpu.memory_space<vmem>>
      %swap3A_260 = arith.index_cast %scan3A_192 : i32 to index
      %swap3A_261 = arith.constant 112 : index
      %swap3A_262 = tpu.vector_load %swap3A_259[%swap3A_260, %swap3A_261] {strides = array<i32>} : memref<80x128xf32, #tpu.memory_space<vmem>>, vector<1x16xf32>,
      %swap3A_263 = vector.shape_cast %swap3A_262 : vector<1x16xf32> to vector<16xf32>
      %swap3A_264 = vector.shape_cast %broadcast_in_dim3A_1 : vector<16xf32> to vector<1x16xf32>
      tpu.vector_store %swap3A_259[%swap3A_260, %swap3A_261], %swap3A_264 {strides = array<i32>} : memref<80x128xf32, #tpu.memory_space<vmem>>, vector<1x16xf32>,
      %scan3A_265 = arith.constant 0 : i32
      scf.yield %scan3A_265 : i32
    }
    %scan3A_8 = arith.constant 80 : i32
    %mul3A_9 = arith.constant 625 : i32
    %mul3A_10 = arith.muli %arg1, %mul3A_9 : i32
    %add3A_11 = arith.constant 0 : i32
    %add3A_12 = arith.addi %mul3A_10, %add3A_11 : i32
    %run_scoped3A = arith.constant 0 : i32
    "tpu.region"() ({
      %run_scoped3A_192 = tpu.sem_alloc : memref<!tpu.dma_semaphore, #tpu.memory_space<semaphore_mem>>
      %dma_start3A_193 = arith.constant 0 : i32
      %dma_start3A_194 = arith.constant 0 : i32
      %dma_start3A_195 = tpu.memref_slice %arg8[%run_scoped3A, %dma_start3A_193, %dma_start3A_194] : memref<3x80x128xf32, #tpu.memory_space<vmem>> -> memref<1x80x128xf32, #tpu.memory_space<vmem>>
      %dma_start3A_196 = tpu.memref_squeeze %dma_start3A_195 : memref<1x80x128xf32, #tpu.memory_space<vmem>> -> memref<80x128xf32, #tpu.memory_space<vmem>>
      %dma_start3A_197 = arith.constant 0 : i32
      %dma_start3A_198 = tpu.memref_slice %arg9[%add3A_12, %dma_start3A_197] : memref<10000x128xf32, #tpu.memory_space<vmem_shared>> -> memref<80x128xf32, #tpu.memory_space<vmem_shared>>
      %dma_start3A_199 = arith.constant 0 : i32
      %dma_start3A_200 = tpu.memref_slice %arg9[%add3A_12, %dma_start3A_199] : memref<10000x128xf32, #tpu.memory_space<vmem_shared>> -> memref<80x128xf32, #tpu.memory_space<vmem_shared>>
      %dma_start3A_201 = arith.constant 0 : i32
      %dma_start3A_202 = arith.constant 0 : i32
      %dma_start3A_203 = tpu.memref_slice %arg8[%run_scoped3A, %dma_start3A_201, %dma_start3A_202] : memref<3x80x128xf32, #tpu.memory_space<vmem>> -> memref<1x80x128xf32, #tpu.memory_space<vmem>>
      %dma_start3A_204 = tpu.memref_squeeze %dma_start3A_203 : memref<1x80x128xf32, #tpu.memory_space<vmem>> -> memref<80x128xf32, #tpu.memory_space<vmem>>
      tpu.enqueue_dma source(%dma_start3A_204 : memref<80x128xf32, #tpu.memory_space<vmem>>) target(%dma_start3A_200 : memref<80x128xf32, #tpu.memory_space<vmem_shared>>) target_semaphore(%run_scoped3A_192 : memref<!tpu.dma_semaphore, #tpu.memory_space<semaphore_mem>>)
      %dma_wait3A_205 = arith.constant 0 : i32
      %dma_wait3A_206 = arith.constant 0 : i32
      %dma_wait3A_207 = tpu.memref_slice %arg8[%run_scoped3A, %dma_wait3A_205, %dma_wait3A_206] : memref<3x80x128xf32, #tpu.memory_space<vmem>> -> memref<1x80x128xf32, #tpu.memory_space<vmem>>
      %dma_wait3A_208 = tpu.memref_squeeze %dma_wait3A_207 : memref<1x80x128xf32, #tpu.memory_space<vmem>> -> memref<80x128xf32, #tpu.memory_space<vmem>>
      %dma_wait3A_209 = arith.constant 0 : i32
      %dma_wait3A_210 = tpu.memref_slice %arg9[%add3A_12, %dma_wait3A_209] : memref<10000x128xf32, #tpu.memory_space<vmem_shared>> -> memref<80x128xf32, #tpu.memory_space<vmem_shared>>
      %dma_wait3A_211 = arith.constant 0 : i32
      %dma_wait3A_212 = tpu.memref_slice %arg9[%add3A_12, %dma_wait3A_211] : memref<10000x128xf32, #tpu.memory_space<vmem_shared>> -> memref<80x128xf32, #tpu.memory_space<vmem_shared>>
      %dma_wait3A_213 = arith.constant 0 : i32
      %dma_wait3A_214 = arith.constant 0 : i32
      %dma_wait3A_215 = tpu.memref_slice %arg8[%run_scoped3A, %dma_wait3A_213, %dma_wait3A_214] : memref<3x80x128xf32, #tpu.memory_space<vmem>> -> memref<1x80x128xf32, #tpu.memory_space<vmem>>
      %dma_wait3A_216 = tpu.memref_squeeze %dma_wait3A_215 : memref<1x80x128xf32, #tpu.memory_space<vmem>> -> memref<80x128xf32, #tpu.memory_space<vmem>>
      tpu.wait_dma2 semaphore(%run_scoped3A_192 : memref<!tpu.dma_semaphore, #tpu.memory_space<semaphore_mem>>) src(%dma_wait3A_216 : memref<80x128xf32, #tpu.memory_space<vmem>>) dst(%dma_wait3A_212 : memref<80x128xf32, #tpu.memory_space<vmem_shared>>)
      tpu.yield
    }) : () -> ()
    %mul3A_13 = arith.constant 625 : i32
    %mul3A_14 = arith.muli %arg1, %mul3A_13 : i32
    %add3A_15 = arith.constant 80 : i32
    %add3A_16 = arith.addi %mul3A_14, %add3A_15 : i32
    %run_scoped3A_17 = arith.constant 0 : i32
    "tpu.region"() ({
      %run_scoped3A_192 = tpu.sem_alloc : memref<!tpu.dma_semaphore, #tpu.memory_space<semaphore_mem>>
      %dma_start3A_193 = arith.constant 0 : i32
      %dma_start3A_194 = arith.constant 0 : i32
      %dma_start3A_195 = tpu.memref_slice %arg8[%run_scoped3A_17, %dma_start3A_193, %dma_start3A_194] : memref<3x80x128xf32, #tpu.memory_space<vmem>> -> memref<1x80x128xf32, #tpu.memory_space<vmem>>
      %dma_start3A_196 = tpu.memref_squeeze %dma_start3A_195 : memref<1x80x128xf32, #tpu.memory_space<vmem>> -> memref<80x128xf32, #tpu.memory_space<vmem>>
      %dma_start3A_197 = arith.constant 0 : i32
      %dma_start3A_198 = tpu.memref_slice %arg9[%add3A_16, %dma_start3A_197] : memref<10000x128xf32, #tpu.memory_space<vmem_shared>> -> memref<80x128xf32, #tpu.memory_space<vmem_shared>>
      %dma_start3A_199 = arith.constant 0 : i32
      %dma_start3A_200 = tpu.memref_slice %arg9[%add3A_16, %dma_start3A_199] : memref<10000x128xf32, #tpu.memory_space<vmem_shared>> -> memref<80x128xf32, #tpu.memory_space<vmem_shared>>
      %dma_start3A_201 = arith.constant 0 : i32
      %dma_start3A_202 = arith.constant 0 : i32
      %dma_start3A_203 = tpu.memref_slice %arg8[%run_scoped3A_17, %dma_start3A_201, %dma_start3A_202] : memref<3x80x128xf32, #tpu.memory_space<vmem>> -> memref<1x80x128xf32, #tpu.memory_space<vmem>>
      %dma_start3A_204 = tpu.memref_squeeze %dma_start3A_203 : memref<1x80x128xf32, #tpu.memory_space<vmem>> -> memref<80x128xf32, #tpu.memory_space<vmem>>
      tpu.enqueue_dma source(%dma_start3A_204 : memref<80x128xf32, #tpu.memory_space<vmem>>) target(%dma_start3A_200 : memref<80x128xf32, #tpu.memory_space<vmem_shared>>) target_semaphore(%run_scoped3A_192 : memref<!tpu.dma_semaphore, #tpu.memory_space<semaphore_mem>>)
      %dma_wait3A_205 = arith.constant 0 : i32
      %dma_wait3A_206 = arith.constant 0 : i32
      %dma_wait3A_207 = tpu.memref_slice %arg8[%run_scoped3A_17, %dma_wait3A_205, %dma_wait3A_206] : memref<3x80x128xf32, #tpu.memory_space<vmem>> -> memref<1x80x128xf32, #tpu.memory_space<vmem>>
      %dma_wait3A_208 = tpu.memref_squeeze %dma_wait3A_207 : memref<1x80x128xf32, #tpu.memory_space<vmem>> -> memref<80x128xf32, #tpu.memory_space<vmem>>
      %dma_wait3A_209 = arith.constant 0 : i32
      %dma_wait3A_210 = tpu.memref_slice %arg9[%add3A_16, %dma_wait3A_209] : memref<10000x128xf32, #tpu.memory_space<vmem_shared>> -> memref<80x128xf32, #tpu.memory_space<vmem_shared>>
      %dma_wait3A_211 = arith.constant 0 : i32
      %dma_wait3A_212 = tpu.memref_slice %arg9[%add3A_16, %dma_wait3A_211] : memref<10000x128xf32, #tpu.memory_space<vmem_shared>> -> memref<80x128xf32, #tpu.memory_space<vmem_shared>>
      %dma_wait3A_213 = arith.constant 0 : i32
      %dma_wait3A_214 = arith.constant 0 : i32
      %dma_wait3A_215 = tpu.memref_slice %arg8[%run_scoped3A_17, %dma_wait3A_213, %dma_wait3A_214] : memref<3x80x128xf32, #tpu.memory_space<vmem>> -> memref<1x80x128xf32, #tpu.memory_space<vmem>>
      %dma_wait3A_216 = tpu.memref_squeeze %dma_wait3A_215 : memref<1x80x128xf32, #tpu.memory_space<vmem>> -> memref<80x128xf32, #tpu.memory_space<vmem>>
      tpu.wait_dma2 semaphore(%run_scoped3A_192 : memref<!tpu.dma_semaphore, #tpu.memory_space<semaphore_mem>>) src(%dma_wait3A_216 : memref<80x128xf32, #tpu.memory_space<vmem>>) dst(%dma_wait3A_212 : memref<80x128xf32, #tpu.memory_space<vmem_shared>>)
      tpu.yield
    }) : () -> ()
    %mul3A_18 = arith.constant 625 : i32
    %mul3A_19 = arith.muli %arg1, %mul3A_18 : i32
    %add3A_20 = arith.constant 160 : i32
    %add3A_21 = arith.addi %mul3A_19, %add3A_20 : i32
    %run_scoped3A_22 = arith.constant 0 : i32
    "tpu.region"() ({
      %run_scoped3A_192 = tpu.sem_alloc : memref<!tpu.dma_semaphore, #tpu.memory_space<semaphore_mem>>
      %dma_start3A_193 = arith.constant 0 : i32
      %dma_start3A_194 = arith.constant 0 : i32
      %dma_start3A_195 = tpu.memref_slice %arg8[%run_scoped3A_22, %dma_start3A_193, %dma_start3A_194] : memref<3x80x128xf32, #tpu.memory_space<vmem>> -> memref<1x80x128xf32, #tpu.memory_space<vmem>>
      %dma_start3A_196 = tpu.memref_squeeze %dma_start3A_195 : memref<1x80x128xf32, #tpu.memory_space<vmem>> -> memref<80x128xf32, #tpu.memory_space<vmem>>
      %dma_start3A_197 = arith.constant 0 : i32
      %dma_start3A_198 = tpu.memref_slice %arg9[%add3A_21, %dma_start3A_197] : memref<10000x128xf32, #tpu.memory_space<vmem_shared>> -> memref<80x128xf32, #tpu.memory_space<vmem_shared>>
      %dma_start3A_199 = arith.constant 0 : i32
      %dma_start3A_200 = tpu.memref_slice %arg9[%add3A_21, %dma_start3A_199] : memref<10000x128xf32, #tpu.memory_space<vmem_shared>> -> memref<80x128xf32, #tpu.memory_space<vmem_shared>>
      %dma_start3A_201 = arith.constant 0 : i32
      %dma_start3A_202 = arith.constant 0 : i32
      %dma_start3A_203 = tpu.memref_slice %arg8[%run_scoped3A_22, %dma_start3A_201, %dma_start3A_202] : memref<3x80x128xf32, #tpu.memory_space<vmem>> -> memref<1x80x128xf32, #tpu.memory_space<vmem>>
      %dma_start3A_204 = tpu.memref_squeeze %dma_start3A_203 : memref<1x80x128xf32, #tpu.memory_space<vmem>> -> memref<80x128xf32, #tpu.memory_space<vmem>>
      tpu.enqueue_dma source(%dma_start3A_204 : memref<80x128xf32, #tpu.memory_space<vmem>>) target(%dma_start3A_200 : memref<80x128xf32, #tpu.memory_space<vmem_shared>>) target_semaphore(%run_scoped3A_192 : memref<!tpu.dma_semaphore, #tpu.memory_space<semaphore_mem>>)
      %dma_wait3A_205 = arith.constant 0 : i32
      %dma_wait3A_206 = arith.constant 0 : i32
      %dma_wait3A_207 = tpu.memref_slice %arg8[%run_scoped3A_22, %dma_wait3A_205, %dma_wait3A_206] : memref<3x80x128xf32, #tpu.memory_space<vmem>> -> memref<1x80x128xf32, #tpu.memory_space<vmem>>
      %dma_wait3A_208 = tpu.memref_squeeze %dma_wait3A_207 : memref<1x80x128xf32, #tpu.memory_space<vmem>> -> memref<80x128xf32, #tpu.memory_space<vmem>>
      %dma_wait3A_209 = arith.constant 0 : i32
      %dma_wait3A_210 = tpu.memref_slice %arg9[%add3A_21, %dma_wait3A_209] : memref<10000x128xf32, #tpu.memory_space<vmem_shared>> -> memref<80x128xf32, #tpu.memory_space<vmem_shared>>
      %dma_wait3A_211 = arith.constant 0 : i32
      %dma_wait3A_212 = tpu.memref_slice %arg9[%add3A_21, %dma_wait3A_211] : memref<10000x128xf32, #tpu.memory_space<vmem_shared>> -> memref<80x128xf32, #tpu.memory_space<vmem_shared>>
      %dma_wait3A_213 = arith.constant 0 : i32
      %dma_wait3A_214 = arith.constant 0 : i32
      %dma_wait3A_215 = tpu.memref_slice %arg8[%run_scoped3A_22, %dma_wait3A_213, %dma_wait3A_214] : memref<3x80x128xf32, #tpu.memory_space<vmem>> -> memref<1x80x128xf32, #tpu.memory_space<vmem>>
      %dma_wait3A_216 = tpu.memref_squeeze %dma_wait3A_215 : memref<1x80x128xf32, #tpu.memory_space<vmem>> -> memref<80x128xf32, #tpu.memory_space<vmem>>
      tpu.wait_dma2 semaphore(%run_scoped3A_192 : memref<!tpu.dma_semaphore, #tpu.memory_space<semaphore_mem>>) src(%dma_wait3A_216 : memref<80x128xf32, #tpu.memory_space<vmem>>) dst(%dma_wait3A_212 : memref<80x128xf32, #tpu.memory_space<vmem_shared>>)
      tpu.yield
    }) : () -> ()
    %mul3A_23 = arith.constant 625 : i32
    %mul3A_24 = arith.muli %arg1, %mul3A_23 : i32
    %add3A_25 = arith.constant 240 : i32
    %add3A_26 = arith.addi %mul3A_24, %add3A_25 : i32
    %run_scoped3A_27 = arith.constant 0 : i32
    "tpu.region"() ({
      %run_scoped3A_192 = tpu.sem_alloc : memref<!tpu.dma_semaphore, #tpu.memory_space<semaphore_mem>>
      %dma_start3A_193 = arith.constant 0 : i32
      %dma_start3A_194 = arith.constant 0 : i32
      %dma_start3A_195 = tpu.memref_slice %arg8[%run_scoped3A_27, %dma_start3A_193, %dma_start3A_194] : memref<3x80x128xf32, #tpu.memory_space<vmem>> -> memref<1x80x128xf32, #tpu.memory_space<vmem>>
      %dma_start3A_196 = tpu.memref_squeeze %dma_start3A_195 : memref<1x80x128xf32, #tpu.memory_space<vmem>> -> memref<80x128xf32, #tpu.memory_space<vmem>>
      %dma_start3A_197 = arith.constant 0 : i32
      %dma_start3A_198 = tpu.memref_slice %arg9[%add3A_26, %dma_start3A_197] : memref<10000x128xf32, #tpu.memory_space<vmem_shared>> -> memref<80x128xf32, #tpu.memory_space<vmem_shared>>
      %dma_start3A_199 = arith.constant 0 : i32
      %dma_start3A_200 = tpu.memref_slice %arg9[%add3A_26, %dma_start3A_199] : memref<10000x128xf32, #tpu.memory_space<vmem_shared>> -> memref<80x128xf32, #tpu.memory_space<vmem_shared>>
      %dma_start3A_201 = arith.constant 0 : i32
      %dma_start3A_202 = arith.constant 0 : i32
      %dma_start3A_203 = tpu.memref_slice %arg8[%run_scoped3A_27, %dma_start3A_201, %dma_start3A_202] : memref<3x80x128xf32, #tpu.memory_space<vmem>> -> memref<1x80x128xf32, #tpu.memory_space<vmem>>
      %dma_start3A_204 = tpu.memref_squeeze %dma_start3A_203 : memref<1x80x128xf32, #tpu.memory_space<vmem>> -> memref<80x128xf32, #tpu.memory_space<vmem>>
      tpu.enqueue_dma source(%dma_start3A_204 : memref<80x128xf32, #tpu.memory_space<vmem>>) target(%dma_start3A_200 : memref<80x128xf32, #tpu.memory_space<vmem_shared>>) target_semaphore(%run_scoped3A_192 : memref<!tpu.dma_semaphore, #tpu.memory_space<semaphore_mem>>)
      %dma_wait3A_205 = arith.constant 0 : i32
      %dma_wait3A_206 = arith.constant 0 : i32
      %dma_wait3A_207 = tpu.memref_slice %arg8[%run_scoped3A_27, %dma_wait3A_205, %dma_wait3A_206] : memref<3x80x128xf32, #tpu.memory_space<vmem>> -> memref<1x80x128xf32, #tpu.memory_space<vmem>>
      %dma_wait3A_208 = tpu.memref_squeeze %dma_wait3A_207 : memref<1x80x128xf32, #tpu.memory_space<vmem>> -> memref<80x128xf32, #tpu.memory_space<vmem>>
      %dma_wait3A_209 = arith.constant 0 : i32
      %dma_wait3A_210 = tpu.memref_slice %arg9[%add3A_26, %dma_wait3A_209] : memref<10000x128xf32, #tpu.memory_space<vmem_shared>> -> memref<80x128xf32, #tpu.memory_space<vmem_shared>>
      %dma_wait3A_211 = arith.constant 0 : i32
      %dma_wait3A_212 = tpu.memref_slice %arg9[%add3A_26, %dma_wait3A_211] : memref<10000x128xf32, #tpu.memory_space<vmem_shared>> -> memref<80x128xf32, #tpu.memory_space<vmem_shared>>
      %dma_wait3A_213 = arith.constant 0 : i32
      %dma_wait3A_214 = arith.constant 0 : i32
      %dma_wait3A_215 = tpu.memref_slice %arg8[%run_scoped3A_27, %dma_wait3A_213, %dma_wait3A_214] : memref<3x80x128xf32, #tpu.memory_space<vmem>> -> memref<1x80x128xf32, #tpu.memory_space<vmem>>
      %dma_wait3A_216 = tpu.memref_squeeze %dma_wait3A_215 : memref<1x80x128xf32, #tpu.memory_space<vmem>> -> memref<80x128xf32, #tpu.memory_space<vmem>>
      tpu.wait_dma2 semaphore(%run_scoped3A_192 : memref<!tpu.dma_semaphore, #tpu.memory_space<semaphore_mem>>) src(%dma_wait3A_216 : memref<80x128xf32, #tpu.memory_space<vmem>>) dst(%dma_wait3A_212 : memref<80x128xf32, #tpu.memory_space<vmem_shared>>)
      tpu.yield
    }) : () -> ()
    %mul3A_28 = arith.constant 625 : i32
    %mul3A_29 = arith.muli %arg1, %mul3A_28 : i32
    %add3A_30 = arith.constant 320 : i32
    %add3A_31 = arith.addi %mul3A_29, %add3A_30 : i32
    %run_scoped3A_32 = arith.constant 0 : i32
    "tpu.region"() ({
      %run_scoped3A_192 = tpu.sem_alloc : memref<!tpu.dma_semaphore, #tpu.memory_space<semaphore_mem>>
      %dma_start3A_193 = arith.constant 0 : i32
      %dma_start3A_194 = arith.constant 0 : i32
      %dma_start3A_195 = tpu.memref_slice %arg8[%run_scoped3A_32, %dma_start3A_193, %dma_start3A_194] : memref<3x80x128xf32, #tpu.memory_space<vmem>> -> memref<1x80x128xf32, #tpu.memory_space<vmem>>
      %dma_start3A_196 = tpu.memref_squeeze %dma_start3A_195 : memref<1x80x128xf32, #tpu.memory_space<vmem>> -> memref<80x128xf32, #tpu.memory_space<vmem>>
      %dma_start3A_197 = arith.constant 0 : i32
      %dma_start3A_198 = tpu.memref_slice %arg9[%add3A_31, %dma_start3A_197] : memref<10000x128xf32, #tpu.memory_space<vmem_shared>> -> memref<80x128xf32, #tpu.memory_space<vmem_shared>>
      %dma_start3A_199 = arith.constant 0 : i32
      %dma_start3A_200 = tpu.memref_slice %arg9[%add3A_31, %dma_start3A_199] : memref<10000x128xf32, #tpu.memory_space<vmem_shared>> -> memref<80x128xf32, #tpu.memory_space<vmem_shared>>
      %dma_start3A_201 = arith.constant 0 : i32
      %dma_start3A_202 = arith.constant 0 : i32
      %dma_start3A_203 = tpu.memref_slice %arg8[%run_scoped3A_32, %dma_start3A_201, %dma_start3A_202] : memref<3x80x128xf32, #tpu.memory_space<vmem>> -> memref<1x80x128xf32, #tpu.memory_space<vmem>>
      %dma_start3A_204 = tpu.memref_squeeze %dma_start3A_203 : memref<1x80x128xf32, #tpu.memory_space<vmem>> -> memref<80x128xf32, #tpu.memory_space<vmem>>
      tpu.enqueue_dma source(%dma_start3A_204 : memref<80x128xf32, #tpu.memory_space<vmem>>) target(%dma_start3A_200 : memref<80x128xf32, #tpu.memory_space<vmem_shared>>) target_semaphore(%run_scoped3A_192 : memref<!tpu.dma_semaphore, #tpu.memory_space<semaphore_mem>>)
      %dma_wait3A_205 = arith.constant 0 : i32
      %dma_wait3A_206 = arith.constant 0 : i32
      %dma_wait3A_207 = tpu.memref_slice %arg8[%run_scoped3A_32, %dma_wait3A_205, %dma_wait3A_206] : memref<3x80x128xf32, #tpu.memory_space<vmem>> -> memref<1x80x128xf32, #tpu.memory_space<vmem>>
      %dma_wait3A_208 = tpu.memref_squeeze %dma_wait3A_207 : memref<1x80x128xf32, #tpu.memory_space<vmem>> -> memref<80x128xf32, #tpu.memory_space<vmem>>
      %dma_wait3A_209 = arith.constant 0 : i32
      %dma_wait3A_210 = tpu.memref_slice %arg9[%add3A_31, %dma_wait3A_209] : memref<10000x128xf32, #tpu.memory_space<vmem_shared>> -> memref<80x128xf32, #tpu.memory_space<vmem_shared>>
      %dma_wait3A_211 = arith.constant 0 : i32
      %dma_wait3A_212 = tpu.memref_slice %arg9[%add3A_31, %dma_wait3A_211] : memref<10000x128xf32, #tpu.memory_space<vmem_shared>> -> memref<80x128xf32, #tpu.memory_space<vmem_shared>>
      %dma_wait3A_213 = arith.constant 0 : i32
      %dma_wait3A_214 = arith.constant 0 : i32
      %dma_wait3A_215 = tpu.memref_slice %arg8[%run_scoped3A_32, %dma_wait3A_213, %dma_wait3A_214] : memref<3x80x128xf32, #tpu.memory_space<vmem>> -> memref<1x80x128xf32, #tpu.memory_space<vmem>>
      %dma_wait3A_216 = tpu.memref_squeeze %dma_wait3A_215 : memref<1x80x128xf32, #tpu.memory_space<vmem>> -> memref<80x128xf32, #tpu.memory_space<vmem>>
      tpu.wait_dma2 semaphore(%run_scoped3A_192 : memref<!tpu.dma_semaphore, #tpu.memory_space<semaphore_mem>>) src(%dma_wait3A_216 : memref<80x128xf32, #tpu.memory_space<vmem>>) dst(%dma_wait3A_212 : memref<80x128xf32, #tpu.memory_space<vmem_shared>>)
      tpu.yield
    }) : () -> ()
    %mul3A_33 = arith.constant 625 : i32
    %mul3A_34 = arith.muli %arg1, %mul3A_33 : i32
    %add3A_35 = arith.constant 400 : i32
    %add3A_36 = arith.addi %mul3A_34, %add3A_35 : i32
    %run_scoped3A_37 = arith.constant 0 : i32
    "tpu.region"() ({
      %run_scoped3A_192 = tpu.sem_alloc : memref<!tpu.dma_semaphore, #tpu.memory_space<semaphore_mem>>
      %dma_start3A_193 = arith.constant 0 : i32
      %dma_start3A_194 = arith.constant 0 : i32
      %dma_start3A_195 = tpu.memref_slice %arg8[%run_scoped3A_37, %dma_start3A_193, %dma_start3A_194] : memref<3x80x128xf32, #tpu.memory_space<vmem>> -> memref<1x80x128xf32, #tpu.memory_space<vmem>>
      %dma_start3A_196 = tpu.memref_squeeze %dma_start3A_195 : memref<1x80x128xf32, #tpu.memory_space<vmem>> -> memref<80x128xf32, #tpu.memory_space<vmem>>
      %dma_start3A_197 = arith.constant 0 : i32
      %dma_start3A_198 = tpu.memref_slice %arg9[%add3A_36, %dma_start3A_197] : memref<10000x128xf32, #tpu.memory_space<vmem_shared>> -> memref<80x128xf32, #tpu.memory_space<vmem_shared>>
      %dma_start3A_199 = arith.constant 0 : i32
      %dma_start3A_200 = tpu.memref_slice %arg9[%add3A_36, %dma_start3A_199] : memref<10000x128xf32, #tpu.memory_space<vmem_shared>> -> memref<80x128xf32, #tpu.memory_space<vmem_shared>>
      %dma_start3A_201 = arith.constant 0 : i32
      %dma_start3A_202 = arith.constant 0 : i32
      %dma_start3A_203 = tpu.memref_slice %arg8[%run_scoped3A_37, %dma_start3A_201, %dma_start3A_202] : memref<3x80x128xf32, #tpu.memory_space<vmem>> -> memref<1x80x128xf32, #tpu.memory_space<vmem>>
      %dma_start3A_204 = tpu.memref_squeeze %dma_start3A_203 : memref<1x80x128xf32, #tpu.memory_space<vmem>> -> memref<80x128xf32, #tpu.memory_space<vmem>>
      tpu.enqueue_dma source(%dma_start3A_204 : memref<80x128xf32, #tpu.memory_space<vmem>>) target(%dma_start3A_200 : memref<80x128xf32, #tpu.memory_space<vmem_shared>>) target_semaphore(%run_scoped3A_192 : memref<!tpu.dma_semaphore, #tpu.memory_space<semaphore_mem>>)
      %dma_wait3A_205 = arith.constant 0 : i32
      %dma_wait3A_206 = arith.constant 0 : i32
      %dma_wait3A_207 = tpu.memref_slice %arg8[%run_scoped3A_37, %dma_wait3A_205, %dma_wait3A_206] : memref<3x80x128xf32, #tpu.memory_space<vmem>> -> memref<1x80x128xf32, #tpu.memory_space<vmem>>
      %dma_wait3A_208 = tpu.memref_squeeze %dma_wait3A_207 : memref<1x80x128xf32, #tpu.memory_space<vmem>> -> memref<80x128xf32, #tpu.memory_space<vmem>>
      %dma_wait3A_209 = arith.constant 0 : i32
      %dma_wait3A_210 = tpu.memref_slice %arg9[%add3A_36, %dma_wait3A_209] : memref<10000x128xf32, #tpu.memory_space<vmem_shared>> -> memref<80x128xf32, #tpu.memory_space<vmem_shared>>
      %dma_wait3A_211 = arith.constant 0 : i32
      %dma_wait3A_212 = tpu.memref_slice %arg9[%add3A_36, %dma_wait3A_211] : memref<10000x128xf32, #tpu.memory_space<vmem_shared>> -> memref<80x128xf32, #tpu.memory_space<vmem_shared>>
      %dma_wait3A_213 = arith.constant 0 : i32
      %dma_wait3A_214 = arith.constant 0 : i32
      %dma_wait3A_215 = tpu.memref_slice %arg8[%run_scoped3A_37, %dma_wait3A_213, %dma_wait3A_214] : memref<3x80x128xf32, #tpu.memory_space<vmem>> -> memref<1x80x128xf32, #tpu.memory_space<vmem>>
      %dma_wait3A_216 = tpu.memref_squeeze %dma_wait3A_215 : memref<1x80x128xf32, #tpu.memory_space<vmem>> -> memref<80x128xf32, #tpu.memory_space<vmem>>
      tpu.wait_dma2 semaphore(%run_scoped3A_192 : memref<!tpu.dma_semaphore, #tpu.memory_space<semaphore_mem>>) src(%dma_wait3A_216 : memref<80x128xf32, #tpu.memory_space<vmem>>) dst(%dma_wait3A_212 : memref<80x128xf32, #tpu.memory_space<vmem_shared>>)
      tpu.yield
    }) : () -> ()
    %mul3A_38 = arith.constant 625 : i32
    %mul3A_39 = arith.muli %arg1, %mul3A_38 : i32
    %add3A_40 = arith.constant 480 : i32
    %add3A_41 = arith.addi %mul3A_39, %add3A_40 : i32
    %run_scoped3A_42 = arith.constant 0 : i32
    "tpu.region"() ({
      %run_scoped3A_192 = tpu.sem_alloc : memref<!tpu.dma_semaphore, #tpu.memory_space<semaphore_mem>>
      %dma_start3A_193 = arith.constant 0 : i32
      %dma_start3A_194 = arith.constant 0 : i32
      %dma_start3A_195 = tpu.memref_slice %arg8[%run_scoped3A_42, %dma_start3A_193, %dma_start3A_194] : memref<3x80x128xf32, #tpu.memory_space<vmem>> -> memref<1x80x128xf32, #tpu.memory_space<vmem>>
      %dma_start3A_196 = tpu.memref_squeeze %dma_start3A_195 : memref<1x80x128xf32, #tpu.memory_space<vmem>> -> memref<80x128xf32, #tpu.memory_space<vmem>>
      %dma_start3A_197 = arith.constant 0 : i32
      %dma_start3A_198 = tpu.memref_slice %arg9[%add3A_41, %dma_start3A_197] : memref<10000x128xf32, #tpu.memory_space<vmem_shared>> -> memref<80x128xf32, #tpu.memory_space<vmem_shared>>
      %dma_start3A_199 = arith.constant 0 : i32
      %dma_start3A_200 = tpu.memref_slice %arg9[%add3A_41, %dma_start3A_199] : memref<10000x128xf32, #tpu.memory_space<vmem_shared>> -> memref<80x128xf32, #tpu.memory_space<vmem_shared>>
      %dma_start3A_201 = arith.constant 0 : i32
      %dma_start3A_202 = arith.constant 0 : i32
      %dma_start3A_203 = tpu.memref_slice %arg8[%run_scoped3A_42, %dma_start3A_201, %dma_start3A_202] : memref<3x80x128xf32, #tpu.memory_space<vmem>> -> memref<1x80x128xf32, #tpu.memory_space<vmem>>
      %dma_start3A_204 = tpu.memref_squeeze %dma_start3A_203 : memref<1x80x128xf32, #tpu.memory_space<vmem>> -> memref<80x128xf32, #tpu.memory_space<vmem>>
      tpu.enqueue_dma source(%dma_start3A_204 : memref<80x128xf32, #tpu.memory_space<vmem>>) target(%dma_start3A_200 : memref<80x128xf32, #tpu.memory_space<vmem_shared>>) target_semaphore(%run_scoped3A_192 : memref<!tpu.dma_semaphore, #tpu.memory_space<semaphore_mem>>)
      %dma_wait3A_205 = arith.constant 0 : i32
      %dma_wait3A_206 = arith.constant 0 : i32
      %dma_wait3A_207 = tpu.memref_slice %arg8[%run_scoped3A_42, %dma_wait3A_205, %dma_wait3A_206] : memref<3x80x128xf32, #tpu.memory_space<vmem>> -> memref<1x80x128xf32, #tpu.memory_space<vmem>>
      %dma_wait3A_208 = tpu.memref_squeeze %dma_wait3A_207 : memref<1x80x128xf32, #tpu.memory_space<vmem>> -> memref<80x128xf32, #tpu.memory_space<vmem>>
      %dma_wait3A_209 = arith.constant 0 : i32
      %dma_wait3A_210 = tpu.memref_slice %arg9[%add3A_41, %dma_wait3A_209] : memref<10000x128xf32, #tpu.memory_space<vmem_shared>> -> memref<80x128xf32, #tpu.memory_space<vmem_shared>>
      %dma_wait3A_211 = arith.constant 0 : i32
      %dma_wait3A_212 = tpu.memref_slice %arg9[%add3A_41, %dma_wait3A_211] : memref<10000x128xf32, #tpu.memory_space<vmem_shared>> -> memref<80x128xf32, #tpu.memory_space<vmem_shared>>
      %dma_wait3A_213 = arith.constant 0 : i32
      %dma_wait3A_214 = arith.constant 0 : i32
      %dma_wait3A_215 = tpu.memref_slice %arg8[%run_scoped3A_42, %dma_wait3A_213, %dma_wait3A_214] : memref<3x80x128xf32, #tpu.memory_space<vmem>> -> memref<1x80x128xf32, #tpu.memory_space<vmem>>
      %dma_wait3A_216 = tpu.memref_squeeze %dma_wait3A_215 : memref<1x80x128xf32, #tpu.memory_space<vmem>> -> memref<80x128xf32, #tpu.memory_space<vmem>>
      tpu.wait_dma2 semaphore(%run_scoped3A_192 : memref<!tpu.dma_semaphore, #tpu.memory_space<semaphore_mem>>) src(%dma_wait3A_216 : memref<80x128xf32, #tpu.memory_space<vmem>>) dst(%dma_wait3A_212 : memref<80x128xf32, #tpu.memory_space<vmem_shared>>)
      tpu.yield
    }) : () -> ()
    %mul3A_43 = arith.constant 625 : i32
    %mul3A_44 = arith.muli %arg1, %mul3A_43 : i32
    %add3A_45 = arith.constant 625 : i32
    %add3A_46 = arith.addi %mul3A_44, %add3A_45 : i32
    %sub3A = arith.constant 80 : i32
    %sub3A_47 = arith.subi %add3A_46, %sub3A : i32
    %run_scoped3A_48 = arith.constant 0 : i32
    "tpu.region"() ({
      %run_scoped3A_192 = tpu.sem_alloc : memref<!tpu.dma_semaphore, #tpu.memory_space<semaphore_mem>>
      %dma_start3A_193 = arith.constant 0 : i32
      %dma_start3A_194 = arith.constant 0 : i32
      %dma_start3A_195 = tpu.memref_slice %arg8[%run_scoped3A_48, %dma_start3A_193, %dma_start3A_194] : memref<3x80x128xf32, #tpu.memory_space<vmem>> -> memref<1x80x128xf32, #tpu.memory_space<vmem>>
      %dma_start3A_196 = tpu.memref_squeeze %dma_start3A_195 : memref<1x80x128xf32, #tpu.memory_space<vmem>> -> memref<80x128xf32, #tpu.memory_space<vmem>>
      %dma_start3A_197 = arith.constant 0 : i32
      %dma_start3A_198 = tpu.memref_slice %arg9[%sub3A_47, %dma_start3A_197] : memref<10000x128xf32, #tpu.memory_space<vmem_shared>> -> memref<80x128xf32, #tpu.memory_space<vmem_shared>>
      %dma_start3A_199 = arith.constant 0 : i32
      %dma_start3A_200 = tpu.memref_slice %arg9[%sub3A_47, %dma_start3A_199] : memref<10000x128xf32, #tpu.memory_space<vmem_shared>> -> memref<80x128xf32, #tpu.memory_space<vmem_shared>>
      %dma_start3A_201 = arith.constant 0 : i32
      %dma_start3A_202 = arith.constant 0 : i32
      %dma_start3A_203 = tpu.memref_slice %arg8[%run_scoped3A_48, %dma_start3A_201, %dma_start3A_202] : memref<3x80x128xf32, #tpu.memory_space<vmem>> -> memref<1x80x128xf32, #tpu.memory_space<vmem>>
      %dma_start3A_204 = tpu.memref_squeeze %dma_start3A_203 : memref<1x80x128xf32, #tpu.memory_space<vmem>> -> memref<80x128xf32, #tpu.memory_space<vmem>>
      tpu.enqueue_dma source(%dma_start3A_204 : memref<80x128xf32, #tpu.memory_space<vmem>>) target(%dma_start3A_200 : memref<80x128xf32, #tpu.memory_space<vmem_shared>>) target_semaphore(%run_scoped3A_192 : memref<!tpu.dma_semaphore, #tpu.memory_space<semaphore_mem>>)
      %dma_wait3A_205 = arith.constant 0 : i32
      %dma_wait3A_206 = arith.constant 0 : i32
      %dma_wait3A_207 = tpu.memref_slice %arg8[%run_scoped3A_48, %dma_wait3A_205, %dma_wait3A_206] : memref<3x80x128xf32, #tpu.memory_space<vmem>> -> memref<1x80x128xf32, #tpu.memory_space<vmem>>
      %dma_wait3A_208 = tpu.memref_squeeze %dma_wait3A_207 : memref<1x80x128xf32, #tpu.memory_space<vmem>> -> memref<80x128xf32, #tpu.memory_space<vmem>>
      %dma_wait3A_209 = arith.constant 0 : i32
      %dma_wait3A_210 = tpu.memref_slice %arg9[%sub3A_47, %dma_wait3A_209] : memref<10000x128xf32, #tpu.memory_space<vmem_shared>> -> memref<80x128xf32, #tpu.memory_space<vmem_shared>>
      %dma_wait3A_211 = arith.constant 0 : i32
      %dma_wait3A_212 = tpu.memref_slice %arg9[%sub3A_47, %dma_wait3A_211] : memref<10000x128xf32, #tpu.memory_space<vmem_shared>> -> memref<80x128xf32, #tpu.memory_space<vmem_shared>>
      %dma_wait3A_213 = arith.constant 0 : i32
      %dma_wait3A_214 = arith.constant 0 : i32
      %dma_wait3A_215 = tpu.memref_slice %arg8[%run_scoped3A_48, %dma_wait3A_213, %dma_wait3A_214] : memref<3x80x128xf32, #tpu.memory_space<vmem>> -> memref<1x80x128xf32, #tpu.memory_space<vmem>>
      %dma_wait3A_216 = tpu.memref_squeeze %dma_wait3A_215 : memref<1x80x128xf32, #tpu.memory_space<vmem>> -> memref<80x128xf32, #tpu.memory_space<vmem>>
      tpu.wait_dma2 semaphore(%run_scoped3A_192 : memref<!tpu.dma_semaphore, #tpu.memory_space<semaphore_mem>>) src(%dma_wait3A_216 : memref<80x128xf32, #tpu.memory_space<vmem>>) dst(%dma_wait3A_212 : memref<80x128xf32, #tpu.memory_space<vmem_shared>>)
      tpu.yield
    }) : () -> ()
    %mul3A_49 = arith.constant 10000 : i32
    %mul3A_50 = arith.muli %add3A, %mul3A_49 : i32
    "tpu.region"() ({
      %run_scoped3A_192 = tpu.sem_alloc : memref<!tpu.dma_semaphore, #tpu.memory_space<semaphore_mem>>
      %dma_start3A_193 = tpu.memref_slice %arg3[%mul3A_50] : memref<320000xi32, #tpu.memory_space<hbm>> -> memref<10000xi32, #tpu.memory_space<hbm>>
      %dma_start3A_194 = tpu.memref_slice %arg3[%mul3A_50] : memref<320000xi32, #tpu.memory_space<hbm>> -> memref<10000xi32, #tpu.memory_space<hbm>>
      tpu.enqueue_dma source(%dma_start3A_194 : memref<10000xi32, #tpu.memory_space<hbm>>) target(%arg6 : memref<10000xi32, #tpu.memory_space<vmem>>) target_semaphore(%run_scoped3A_192 : memref<!tpu.dma_semaphore, #tpu.memory_space<semaphore_mem>>)
      %dma_wait3A_195 = tpu.memref_slice %arg3[%mul3A_50] : memref<320000xi32, #tpu.memory_space<hbm>> -> memref<10000xi32, #tpu.memory_space<hbm>>
      %dma_wait3A_196 = tpu.memref_slice %arg3[%mul3A_50] : memref<320000xi32, #tpu.memory_space<hbm>> -> memref<10000xi32, #tpu.memory_space<hbm>>
      tpu.wait_dma2 semaphore(%run_scoped3A_192 : memref<!tpu.dma_semaphore, #tpu.memory_space<semaphore_mem>>) src(%dma_wait3A_196 : memref<10000xi32, #tpu.memory_space<hbm>>) dst(%arg6 : memref<10000xi32, #tpu.memory_space<vmem>>)
      tpu.yield
    }) : () -> ()
    %mul3A_51 = arith.constant 10000 : i32
    %mul3A_52 = arith.muli %add3A, %mul3A_51 : i32
    %scan3A_53 = arith.constant 0 : i32
    %scan3A_54 = arith.constant 0 : i32
    %scan3A_55 = arith.constant 125 : i32
    %scan3A_56 = arith.addi %scan3A_54, %scan3A_55 : i32
    %scan3A_57 = arith.constant 1 : i32
    %scan3A_58 = scf.for %scan3A_192 = %scan3A_54 to %scan3A_56 step %scan3A_57 iter_args(%scan3A_193 = %scan3A_53) -> (i32)  : i32 {
      %mul3A_194 = arith.constant 80 : i32
      %mul3A_195 = arith.muli %scan3A_192, %mul3A_194 : i32
      %add3A_196 = arith.addi %mul3A_52, %mul3A_195 : i32
      %dma_start3A_197 = arith.constant 0 : i32
      %dma_start3A_198 = tpu.memref_slice %arg7[%scan3A_192, %dma_start3A_197] : memref<125x80xi32, #tpu.memory_space<vmem>> -> memref<1x80xi32, #tpu.memory_space<vmem>>
      %dma_start3A_199 = tpu.memref_squeeze %dma_start3A_198 : memref<1x80xi32, #tpu.memory_space<vmem>> -> memref<80xi32, #tpu.memory_space<vmem>>
      %dma_start3A_200 = tpu.memref_slice %arg4[%add3A_196] : memref<320000xi32, #tpu.memory_space<hbm>> -> memref<80xi32, #tpu.memory_space<hbm>>
      %dma_start3A_201 = arith.constant 0 : i32
      %dma_start3A_202 = tpu.memref_slice %arg7[%scan3A_192, %dma_start3A_201] : memref<125x80xi32, #tpu.memory_space<vmem>> -> memref<1x80xi32, #tpu.memory_space<vmem>>
      %dma_start3A_203 = tpu.memref_squeeze %dma_start3A_202 : memref<1x80xi32, #tpu.memory_space<vmem>> -> memref<80xi32, #tpu.memory_space<vmem>>
      %dma_start3A_204 = tpu.memref_slice %arg4[%add3A_196] : memref<320000xi32, #tpu.memory_space<hbm>> -> memref<80xi32, #tpu.memory_space<hbm>>
      tpu.enqueue_dma source(%dma_start3A_204 : memref<80xi32, #tpu.memory_space<hbm>>) target(%dma_start3A_203 : memref<80xi32, #tpu.memory_space<vmem>>) target_semaphore(%arg10 : memref<!tpu.dma_semaphore, #tpu.memory_space<semaphore_mem>>)
      %scan3A_205 = arith.constant 0 : i32
      scf.yield %scan3A_205 : i32
    }
    %scan3A_59 = arith.constant 125 : i32
    %scan3A_60 = arith.constant 0 : i32
    %scan3A_61 = arith.constant 0 : i32
    %scan3A_62 = arith.constant 125 : i32
    %scan3A_63 = arith.addi %scan3A_61, %scan3A_62 : i32
    %scan3A_64 = arith.constant 1 : i32
    %scan3A_65 = scf.for %scan3A_192 = %scan3A_61 to %scan3A_63 step %scan3A_64 iter_args(%scan3A_193 = %scan3A_60) -> (i32)  : i32 {
      %mul3A_194 = arith.constant 80 : i32
      %mul3A_195 = arith.muli %scan3A_192, %mul3A_194 : i32
      %add3A_196 = arith.addi %mul3A_52, %mul3A_195 : i32
      %dma_wait3A_197 = arith.constant 0 : i32
      %dma_wait3A_198 = tpu.memref_slice %arg7[%scan3A_192, %dma_wait3A_197] : memref<125x80xi32, #tpu.memory_space<vmem>> -> memref<1x80xi32, #tpu.memory_space<vmem>>
      %dma_wait3A_199 = tpu.memref_squeeze %dma_wait3A_198 : memref<1x80xi32, #tpu.memory_space<vmem>> -> memref<80xi32, #tpu.memory_space<vmem>>
      %dma_wait3A_200 = tpu.memref_slice %arg4[%add3A_196] : memref<320000xi32, #tpu.memory_space<hbm>> -> memref<80xi32, #tpu.memory_space<hbm>>
      %dma_wait3A_201 = arith.constant 0 : i32
      %dma_wait3A_202 = tpu.memref_slice %arg7[%scan3A_192, %dma_wait3A_201] : memref<125x80xi32, #tpu.memory_space<vmem>> -> memref<1x80xi32, #tpu.memory_space<vmem>>
      %dma_wait3A_203 = tpu.memref_squeeze %dma_wait3A_202 : memref<1x80xi32, #tpu.memory_space<vmem>> -> memref<80xi32, #tpu.memory_space<vmem>>
      %dma_wait3A_204 = tpu.memref_slice %arg4[%add3A_196] : memref<320000xi32, #tpu.memory_space<hbm>> -> memref<80xi32, #tpu.memory_space<hbm>>
      tpu.wait_dma2 semaphore(%arg10 : memref<!tpu.dma_semaphore, #tpu.memory_space<semaphore_mem>>) src(%dma_wait3A_204 : memref<80xi32, #tpu.memory_space<hbm>>) dst(%dma_wait3A_203 : memref<80xi32, #tpu.memory_space<vmem>>)
      %scan3A_205 = arith.constant 0 : i32
      scf.yield %scan3A_205 : i32
    }
    %scan3A_66 = arith.constant 125 : i32
    %barrier3A = arith.constant 0 : index
    tpu.barrier barrier_id(%barrier3A)
    %dma_start3A = arith.constant 0 : i32
    %dma_start3A_67 = arith.constant 0 : i32
    %dma_start3A_68 = arith.constant 0 : i32
    %dma_start3A_69 = tpu.memref_slice %arg8[%dma_start3A, %dma_start3A_67, %dma_start3A_68] : memref<3x80x128xf32, #tpu.memory_space<vmem>> -> memref<1x80x128xf32, #tpu.memory_space<vmem>>
    %dma_start3A_70 = tpu.memref_squeeze %dma_start3A_69 : memref<1x80x128xf32, #tpu.memory_space<vmem>> -> memref<80x128xf32, #tpu.memory_space<vmem>>
    %dma_start3A_71 = arith.constant 0 : i32
    %dma_start3A_72 = tpu.memref_slice %arg6[%dma_start3A_71] : memref<10000xi32, #tpu.memory_space<vmem>> -> memref<80xi32, #tpu.memory_space<vmem>>
    %dma_start3A_73 = arith.constant 0 : i32
    %dma_start3A_74 = arith.constant 0 : i32
    %dma_start3A_75 = tpu.memref_slice %arg2[%dma_start3A_73, %dma_start3A_74] : memref<10000x128xf32, #tpu.memory_space<hbm>> -> memref<10000x128xf32, #tpu.memory_space<hbm>>
    tpu.enqueue_indirect_dma source(%dma_start3A_75 : memref<10000x128xf32, #tpu.memory_space<hbm>>) target(%dma_start3A_70 : memref<80x128xf32, #tpu.memory_space<vmem>>) offsets(%dma_start3A_72 : memref<80xi32, #tpu.memory_space<vmem>>) semaphore(%arg11 : memref<!tpu.dma_semaphore, #tpu.memory_space<semaphore_mem>>)
    %scan3A_76 = arith.constant 0 : i32
    %scan3A_77 = arith.constant 0 : i32
    %scan3A_78 = arith.constant 41 : i32
    %scan3A_79 = arith.addi %scan3A_77, %scan3A_78 : i32
    %scan3A_80 = arith.constant 1 : i32
    %scan3A_81 = scf.for %scan3A_192 = %scan3A_77 to %scan3A_79 step %scan3A_80 iter_args(%scan3A_193 = %scan3A_76) -> (i32)  : i32 {
      %mul3A_194 = arith.constant 3 : i32
      %mul3A_195 = arith.muli %scan3A_192, %mul3A_194 : i32
      %add3A_196 = arith.constant 0 : i32
      %add3A_197 = arith.addi %mul3A_195, %add3A_196 : i32
      %ge3A = arith.constant 2 : i32
      %ge3A_198 = arith.cmpi sge, %add3A_197, %ge3A : i32
      %convert_element_type3A = arith.extui %ge3A_198 : i1 to i32
      %cond3A = arith.constant 0 : i32
      %cond3A_199 = arith.cmpi ne, %convert_element_type3A, %cond3A : i32
      scf.if %cond3A_199 {
        %add3A_324 = arith.constant 1 : i32
        %add3A_325 = arith.addi %add3A_197, %add3A_324 : i32
        %sub3A_326 = arith.constant 3 : i32
        %sub3A_327 = arith.subi %add3A_325, %sub3A_326 : i32
        %dma_wait3A_328 = arith.constant 1 : i32
        %dma_wait3A_329 = arith.constant 0 : i32
        %dma_wait3A_330 = arith.constant 0 : i32
        %dma_wait3A_331 = tpu.memref_slice %arg8[%dma_wait3A_328, %dma_wait3A_329, %dma_wait3A_330] : memref<3x80x128xf32, #tpu.memory_space<vmem>> -> memref<1x80x128xf32, #tpu.memory_space<vmem>>
        %dma_wait3A_332 = tpu.memref_squeeze %dma_wait3A_331 : memref<1x80x128xf32, #tpu.memory_space<vmem>> -> memref<80x128xf32, #tpu.memory_space<vmem>>
        %dma_wait3A_333 = arith.constant 0 : i32
        %dma_wait3A_334 = tpu.memref_slice %arg7[%sub3A_327, %dma_wait3A_333] : memref<125x80xi32, #tpu.memory_space<vmem>> -> memref<1x80xi32, #tpu.memory_space<vmem>>
        %dma_wait3A_335 = tpu.memref_squeeze %dma_wait3A_334 : memref<1x80xi32, #tpu.memory_space<vmem>> -> memref<80xi32, #tpu.memory_space<vmem>>
        %dma_wait3A_336 = arith.constant 0 : i32
        %dma_wait3A_337 = arith.constant 0 : i32
        %dma_wait3A_338 = tpu.memref_slice %arg9[%dma_wait3A_336, %dma_wait3A_337] : memref<10000x128xf32, #tpu.memory_space<vmem_shared>> -> memref<10000x128xf32, #tpu.memory_space<vmem_shared>>
        tpu.wait_indirect_dma semaphore(%arg15 : memref<!tpu.dma_semaphore, #tpu.memory_space<semaphore_mem>>) src(%dma_wait3A_332 : memref<80x128xf32, #tpu.memory_space<vmem>>) dst(%dma_wait3A_338 : memref<10000x128xf32, #tpu.memory_space<vmem_shared>>)
      } else {
      }
      %add3A_200 = arith.constant 1 : i32
      %add3A_201 = arith.addi %add3A_197, %add3A_200 : i32
      %mul3A_202 = arith.constant 80 : i32
      %mul3A_203 = arith.muli %add3A_201, %mul3A_202 : i32
      %dma_start3A_204 = arith.constant 1 : i32
      %dma_start3A_205 = arith.constant 0 : i32
      %dma_start3A_206 = arith.constant 0 : i32
      %dma_start3A_207 = tpu.memref_slice %arg8[%dma_start3A_204, %dma_start3A_205, %dma_start3A_206] : memref<3x80x128xf32, #tpu.memory_space<vmem>> -> memref<1x80x128xf32, #tpu.memory_space<vmem>>
      %dma_start3A_208 = tpu.memref_squeeze %dma_start3A_207 : memref<1x80x128xf32, #tpu.memory_space<vmem>> -> memref<80x128xf32, #tpu.memory_space<vmem>>
      %dma_start3A_209 = tpu.memref_slice %arg6[%mul3A_203] : memref<10000xi32, #tpu.memory_space<vmem>> -> memref<80xi32, #tpu.memory_space<vmem>>
      %dma_start3A_210 = arith.constant 0 : i32
      %dma_start3A_211 = arith.constant 0 : i32
      %dma_start3A_212 = tpu.memref_slice %arg2[%dma_start3A_210, %dma_start3A_211] : memref<10000x128xf32, #tpu.memory_space<hbm>> -> memref<10000x128xf32, #tpu.memory_space<hbm>>
      tpu.enqueue_indirect_dma source(%dma_start3A_212 : memref<10000x128xf32, #tpu.memory_space<hbm>>) target(%dma_start3A_208 : memref<80x128xf32, #tpu.memory_space<vmem>>) offsets(%dma_start3A_209 : memref<80xi32, #tpu.memory_space<vmem>>) semaphore(%arg12 : memref<!tpu.dma_semaphore, #tpu.memory_space<semaphore_mem>>)
      %mul3A_213 = arith.constant 80 : i32
      %mul3A_214 = arith.muli %add3A_197, %mul3A_213 : i32
      %dma_wait3A_215 = arith.constant 0 : i32
      %dma_wait3A_216 = arith.constant 0 : i32
      %dma_wait3A_217 = arith.constant 0 : i32
      %dma_wait3A_218 = tpu.memref_slice %arg8[%dma_wait3A_215, %dma_wait3A_216, %dma_wait3A_217] : memref<3x80x128xf32, #tpu.memory_space<vmem>> -> memref<1x80x128xf32, #tpu.memory_space<vmem>>
      %dma_wait3A_219 = tpu.memref_squeeze %dma_wait3A_218 : memref<1x80x128xf32, #tpu.memory_space<vmem>> -> memref<80x128xf32, #tpu.memory_space<vmem>>
      %dma_wait3A_220 = tpu.memref_slice %arg6[%mul3A_214] : memref<10000xi32, #tpu.memory_space<vmem>> -> memref<80xi32, #tpu.memory_space<vmem>>
      %dma_wait3A_221 = arith.constant 0 : i32
      %dma_wait3A_222 = arith.constant 0 : i32
      %dma_wait3A_223 = tpu.memref_slice %arg2[%dma_wait3A_221, %dma_wait3A_222] : memref<10000x128xf32, #tpu.memory_space<hbm>> -> memref<10000x128xf32, #tpu.memory_space<hbm>>
      tpu.wait_indirect_dma semaphore(%arg11 : memref<!tpu.dma_semaphore, #tpu.memory_space<semaphore_mem>>) src(%dma_wait3A_223 : memref<10000x128xf32, #tpu.memory_space<hbm>>) dst(%dma_wait3A_219 : memref<80x128xf32, #tpu.memory_space<vmem>>)
      %dma_start3A_224 = arith.constant 0 : i32
      %dma_start3A_225 = arith.constant 0 : i32
      %dma_start3A_226 = arith.constant 0 : i32
      %dma_start3A_227 = tpu.memref_slice %arg8[%dma_start3A_224, %dma_start3A_225, %dma_start3A_226] : memref<3x80x128xf32, #tpu.memory_space<vmem>> -> memref<1x80x128xf32, #tpu.memory_space<vmem>>
      %dma_start3A_228 = tpu.memref_squeeze %dma_start3A_227 : memref<1x80x128xf32, #tpu.memory_space<vmem>> -> memref<80x128xf32, #tpu.memory_space<vmem>>
      %dma_start3A_229 = arith.constant 0 : i32
      %dma_start3A_230 = tpu.memref_slice %arg7[%add3A_197, %dma_start3A_229] : memref<125x80xi32, #tpu.memory_space<vmem>> -> memref<1x80xi32, #tpu.memory_space<vmem>>
      %dma_start3A_231 = tpu.memref_squeeze %dma_start3A_230 : memref<1x80xi32, #tpu.memory_space<vmem>> -> memref<80xi32, #tpu.memory_space<vmem>>
      %dma_start3A_232 = arith.constant 0 : i32
      %dma_start3A_233 = arith.constant 0 : i32
      %dma_start3A_234 = tpu.memref_slice %arg9[%dma_start3A_232, %dma_start3A_233] : memref<10000x128xf32, #tpu.memory_space<vmem_shared>> -> memref<10000x128xf32, #tpu.memory_space<vmem_shared>>
      tpu.enqueue_indirect_dma source(%dma_start3A_228 : memref<80x128xf32, #tpu.memory_space<vmem>>) target(%dma_start3A_234 : memref<10000x128xf32, #tpu.memory_space<vmem_shared>>) offsets(%dma_start3A_231 : memref<80xi32, #tpu.memory_space<vmem>>) semaphore(%arg14 : memref<!tpu.dma_semaphore, #tpu.memory_space<semaphore_mem>>) {add = true}
      %mul3A_235 = arith.constant 3 : i32
      %mul3A_236 = arith.muli %scan3A_192, %mul3A_235 : i32
      %add3A_237 = arith.constant 1 : i32
      %add3A_238 = arith.addi %mul3A_236, %add3A_237 : i32
      %ge3A_239 = arith.constant 2 : i32
      %ge3A_240 = arith.cmpi sge, %add3A_238, %ge3A_239 : i32
      %convert_element_type3A_241 = arith.extui %ge3A_240 : i1 to i32
      %cond3A_242 = arith.constant 0 : i32
      %cond3A_243 = arith.cmpi ne, %convert_element_type3A_241, %cond3A_242 : i32
      scf.if %cond3A_243 {
        %add3A_324 = arith.constant 1 : i32
        %add3A_325 = arith.addi %add3A_238, %add3A_324 : i32
        %sub3A_326 = arith.constant 3 : i32
        %sub3A_327 = arith.subi %add3A_325, %sub3A_326 : i32
        %dma_wait3A_328 = arith.constant 2 : i32
        %dma_wait3A_329 = arith.constant 0 : i32
        %dma_wait3A_330 = arith.constant 0 : i32
        %dma_wait3A_331 = tpu.memref_slice %arg8[%dma_wait3A_328, %dma_wait3A_329, %dma_wait3A_330] : memref<3x80x128xf32, #tpu.memory_space<vmem>> -> memref<1x80x128xf32, #tpu.memory_space<vmem>>
        %dma_wait3A_332 = tpu.memref_squeeze %dma_wait3A_331 : memref<1x80x128xf32, #tpu.memory_space<vmem>> -> memref<80x128xf32, #tpu.memory_space<vmem>>
        %dma_wait3A_333 = arith.constant 0 : i32
        %dma_wait3A_334 = tpu.memref_slice %arg7[%sub3A_327, %dma_wait3A_333] : memref<125x80xi32, #tpu.memory_space<vmem>> -> memref<1x80xi32, #tpu.memory_space<vmem>>
        %dma_wait3A_335 = tpu.memref_squeeze %dma_wait3A_334 : memref<1x80xi32, #tpu.memory_space<vmem>> -> memref<80xi32, #tpu.memory_space<vmem>>
        %dma_wait3A_336 = arith.constant 0 : i32
        %dma_wait3A_337 = arith.constant 0 : i32
        %dma_wait3A_338 = tpu.memref_slice %arg9[%dma_wait3A_336, %dma_wait3A_337] : memref<10000x128xf32, #tpu.memory_space<vmem_shared>> -> memref<10000x128xf32, #tpu.memory_space<vmem_shared>>
        tpu.wait_indirect_dma semaphore(%arg16 : memref<!tpu.dma_semaphore, #tpu.memory_space<semaphore_mem>>) src(%dma_wait3A_332 : memref<80x128xf32, #tpu.memory_space<vmem>>) dst(%dma_wait3A_338 : memref<10000x128xf32, #tpu.memory_space<vmem_shared>>)
      } else {
      }
      %add3A_244 = arith.constant 1 : i32
      %add3A_245 = arith.addi %add3A_238, %add3A_244 : i32
      %mul3A_246 = arith.constant 80 : i32
      %mul3A_247 = arith.muli %add3A_245, %mul3A_246 : i32
      %dma_start3A_248 = arith.constant 2 : i32
      %dma_start3A_249 = arith.constant 0 : i32
      %dma_start3A_250 = arith.constant 0 : i32
      %dma_start3A_251 = tpu.memref_slice %arg8[%dma_start3A_248, %dma_start3A_249, %dma_start3A_250] : memref<3x80x128xf32, #tpu.memory_space<vmem>> -> memref<1x80x128xf32, #tpu.memory_space<vmem>>
      %dma_start3A_252 = tpu.memref_squeeze %dma_start3A_251 : memref<1x80x128xf32, #tpu.memory_space<vmem>> -> memref<80x128xf32, #tpu.memory_space<vmem>>
      %dma_start3A_253 = tpu.memref_slice %arg6[%mul3A_247] : memref<10000xi32, #tpu.memory_space<vmem>> -> memref<80xi32, #tpu.memory_space<vmem>>
      %dma_start3A_254 = arith.constant 0 : i32
      %dma_start3A_255 = arith.constant 0 : i32
      %dma_start3A_256 = tpu.memref_slice %arg2[%dma_start3A_254, %dma_start3A_255] : memref<10000x128xf32, #tpu.memory_space<hbm>> -> memref<10000x128xf32, #tpu.memory_space<hbm>>
      tpu.enqueue_indirect_dma source(%dma_start3A_256 : memref<10000x128xf32, #tpu.memory_space<hbm>>) target(%dma_start3A_252 : memref<80x128xf32, #tpu.memory_space<vmem>>) offsets(%dma_start3A_253 : memref<80xi32, #tpu.memory_space<vmem>>) semaphore(%arg13 : memref<!tpu.dma_semaphore, #tpu.memory_space<semaphore_mem>>)
      %mul3A_257 = arith.constant 80 : i32
      %mul3A_258 = arith.muli %add3A_238, %mul3A_257 : i32
      %dma_wait3A_259 = arith.constant 1 : i32
      %dma_wait3A_260 = arith.constant 0 : i32
      %dma_wait3A_261 = arith.constant 0 : i32
      %dma_wait3A_262 = tpu.memref_slice %arg8[%dma_wait3A_259, %dma_wait3A_260, %dma_wait3A_261] : memref<3x80x128xf32, #tpu.memory_space<vmem>> -> memref<1x80x128xf32, #tpu.memory_space<vmem>>
      %dma_wait3A_263 = tpu.memref_squeeze %dma_wait3A_262 : memref<1x80x128xf32, #tpu.memory_space<vmem>> -> memref<80x128xf32, #tpu.memory_space<vmem>>
      %dma_wait3A_264 = tpu.memref_slice %arg6[%mul3A_258] : memref<10000xi32, #tpu.memory_space<vmem>> -> memref<80xi32, #tpu.memory_space<vmem>>
      %dma_wait3A_265 = arith.constant 0 : i32
      %dma_wait3A_266 = arith.constant 0 : i32
      %dma_wait3A_267 = tpu.memref_slice %arg2[%dma_wait3A_265, %dma_wait3A_266] : memref<10000x128xf32, #tpu.memory_space<hbm>> -> memref<10000x128xf32, #tpu.memory_space<hbm>>
      tpu.wait_indirect_dma semaphore(%arg12 : memref<!tpu.dma_semaphore, #tpu.memory_space<semaphore_mem>>) src(%dma_wait3A_267 : memref<10000x128xf32, #tpu.memory_space<hbm>>) dst(%dma_wait3A_263 : memref<80x128xf32, #tpu.memory_space<vmem>>)
      %dma_start3A_268 = arith.constant 1 : i32
      %dma_start3A_269 = arith.constant 0 : i32
      %dma_start3A_270 = arith.constant 0 : i32
      %dma_start3A_271 = tpu.memref_slice %arg8[%dma_start3A_268, %dma_start3A_269, %dma_start3A_270] : memref<3x80x128xf32, #tpu.memory_space<vmem>> -> memref<1x80x128xf32, #tpu.memory_space<vmem>>
      %dma_start3A_272 = tpu.memref_squeeze %dma_start3A_271 : memref<1x80x128xf32, #tpu.memory_space<vmem>> -> memref<80x128xf32, #tpu.memory_space<vmem>>
      %dma_start3A_273 = arith.constant 0 : i32
      %dma_start3A_274 = tpu.memref_slice %arg7[%add3A_238, %dma_start3A_273] : memref<125x80xi32, #tpu.memory_space<vmem>> -> memref<1x80xi32, #tpu.memory_space<vmem>>
      %dma_start3A_275 = tpu.memref_squeeze %dma_start3A_274 : memref<1x80xi32, #tpu.memory_space<vmem>> -> memref<80xi32, #tpu.memory_space<vmem>>
      %dma_start3A_276 = arith.constant 0 : i32
      %dma_start3A_277 = arith.constant 0 : i32
      %dma_start3A_278 = tpu.memref_slice %arg9[%dma_start3A_276, %dma_start3A_277] : memref<10000x128xf32, #tpu.memory_space<vmem_shared>> -> memref<10000x128xf32, #tpu.memory_space<vmem_shared>>
      tpu.enqueue_indirect_dma source(%dma_start3A_272 : memref<80x128xf32, #tpu.memory_space<vmem>>) target(%dma_start3A_278 : memref<10000x128xf32, #tpu.memory_space<vmem_shared>>) offsets(%dma_start3A_275 : memref<80xi32, #tpu.memory_space<vmem>>) semaphore(%arg15 : memref<!tpu.dma_semaphore, #tpu.memory_space<semaphore_mem>>) {add = true}
      %mul3A_279 = arith.constant 3 : i32
      %mul3A_280 = arith.muli %scan3A_192, %mul3A_279 : i32
      %add3A_281 = arith.constant 2 : i32
      %add3A_282 = arith.addi %mul3A_280, %add3A_281 : i32
      %ge3A_283 = arith.constant 2 : i32
      %ge3A_284 = arith.cmpi sge, %add3A_282, %ge3A_283 : i32
      %convert_element_type3A_285 = arith.extui %ge3A_284 : i1 to i32
      %cond3A_286 = arith.constant 0 : i32
      %cond3A_287 = arith.cmpi ne, %convert_element_type3A_285, %cond3A_286 : i32
      scf.if %cond3A_287 {
        %add3A_324 = arith.constant 1 : i32
        %add3A_325 = arith.addi %add3A_282, %add3A_324 : i32
        %sub3A_326 = arith.constant 3 : i32
        %sub3A_327 = arith.subi %add3A_325, %sub3A_326 : i32
        %dma_wait3A_328 = arith.constant 0 : i32
        %dma_wait3A_329 = arith.constant 0 : i32
        %dma_wait3A_330 = arith.constant 0 : i32
        %dma_wait3A_331 = tpu.memref_slice %arg8[%dma_wait3A_328, %dma_wait3A_329, %dma_wait3A_330] : memref<3x80x128xf32, #tpu.memory_space<vmem>> -> memref<1x80x128xf32, #tpu.memory_space<vmem>>
        %dma_wait3A_332 = tpu.memref_squeeze %dma_wait3A_331 : memref<1x80x128xf32, #tpu.memory_space<vmem>> -> memref<80x128xf32, #tpu.memory_space<vmem>>
        %dma_wait3A_333 = arith.constant 0 : i32
        %dma_wait3A_334 = tpu.memref_slice %arg7[%sub3A_327, %dma_wait3A_333] : memref<125x80xi32, #tpu.memory_space<vmem>> -> memref<1x80xi32, #tpu.memory_space<vmem>>
        %dma_wait3A_335 = tpu.memref_squeeze %dma_wait3A_334 : memref<1x80xi32, #tpu.memory_space<vmem>> -> memref<80xi32, #tpu.memory_space<vmem>>
        %dma_wait3A_336 = arith.constant 0 : i32
        %dma_wait3A_337 = arith.constant 0 : i32
        %dma_wait3A_338 = tpu.memref_slice %arg9[%dma_wait3A_336, %dma_wait3A_337] : memref<10000x128xf32, #tpu.memory_space<vmem_shared>> -> memref<10000x128xf32, #tpu.memory_space<vmem_shared>>
        tpu.wait_indirect_dma semaphore(%arg14 : memref<!tpu.dma_semaphore, #tpu.memory_space<semaphore_mem>>) src(%dma_wait3A_332 : memref<80x128xf32, #tpu.memory_space<vmem>>) dst(%dma_wait3A_338 : memref<10000x128xf32, #tpu.memory_space<vmem_shared>>)
      } else {
      }
      %add3A_288 = arith.constant 1 : i32
      %add3A_289 = arith.addi %add3A_282, %add3A_288 : i32
      %mul3A_290 = arith.constant 80 : i32
      %mul3A_291 = arith.muli %add3A_289, %mul3A_290 : i32
      %dma_start3A_292 = arith.constant 0 : i32
      %dma_start3A_293 = arith.constant 0 : i32
      %dma_start3A_294 = arith.constant 0 : i32
      %dma_start3A_295 = tpu.memref_slice %arg8[%dma_start3A_292, %dma_start3A_293, %dma_start3A_294] : memref<3x80x128xf32, #tpu.memory_space<vmem>> -> memref<1x80x128xf32, #tpu.memory_space<vmem>>
      %dma_start3A_296 = tpu.memref_squeeze %dma_start3A_295 : memref<1x80x128xf32, #tpu.memory_space<vmem>> -> memref<80x128xf32, #tpu.memory_space<vmem>>
      %dma_start3A_297 = tpu.memref_slice %arg6[%mul3A_291] : memref<10000xi32, #tpu.memory_space<vmem>> -> memref<80xi32, #tpu.memory_space<vmem>>
      %dma_start3A_298 = arith.constant 0 : i32
      %dma_start3A_299 = arith.constant 0 : i32
      %dma_start3A_300 = tpu.memref_slice %arg2[%dma_start3A_298, %dma_start3A_299] : memref<10000x128xf32, #tpu.memory_space<hbm>> -> memref<10000x128xf32, #tpu.memory_space<hbm>>
      tpu.enqueue_indirect_dma source(%dma_start3A_300 : memref<10000x128xf32, #tpu.memory_space<hbm>>) target(%dma_start3A_296 : memref<80x128xf32, #tpu.memory_space<vmem>>) offsets(%dma_start3A_297 : memref<80xi32, #tpu.memory_space<vmem>>) semaphore(%arg11 : memref<!tpu.dma_semaphore, #tpu.memory_space<semaphore_mem>>)
      %mul3A_301 = arith.constant 80 : i32
      %mul3A_302 = arith.muli %add3A_282, %mul3A_301 : i32
      %dma_wait3A_303 = arith.constant 2 : i32
      %dma_wait3A_304 = arith.constant 0 : i32
      %dma_wait3A_305 = arith.constant 0 : i32
      %dma_wait3A_306 = tpu.memref_slice %arg8[%dma_wait3A_303, %dma_wait3A_304, %dma_wait3A_305] : memref<3x80x128xf32, #tpu.memory_space<vmem>> -> memref<1x80x128xf32, #tpu.memory_space<vmem>>
      %dma_wait3A_307 = tpu.memref_squeeze %dma_wait3A_306 : memref<1x80x128xf32, #tpu.memory_space<vmem>> -> memref<80x128xf32, #tpu.memory_space<vmem>>
      %dma_wait3A_308 = tpu.memref_slice %arg6[%mul3A_302] : memref<10000xi32, #tpu.memory_space<vmem>> -> memref<80xi32, #tpu.memory_space<vmem>>
      %dma_wait3A_309 = arith.constant 0 : i32
      %dma_wait3A_310 = arith.constant 0 : i32
      %dma_wait3A_311 = tpu.memref_slice %arg2[%dma_wait3A_309, %dma_wait3A_310] : memref<10000x128xf32, #tpu.memory_space<hbm>> -> memref<10000x128xf32, #tpu.memory_space<hbm>>
      tpu.wait_indirect_dma semaphore(%arg13 : memref<!tpu.dma_semaphore, #tpu.memory_space<semaphore_mem>>) src(%dma_wait3A_311 : memref<10000x128xf32, #tpu.memory_space<hbm>>) dst(%dma_wait3A_307 : memref<80x128xf32, #tpu.memory_space<vmem>>)
      %dma_start3A_312 = arith.constant 2 : i32
      %dma_start3A_313 = arith.constant 0 : i32
      %dma_start3A_314 = arith.constant 0 : i32
      %dma_start3A_315 = tpu.memref_slice %arg8[%dma_start3A_312, %dma_start3A_313, %dma_start3A_314] : memref<3x80x128xf32, #tpu.memory_space<vmem>> -> memref<1x80x128xf32, #tpu.memory_space<vmem>>
      %dma_start3A_316 = tpu.memref_squeeze %dma_start3A_315 : memref<1x80x128xf32, #tpu.memory_space<vmem>> -> memref<80x128xf32, #tpu.memory_space<vmem>>
      %dma_start3A_317 = arith.constant 0 : i32
      %dma_start3A_318 = tpu.memref_slice %arg7[%add3A_282, %dma_start3A_317] : memref<125x80xi32, #tpu.memory_space<vmem>> -> memref<1x80xi32, #tpu.memory_space<vmem>>
      %dma_start3A_319 = tpu.memref_squeeze %dma_start3A_318 : memref<1x80xi32, #tpu.memory_space<vmem>> -> memref<80xi32, #tpu.memory_space<vmem>>
      %dma_start3A_320 = arith.constant 0 : i32
      %dma_start3A_321 = arith.constant 0 : i32
      %dma_start3A_322 = tpu.memref_slice %arg9[%dma_start3A_320, %dma_start3A_321] : memref<10000x128xf32, #tpu.memory_space<vmem_shared>> -> memref<10000x128xf32, #tpu.memory_space<vmem_shared>>
      tpu.enqueue_indirect_dma source(%dma_start3A_316 : memref<80x128xf32, #tpu.memory_space<vmem>>) target(%dma_start3A_322 : memref<10000x128xf32, #tpu.memory_space<vmem_shared>>) offsets(%dma_start3A_319 : memref<80xi32, #tpu.memory_space<vmem>>) semaphore(%arg16 : memref<!tpu.dma_semaphore, #tpu.memory_space<semaphore_mem>>) {add = true}
      %scan3A_323 = arith.constant 0 : i32
      scf.yield %scan3A_323 : i32
    }
    %scan3A_82 = arith.constant 41 : i32
    %dma_wait3A = arith.constant 1 : i32
    %dma_wait3A_83 = arith.constant 121 : i32
    %dma_wait3A_84 = arith.constant 0 : i32
    %dma_wait3A_85 = arith.constant 0 : i32
    %dma_wait3A_86 = tpu.memref_slice %arg8[%dma_wait3A, %dma_wait3A_84, %dma_wait3A_85] : memref<3x80x128xf32, #tpu.memory_space<vmem>> -> memref<1x80x128xf32, #tpu.memory_space<vmem>>
    %dma_wait3A_87 = tpu.memref_squeeze %dma_wait3A_86 : memref<1x80x128xf32, #tpu.memory_space<vmem>> -> memref<80x128xf32, #tpu.memory_space<vmem>>
    %dma_wait3A_88 = arith.constant 0 : i32
    %dma_wait3A_89 = tpu.memref_slice %arg7[%dma_wait3A_83, %dma_wait3A_88] : memref<125x80xi32, #tpu.memory_space<vmem>> -> memref<1x80xi32, #tpu.memory_space<vmem>>
    %dma_wait3A_90 = tpu.memref_squeeze %dma_wait3A_89 : memref<1x80xi32, #tpu.memory_space<vmem>> -> memref<80xi32, #tpu.memory_space<vmem>>
    %dma_wait3A_91 = arith.constant 0 : i32
    %dma_wait3A_92 = arith.constant 0 : i32
    %dma_wait3A_93 = tpu.memref_slice %arg9[%dma_wait3A_91, %dma_wait3A_92] : memref<10000x128xf32, #tpu.memory_space<vmem_shared>> -> memref<10000x128xf32, #tpu.memory_space<vmem_shared>>
    tpu.wait_indirect_dma semaphore(%arg15 : memref<!tpu.dma_semaphore, #tpu.memory_space<semaphore_mem>>) src(%dma_wait3A_87 : memref<80x128xf32, #tpu.memory_space<vmem>>) dst(%dma_wait3A_93 : memref<10000x128xf32, #tpu.memory_space<vmem_shared>>)
    %dma_start3A_94 = arith.constant 1 : i32
    %dma_start3A_95 = arith.constant 0 : i32
    %dma_start3A_96 = arith.constant 0 : i32
    %dma_start3A_97 = tpu.memref_slice %arg8[%dma_start3A_94, %dma_start3A_95, %dma_start3A_96] : memref<3x80x128xf32, #tpu.memory_space<vmem>> -> memref<1x80x128xf32, #tpu.memory_space<vmem>>
    %dma_start3A_98 = tpu.memref_squeeze %dma_start3A_97 : memref<1x80x128xf32, #tpu.memory_space<vmem>> -> memref<80x128xf32, #tpu.memory_space<vmem>>
    %dma_start3A_99 = arith.constant 9920 : i32
    %dma_start3A_100 = tpu.memref_slice %arg6[%dma_start3A_99] : memref<10000xi32, #tpu.memory_space<vmem>> -> memref<80xi32, #tpu.memory_space<vmem>>
    %dma_start3A_101 = arith.constant 0 : i32
    %dma_start3A_102 = arith.constant 0 : i32
    %dma_start3A_103 = tpu.memref_slice %arg2[%dma_start3A_101, %dma_start3A_102] : memref<10000x128xf32, #tpu.memory_space<hbm>> -> memref<10000x128xf32, #tpu.memory_space<hbm>>
    tpu.enqueue_indirect_dma source(%dma_start3A_103 : memref<10000x128xf32, #tpu.memory_space<hbm>>) target(%dma_start3A_98 : memref<80x128xf32, #tpu.memory_space<vmem>>) offsets(%dma_start3A_100 : memref<80xi32, #tpu.memory_space<vmem>>) semaphore(%arg12 : memref<!tpu.dma_semaphore, #tpu.memory_space<semaphore_mem>>)
    %dma_wait3A_104 = arith.constant 0 : i32
    %dma_wait3A_105 = arith.constant 0 : i32
    %dma_wait3A_106 = arith.constant 0 : i32
    %dma_wait3A_107 = tpu.memref_slice %arg8[%dma_wait3A_104, %dma_wait3A_105, %dma_wait3A_106] : memref<3x80x128xf32, #tpu.memory_space<vmem>> -> memref<1x80x128xf32, #tpu.memory_space<vmem>>
    %dma_wait3A_108 = tpu.memref_squeeze %dma_wait3A_107 : memref<1x80x128xf32, #tpu.memory_space<vmem>> -> memref<80x128xf32, #tpu.memory_space<vmem>>
    %dma_wait3A_109 = arith.constant 9840 : i32
    %dma_wait3A_110 = tpu.memref_slice %arg6[%dma_wait3A_109] : memref<10000xi32, #tpu.memory_space<vmem>> -> memref<80xi32, #tpu.memory_space<vmem>>
    %dma_wait3A_111 = arith.constant 0 : i32
    %dma_wait3A_112 = arith.constant 0 : i32
    %dma_wait3A_113 = tpu.memref_slice %arg2[%dma_wait3A_111, %dma_wait3A_112] : memref<10000x128xf32, #tpu.memory_space<hbm>> -> memref<10000x128xf32, #tpu.memory_space<hbm>>
    tpu.wait_indirect_dma semaphore(%arg11 : memref<!tpu.dma_semaphore, #tpu.memory_space<semaphore_mem>>) src(%dma_wait3A_113 : memref<10000x128xf32, #tpu.memory_space<hbm>>) dst(%dma_wait3A_108 : memref<80x128xf32, #tpu.memory_space<vmem>>)
    %dma_start3A_114 = arith.constant 0 : i32
    %dma_start3A_115 = arith.constant 123 : i32
    %dma_start3A_116 = arith.constant 0 : i32
    %dma_start3A_117 = arith.constant 0 : i32
    %dma_start3A_118 = tpu.memref_slice %arg8[%dma_start3A_114, %dma_start3A_116, %dma_start3A_117] : memref<3x80x128xf32, #tpu.memory_space<vmem>> -> memref<1x80x128xf32, #tpu.memory_space<vmem>>
    %dma_start3A_119 = tpu.memref_squeeze %dma_start3A_118 : memref<1x80x128xf32, #tpu.memory_space<vmem>> -> memref<80x128xf32, #tpu.memory_space<vmem>>
    %dma_start3A_120 = arith.constant 0 : i32
    %dma_start3A_121 = tpu.memref_slice %arg7[%dma_start3A_115, %dma_start3A_120] : memref<125x80xi32, #tpu.memory_space<vmem>> -> memref<1x80xi32, #tpu.memory_space<vmem>>
    %dma_start3A_122 = tpu.memref_squeeze %dma_start3A_121 : memref<1x80xi32, #tpu.memory_space<vmem>> -> memref<80xi32, #tpu.memory_space<vmem>>
    %dma_start3A_123 = arith.constant 0 : i32
    %dma_start3A_124 = arith.constant 0 : i32
    %dma_start3A_125 = tpu.memref_slice %arg9[%dma_start3A_123, %dma_start3A_124] : memref<10000x128xf32, #tpu.memory_space<vmem_shared>> -> memref<10000x128xf32, #tpu.memory_space<vmem_shared>>
    tpu.enqueue_indirect_dma source(%dma_start3A_119 : memref<80x128xf32, #tpu.memory_space<vmem>>) target(%dma_start3A_125 : memref<10000x128xf32, #tpu.memory_space<vmem_shared>>) offsets(%dma_start3A_122 : memref<80xi32, #tpu.memory_space<vmem>>) semaphore(%arg14 : memref<!tpu.dma_semaphore, #tpu.memory_space<semaphore_mem>>) {add = true}
    %dma_wait3A_126 = arith.constant 1 : i32
    %dma_wait3A_127 = arith.constant 0 : i32
    %dma_wait3A_128 = arith.constant 0 : i32
    %dma_wait3A_129 = tpu.memref_slice %arg8[%dma_wait3A_126, %dma_wait3A_127, %dma_wait3A_128] : memref<3x80x128xf32, #tpu.memory_space<vmem>> -> memref<1x80x128xf32, #tpu.memory_space<vmem>>
    %dma_wait3A_130 = tpu.memref_squeeze %dma_wait3A_129 : memref<1x80x128xf32, #tpu.memory_space<vmem>> -> memref<80x128xf32, #tpu.memory_space<vmem>>
    %dma_wait3A_131 = arith.constant 9920 : i32
    %dma_wait3A_132 = tpu.memref_slice %arg6[%dma_wait3A_131] : memref<10000xi32, #tpu.memory_space<vmem>> -> memref<80xi32, #tpu.memory_space<vmem>>
    %dma_wait3A_133 = arith.constant 0 : i32
    %dma_wait3A_134 = arith.constant 0 : i32
    %dma_wait3A_135 = tpu.memref_slice %arg2[%dma_wait3A_133, %dma_wait3A_134] : memref<10000x128xf32, #tpu.memory_space<hbm>> -> memref<10000x128xf32, #tpu.memory_space<hbm>>
    tpu.wait_indirect_dma semaphore(%arg12 : memref<!tpu.dma_semaphore, #tpu.memory_space<semaphore_mem>>) src(%dma_wait3A_135 : memref<10000x128xf32, #tpu.memory_space<hbm>>) dst(%dma_wait3A_130 : memref<80x128xf32, #tpu.memory_space<vmem>>)
    %dma_start3A_136 = arith.constant 1 : i32
    %dma_start3A_137 = arith.constant 124 : i32
    %dma_start3A_138 = arith.constant 0 : i32
    %dma_start3A_139 = arith.constant 0 : i32
    %dma_start3A_140 = tpu.memref_slice %arg8[%dma_start3A_136, %dma_start3A_138, %dma_start3A_139] : memref<3x80x128xf32, #tpu.memory_space<vmem>> -> memref<1x80x128xf32, #tpu.memory_space<vmem>>
    %dma_start3A_141 = tpu.memref_squeeze %dma_start3A_140 : memref<1x80x128xf32, #tpu.memory_space<vmem>> -> memref<80x128xf32, #tpu.memory_space<vmem>>
    %dma_start3A_142 = arith.constant 0 : i32
    %dma_start3A_143 = tpu.memref_slice %arg7[%dma_start3A_137, %dma_start3A_142] : memref<125x80xi32, #tpu.memory_space<vmem>> -> memref<1x80xi32, #tpu.memory_space<vmem>>
    %dma_start3A_144 = tpu.memref_squeeze %dma_start3A_143 : memref<1x80xi32, #tpu.memory_space<vmem>> -> memref<80xi32, #tpu.memory_space<vmem>>
    %dma_start3A_145 = arith.constant 0 : i32
    %dma_start3A_146 = arith.constant 0 : i32
    %dma_start3A_147 = tpu.memref_slice %arg9[%dma_start3A_145, %dma_start3A_146] : memref<10000x128xf32, #tpu.memory_space<vmem_shared>> -> memref<10000x128xf32, #tpu.memory_space<vmem_shared>>
    tpu.enqueue_indirect_dma source(%dma_start3A_141 : memref<80x128xf32, #tpu.memory_space<vmem>>) target(%dma_start3A_147 : memref<10000x128xf32, #tpu.memory_space<vmem_shared>>) offsets(%dma_start3A_144 : memref<80xi32, #tpu.memory_space<vmem>>) semaphore(%arg15 : memref<!tpu.dma_semaphore, #tpu.memory_space<semaphore_mem>>) {add = true}
    %dma_wait3A_148 = arith.constant 2 : i32
    %dma_wait3A_149 = arith.constant 122 : i32
    %dma_wait3A_150 = arith.constant 0 : i32
    %dma_wait3A_151 = arith.constant 0 : i32
    %dma_wait3A_152 = tpu.memref_slice %arg8[%dma_wait3A_148, %dma_wait3A_150, %dma_wait3A_151] : memref<3x80x128xf32, #tpu.memory_space<vmem>> -> memref<1x80x128xf32, #tpu.memory_space<vmem>>
    %dma_wait3A_153 = tpu.memref_squeeze %dma_wait3A_152 : memref<1x80x128xf32, #tpu.memory_space<vmem>> -> memref<80x128xf32, #tpu.memory_space<vmem>>
    %dma_wait3A_154 = arith.constant 0 : i32
    %dma_wait3A_155 = tpu.memref_slice %arg7[%dma_wait3A_149, %dma_wait3A_154] : memref<125x80xi32, #tpu.memory_space<vmem>> -> memref<1x80xi32, #tpu.memory_space<vmem>>
    %dma_wait3A_156 = tpu.memref_squeeze %dma_wait3A_155 : memref<1x80xi32, #tpu.memory_space<vmem>> -> memref<80xi32, #tpu.memory_space<vmem>>
    %dma_wait3A_157 = arith.constant 0 : i32
    %dma_wait3A_158 = arith.constant 0 : i32
    %dma_wait3A_159 = tpu.memref_slice %arg9[%dma_wait3A_157, %dma_wait3A_158] : memref<10000x128xf32, #tpu.memory_space<vmem_shared>> -> memref<10000x128xf32, #tpu.memory_space<vmem_shared>>
    tpu.wait_indirect_dma semaphore(%arg16 : memref<!tpu.dma_semaphore, #tpu.memory_space<semaphore_mem>>) src(%dma_wait3A_153 : memref<80x128xf32, #tpu.memory_space<vmem>>) dst(%dma_wait3A_159 : memref<10000x128xf32, #tpu.memory_space<vmem_shared>>)
    %dma_wait3A_160 = arith.constant 0 : i32
    %dma_wait3A_161 = arith.constant 123 : i32
    %dma_wait3A_162 = arith.constant 0 : i32
    %dma_wait3A_163 = arith.constant 0 : i32
    %dma_wait3A_164 = tpu.memref_slice %arg8[%dma_wait3A_160, %dma_wait3A_162, %dma_wait3A_163] : memref<3x80x128xf32, #tpu.memory_space<vmem>> -> memref<1x80x128xf32, #tpu.memory_space<vmem>>
    %dma_wait3A_165 = tpu.memref_squeeze %dma_wait3A_164 : memref<1x80x128xf32, #tpu.memory_space<vmem>> -> memref<80x128xf32, #tpu.memory_space<vmem>>
    %dma_wait3A_166 = arith.constant 0 : i32
    %dma_wait3A_167 = tpu.memref_slice %arg7[%dma_wait3A_161, %dma_wait3A_166] : memref<125x80xi32, #tpu.memory_space<vmem>> -> memref<1x80xi32, #tpu.memory_space<vmem>>
    %dma_wait3A_168 = tpu.memref_squeeze %dma_wait3A_167 : memref<1x80xi32, #tpu.memory_space<vmem>> -> memref<80xi32, #tpu.memory_space<vmem>>
    %dma_wait3A_169 = arith.constant 0 : i32
    %dma_wait3A_170 = arith.constant 0 : i32
    %dma_wait3A_171 = tpu.memref_slice %arg9[%dma_wait3A_169, %dma_wait3A_170] : memref<10000x128xf32, #tpu.memory_space<vmem_shared>> -> memref<10000x128xf32, #tpu.memory_space<vmem_shared>>
    tpu.wait_indirect_dma semaphore(%arg14 : memref<!tpu.dma_semaphore, #tpu.memory_space<semaphore_mem>>) src(%dma_wait3A_165 : memref<80x128xf32, #tpu.memory_space<vmem>>) dst(%dma_wait3A_171 : memref<10000x128xf32, #tpu.memory_space<vmem_shared>>)
    %dma_wait3A_172 = arith.constant 1 : i32
    %dma_wait3A_173 = arith.constant 124 : i32
    %dma_wait3A_174 = arith.constant 0 : i32
    %dma_wait3A_175 = arith.constant 0 : i32
    %dma_wait3A_176 = tpu.memref_slice %arg8[%dma_wait3A_172, %dma_wait3A_174, %dma_wait3A_175] : memref<3x80x128xf32, #tpu.memory_space<vmem>> -> memref<1x80x128xf32, #tpu.memory_space<vmem>>
    %dma_wait3A_177 = tpu.memref_squeeze %dma_wait3A_176 : memref<1x80x128xf32, #tpu.memory_space<vmem>> -> memref<80x128xf32, #tpu.memory_space<vmem>>
    %dma_wait3A_178 = arith.constant 0 : i32
    %dma_wait3A_179 = tpu.memref_slice %arg7[%dma_wait3A_173, %dma_wait3A_178] : memref<125x80xi32, #tpu.memory_space<vmem>> -> memref<1x80xi32, #tpu.memory_space<vmem>>
    %dma_wait3A_180 = tpu.memref_squeeze %dma_wait3A_179 : memref<1x80xi32, #tpu.memory_space<vmem>> -> memref<80xi32, #tpu.memory_space<vmem>>
    %dma_wait3A_181 = arith.constant 0 : i32
    %dma_wait3A_182 = arith.constant 0 : i32
    %dma_wait3A_183 = tpu.memref_slice %arg9[%dma_wait3A_181, %dma_wait3A_182] : memref<10000x128xf32, #tpu.memory_space<vmem_shared>> -> memref<10000x128xf32, #tpu.memory_space<vmem_shared>>
    tpu.wait_indirect_dma semaphore(%arg15 : memref<!tpu.dma_semaphore, #tpu.memory_space<semaphore_mem>>) src(%dma_wait3A_177 : memref<80x128xf32, #tpu.memory_space<vmem>>) dst(%dma_wait3A_183 : memref<10000x128xf32, #tpu.memory_space<vmem_shared>>)
    %barrier3A_184 = arith.constant 0 : index
    tpu.barrier barrier_id(%barrier3A_184)
    %mul3A_185 = arith.constant 625 : i32
    %mul3A_186 = arith.muli %arg1, %mul3A_185 : i32
    %mul3A_187 = arith.constant 10000 : i32
    %mul3A_188 = arith.muli %arg0, %mul3A_187 : i32
    %mul3A_189 = arith.constant 625 : i32
    %mul3A_190 = arith.muli %arg1, %mul3A_189 : i32
    %add3A_191 = arith.addi %mul3A_188, %mul3A_190 : i32
    "tpu.region"() ({
      %run_scoped3A_192 = tpu.sem_alloc : memref<!tpu.dma_semaphore, #tpu.memory_space<semaphore_mem>>
      %dma_start3A_193 = arith.constant 0 : i32
      %dma_start3A_194 = tpu.memref_slice %arg5[%add3A_191, %dma_start3A_193] : memref<20000x128xf32, #tpu.memory_space<hbm>> -> memref<625x128xf32, #tpu.memory_space<hbm>>
      %dma_start3A_195 = arith.constant 0 : i32
      %dma_start3A_196 = tpu.memref_slice %arg9[%mul3A_186, %dma_start3A_195] : memref<10000x128xf32, #tpu.memory_space<vmem_shared>> -> memref<625x128xf32, #tpu.memory_space<vmem_shared>>
      tpu.enqueue_dma source(%dma_start3A_196 : memref<625x128xf32, #tpu.memory_space<vmem_shared>>) target(%dma_start3A_194 : memref<625x128xf32, #tpu.memory_space<hbm>>) target_semaphore(%run_scoped3A_192 : memref<!tpu.dma_semaphore, #tpu.memory_space<semaphore_mem>>)
      %dma_wait3A_197 = arith.constant 0 : i32
      %dma_wait3A_198 = tpu.memref_slice %arg5[%add3A_191, %dma_wait3A_197] : memref<20000x128xf32, #tpu.memory_space<hbm>> -> memref<625x128xf32, #tpu.memory_space<hbm>>
      %dma_wait3A_199 = arith.constant 0 : i32
      %dma_wait3A_200 = tpu.memref_slice %arg9[%mul3A_186, %dma_wait3A_199] : memref<10000x128xf32, #tpu.memory_space<vmem_shared>> -> memref<625x128xf32, #tpu.memory_space<vmem_shared>>
      tpu.wait_dma2 semaphore(%run_scoped3A_192 : memref<!tpu.dma_semaphore, #tpu.memory_space<semaphore_mem>>) src(%dma_wait3A_200 : memref<625x128xf32, #tpu.memory_space<vmem_shared>>) dst(%dma_wait3A_198 : memref<625x128xf32, #tpu.memory_space<hbm>>)
      tpu.yield
    }) : () -> ()
    return
  }
}

module attributes {stable_mosaic.version = 14 : i64} {
  func.func @_tc2_body(%arg0: i32, %arg1: memref<1000x128xf32, #tpu.memory_space<vmem>>, %arg2: memref<1000x128xf32, #tpu.memory_space<vmem>>, %arg3: memref<1000x128xf32, #tpu.memory_space<vmem>>, %arg4: memref<1000x128xf32, #tpu.memory_space<vmem>>, %arg5: memref<1000x128xf32, #tpu.memory_space<vmem>>, %arg6: memref<1x128xf32, #tpu.memory_space<vmem>>, %arg7: memref<128x128xf32, #tpu.memory_space<vmem>>, %arg8: memref<1000x128xf32, #tpu.memory_space<vmem>>, %arg9: memref<1000x128xf32, #tpu.memory_space<vmem>>, %arg10: memref<1000x128xf32, #tpu.memory_space<vmem>>) attributes {dimension_semantics = [#tpu.dimension_semantics<arbitrary>], iteration_bounds = array<i64: 10>, scalar_prefetch = 0 : i64, scratch_operands = 0 : i64, tpu.core_type = #tpu.core_type<tc>, window_params = [{transform_indices = @transform_0, window_bounds = array<i64: 1000, 128>}, {transform_indices = @transform_1, window_bounds = array<i64: 1000, 128>}, {transform_indices = @transform_2, window_bounds = array<i64: 1000, 128>}, {transform_indices = @transform_3, window_bounds = array<i64: 1000, 128>}, {transform_indices = @transform_4, window_bounds = array<i64: 1000, 128>}, {pipeline_mode = #tpu.pipeline_mode<synchronous>, transform_indices = @transform_5, window_bounds = array<i64: 1, 128>}, {pipeline_mode = #tpu.pipeline_mode<synchronous>, transform_indices = @transform_6, window_bounds = array<i64: 128, 128>}, {transform_indices = @transform_7, window_bounds = array<i64: 1000, 128>}, {transform_indices = @transform_8, window_bounds = array<i64: 1000, 128>}, {transform_indices = @transform_9, window_bounds = array<i64: 1000, 128>}]} {
    %get3A = arith.constant 0 : index
    %get3A_0 = arith.constant 0 : index
    %get3A_1 = vector.load %arg4[%get3A, %get3A_0] : memref<1000x128xf32, #tpu.memory_space<vmem>>, vector<1000x128xf32>
    %get3A_2 = arith.constant 0 : index
    %get3A_3 = arith.constant 0 : index
    %get3A_4 = vector.load %arg5[%get3A_2, %get3A_3] : memref<1000x128xf32, #tpu.memory_space<vmem>>, vector<1000x128xf32>
    %slice3A = vector.extract_strided_slice %get3A_1 {offsets = [0, 0], sizes = [1000, 1], strides = [1, 1]} : vector<1000x128xf32> to vector<1000x1xf32>
    %add3A = arith.constant 1.000000e+00 : f32
    %add3A_5 = vector.broadcast %add3A : f32 to vector<1000x1xf32>
    %add3A_6 = arith.addf %add3A_5, %slice3A : vector<1000x1xf32>
    %slice3A_7 = vector.extract_strided_slice %get3A_4 {offsets = [0, 0], sizes = [1000, 1], strides = [1, 1]} : vector<1000x128xf32> to vector<1000x1xf32>
    %add3A_8 = arith.addf %add3A_6, %slice3A_7 : vector<1000x1xf32>
    %rsqrt3A = math.rsqrt %add3A_8 : vector<1000x1xf32>
    %div3A = arith.constant 1.000000e+00 : f32
    %div3A_9 = vector.broadcast %div3A : f32 to vector<1000x1xf32>
    %div3A_10 = arith.divf %div3A_9, %add3A_8 : vector<1000x1xf32>
    %get3A_11 = arith.constant 0 : index
    %get3A_12 = arith.constant 0 : index
    %get3A_13 = vector.load %arg1[%get3A_11, %get3A_12] : memref<1000x128xf32, #tpu.memory_space<vmem>>, vector<1000x128xf32>
    %get3A_14 = arith.constant 0 : index
    %get3A_15 = arith.constant 0 : index
    %get3A_16 = vector.load %arg2[%get3A_14, %get3A_15] : memref<1000x128xf32, #tpu.memory_space<vmem>>, vector<1000x128xf32>
    %add3A_17 = arith.addf %get3A_13, %get3A_16 : vector<1000x128xf32>
    %mul3A = vector.broadcast %rsqrt3A : vector<1000x1xf32> to vector<1000x128xf32>
    %mul3A_18 = arith.mulf %add3A_17, %mul3A : vector<1000x128xf32>
    %get3A_19 = arith.constant 0 : index
    %get3A_20 = arith.constant 0 : index
    %get3A_21 = vector.load %arg3[%get3A_19, %get3A_20] : memref<1000x128xf32, #tpu.memory_space<vmem>>, vector<1000x128xf32>
    %mul3A_22 = vector.broadcast %div3A_10 : vector<1000x1xf32> to vector<1000x128xf32>
    %mul3A_23 = arith.mulf %get3A_21, %mul3A_22 : vector<1000x128xf32>
    %add3A_24 = arith.addf %mul3A_18, %mul3A_23 : vector<1000x128xf32>
    %get3A_25 = arith.constant 0 : index
    %get3A_26 = arith.constant 0 : index
    %get3A_27 = vector.load %arg6[%get3A_25, %get3A_26] : memref<1x128xf32, #tpu.memory_space<vmem>>, vector<1x128xf32>
    %add3A_28 = vector.broadcast %get3A_27 : vector<1x128xf32> to vector<1000x128xf32>
    %add3A_29 = arith.addf %add3A_24, %add3A_28 : vector<1000x128xf32>
    %max3A = arith.constant 0.000000e+00 : f32
    %max3A_30 = vector.broadcast %max3A : f32 to vector<1000x128xf32>
    %max3A_31 = arith.maximumf %add3A_29, %max3A_30 : vector<1000x128xf32>
    %swap3A = arith.constant 0 : index
    %swap3A_32 = arith.constant 0 : index
    %swap3A_33 = vector.load %arg8[%swap3A, %swap3A_32] : memref<1000x128xf32, #tpu.memory_space<vmem>>, vector<1000x128xf32>
    tpu.vector_store %arg8[%swap3A, %swap3A_32], %max3A_31 {strides = array<i32>} : memref<1000x128xf32, #tpu.memory_space<vmem>>, vector<1000x128xf32>,
    %get3A_34 = arith.constant 0 : index
    %get3A_35 = arith.constant 0 : index
    %get3A_36 = vector.load %arg7[%get3A_34, %get3A_35] : memref<128x128xf32, #tpu.memory_space<vmem>>, vector<128x128xf32>
    %dot_general3A = arith.constant dense<0.000000e+00> : vector<1000x128xf32>
    %dot_general3A_37 = tpu.matmul %max3A_31, %get3A_36, %dot_general3A {dimension_numbers = #tpu.dot_dimension_numbers<[1], [0], [0], [1], [0, 0, 1, 1], [], []>, transpose_lhs_hint = false} : vector<1000x128xf32>, vector<128x128xf32>, vector<1000x128xf32> -> vector<1000x128xf32>
    %swap3A_38 = arith.constant 0 : index
    %swap3A_39 = arith.constant 0 : index
    %swap3A_40 = vector.load %arg9[%swap3A_38, %swap3A_39] : memref<1000x128xf32, #tpu.memory_space<vmem>>, vector<1000x128xf32>
    tpu.vector_store %arg9[%swap3A_38, %swap3A_39], %dot_general3A_37 {strides = array<i32>} : memref<1000x128xf32, #tpu.memory_space<vmem>>, vector<1000x128xf32>,
    %mul3A_41 = vector.broadcast %rsqrt3A : vector<1000x1xf32> to vector<1000x128xf32>
    %mul3A_42 = arith.mulf %dot_general3A_37, %mul3A_41 : vector<1000x128xf32>
    %swap3A_43 = arith.constant 0 : index
    %swap3A_44 = arith.constant 0 : index
    %swap3A_45 = vector.load %arg10[%swap3A_43, %swap3A_44] : memref<1000x128xf32, #tpu.memory_space<vmem>>, vector<1000x128xf32>
    tpu.vector_store %arg10[%swap3A_43, %swap3A_44], %mul3A_42 {strides = array<i32>} : memref<1000x128xf32, #tpu.memory_space<vmem>>, vector<1000x128xf32>,
    return
  }
  func.func @transform_0(%arg0: i32) -> (i32, i32) {
    %add3A = arith.constant 0 : i32
    %add3A_0 = arith.addi %arg0, %add3A : i32
    %c0_i32 = arith.constant 0 : i32
    %c0_i32_1 = arith.constant 0 : i32
    return %add3A_0, %c0_i32 : i32, i32
  }
  func.func @transform_1(%arg0: i32) -> (i32, i32) {
    %add3A = arith.constant 10 : i32
    %add3A_0 = arith.addi %arg0, %add3A : i32
    %c0_i32 = arith.constant 0 : i32
    %c0_i32_1 = arith.constant 0 : i32
    return %add3A_0, %c0_i32 : i32, i32
  }
  func.func @transform_2(%arg0: i32) -> (i32, i32) {
    %add3A = arith.constant 0 : i32
    %add3A_0 = arith.addi %arg0, %add3A : i32
    %c0_i32 = arith.constant 0 : i32
    %c0_i32_1 = arith.constant 0 : i32
    return %add3A_0, %c0_i32 : i32, i32
  }
  func.func @transform_3(%arg0: i32) -> (i32, i32) {
    %add3A = arith.constant 0 : i32
    %add3A_0 = arith.addi %arg0, %add3A : i32
    %c0_i32 = arith.constant 0 : i32
    %c0_i32_1 = arith.constant 0 : i32
    return %add3A_0, %c0_i32 : i32, i32
  }
  func.func @transform_4(%arg0: i32) -> (i32, i32) {
    %add3A = arith.constant 10 : i32
    %add3A_0 = arith.addi %arg0, %add3A : i32
    %c0_i32 = arith.constant 0 : i32
    %c0_i32_1 = arith.constant 0 : i32
    return %add3A_0, %c0_i32 : i32, i32
  }
  func.func @transform_5(%arg0: i32) -> (i32, i32) {
    %c0_i32 = arith.constant 0 : i32
    %c0_i32_0 = arith.constant 0 : i32
    %c0_i32_1 = arith.constant 0 : i32
    return %c0_i32, %c0_i32_0 : i32, i32
  }
  func.func @transform_6(%arg0: i32) -> (i32, i32) {
    %c0_i32 = arith.constant 0 : i32
    %c0_i32_0 = arith.constant 0 : i32
    %c0_i32_1 = arith.constant 0 : i32
    return %c0_i32, %c0_i32_0 : i32, i32
  }
  func.func @transform_7(%arg0: i32) -> (i32, i32) {
    %add3A = arith.constant 0 : i32
    %add3A_0 = arith.addi %arg0, %add3A : i32
    %c0_i32 = arith.constant 0 : i32
    %c0_i32_1 = arith.constant 0 : i32
    return %add3A_0, %c0_i32 : i32, i32
  }
  func.func @transform_8(%arg0: i32) -> (i32, i32) {
    %add3A = arith.constant 0 : i32
    %add3A_0 = arith.addi %arg0, %add3A : i32
    %c0_i32 = arith.constant 0 : i32
    %c0_i32_1 = arith.constant 0 : i32
    return %add3A_0, %c0_i32 : i32, i32
  }
  func.func @transform_9(%arg0: i32) -> (i32, i32) {
    %add3A = arith.constant 0 : i32
    %add3A_0 = arith.addi %arg0, %add3A : i32
    %c0_i32 = arith.constant 0 : i32
    %c0_i32_1 = arith.constant 0 : i32
    return %add3A_0, %c0_i32 : i32, i32
  }
}

module attributes {stable_mosaic.version = 14 : i64} {
  func.func @_tc3_body(%arg0: i32, %arg1: memref<1000x128xf32, #tpu.memory_space<vmem>>, %arg2: memref<1000x128xf32, #tpu.memory_space<vmem>>, %arg3: memref<1000x128xf32, #tpu.memory_space<vmem>>, %arg4: memref<1000x128xf32, #tpu.memory_space<vmem>>, %arg5: memref<1000x128xf32, #tpu.memory_space<vmem>>, %arg6: memref<1x128xf32, #tpu.memory_space<vmem>>, %arg7: memref<1000x128xf32, #tpu.memory_space<vmem>>) attributes {dimension_semantics = [#tpu.dimension_semantics<arbitrary>], iteration_bounds = array<i64: 10>, scalar_prefetch = 0 : i64, scratch_operands = 0 : i64, tpu.core_type = #tpu.core_type<tc>, window_params = [{transform_indices = @transform_0, window_bounds = array<i64: 1000, 128>}, {transform_indices = @transform_1, window_bounds = array<i64: 1000, 128>}, {transform_indices = @transform_2, window_bounds = array<i64: 1000, 128>}, {transform_indices = @transform_3, window_bounds = array<i64: 1000, 128>}, {transform_indices = @transform_4, window_bounds = array<i64: 1000, 128>}, {pipeline_mode = #tpu.pipeline_mode<synchronous>, transform_indices = @transform_5, window_bounds = array<i64: 1, 128>}, {transform_indices = @transform_6, window_bounds = array<i64: 1000, 128>}]} {
    %get3A = arith.constant 0 : index
    %get3A_0 = arith.constant 0 : index
    %get3A_1 = vector.load %arg4[%get3A, %get3A_0] : memref<1000x128xf32, #tpu.memory_space<vmem>>, vector<1000x128xf32>
    %get3A_2 = arith.constant 0 : index
    %get3A_3 = arith.constant 0 : index
    %get3A_4 = vector.load %arg5[%get3A_2, %get3A_3] : memref<1000x128xf32, #tpu.memory_space<vmem>>, vector<1000x128xf32>
    %slice3A = vector.extract_strided_slice %get3A_1 {offsets = [0, 0], sizes = [1000, 1], strides = [1, 1]} : vector<1000x128xf32> to vector<1000x1xf32>
    %add3A = arith.constant 1.000000e+00 : f32
    %add3A_5 = vector.broadcast %add3A : f32 to vector<1000x1xf32>
    %add3A_6 = arith.addf %add3A_5, %slice3A : vector<1000x1xf32>
    %slice3A_7 = vector.extract_strided_slice %get3A_4 {offsets = [0, 0], sizes = [1000, 1], strides = [1, 1]} : vector<1000x128xf32> to vector<1000x1xf32>
    %add3A_8 = arith.addf %add3A_6, %slice3A_7 : vector<1000x1xf32>
    %rsqrt3A = math.rsqrt %add3A_8 : vector<1000x1xf32>
    %div3A = arith.constant 1.000000e+00 : f32
    %div3A_9 = vector.broadcast %div3A : f32 to vector<1000x1xf32>
    %div3A_10 = arith.divf %div3A_9, %add3A_8 : vector<1000x1xf32>
    %get3A_11 = arith.constant 0 : index
    %get3A_12 = arith.constant 0 : index
    %get3A_13 = vector.load %arg1[%get3A_11, %get3A_12] : memref<1000x128xf32, #tpu.memory_space<vmem>>, vector<1000x128xf32>
    %get3A_14 = arith.constant 0 : index
    %get3A_15 = arith.constant 0 : index
    %get3A_16 = vector.load %arg2[%get3A_14, %get3A_15] : memref<1000x128xf32, #tpu.memory_space<vmem>>, vector<1000x128xf32>
    %add3A_17 = arith.addf %get3A_13, %get3A_16 : vector<1000x128xf32>
    %mul3A = vector.broadcast %rsqrt3A : vector<1000x1xf32> to vector<1000x128xf32>
    %mul3A_18 = arith.mulf %add3A_17, %mul3A : vector<1000x128xf32>
    %get3A_19 = arith.constant 0 : index
    %get3A_20 = arith.constant 0 : index
    %get3A_21 = vector.load %arg3[%get3A_19, %get3A_20] : memref<1000x128xf32, #tpu.memory_space<vmem>>, vector<1000x128xf32>
    %mul3A_22 = vector.broadcast %div3A_10 : vector<1000x1xf32> to vector<1000x128xf32>
    %mul3A_23 = arith.mulf %get3A_21, %mul3A_22 : vector<1000x128xf32>
    %add3A_24 = arith.addf %mul3A_18, %mul3A_23 : vector<1000x128xf32>
    %get3A_25 = arith.constant 0 : index
    %get3A_26 = arith.constant 0 : index
    %get3A_27 = vector.load %arg6[%get3A_25, %get3A_26] : memref<1x128xf32, #tpu.memory_space<vmem>>, vector<1x128xf32>
    %add3A_28 = vector.broadcast %get3A_27 : vector<1x128xf32> to vector<1000x128xf32>
    %add3A_29 = arith.addf %add3A_24, %add3A_28 : vector<1000x128xf32>
    %swap3A = arith.constant 0 : index
    %swap3A_30 = arith.constant 0 : index
    %swap3A_31 = vector.load %arg7[%swap3A, %swap3A_30] : memref<1000x128xf32, #tpu.memory_space<vmem>>, vector<1000x128xf32>
    tpu.vector_store %arg7[%swap3A, %swap3A_30], %add3A_29 {strides = array<i32>} : memref<1000x128xf32, #tpu.memory_space<vmem>>, vector<1000x128xf32>,
    return
  }
  func.func @transform_0(%arg0: i32) -> (i32, i32) {
    %add3A = arith.constant 0 : i32
    %add3A_0 = arith.addi %arg0, %add3A : i32
    %c0_i32 = arith.constant 0 : i32
    %c0_i32_1 = arith.constant 0 : i32
    return %add3A_0, %c0_i32 : i32, i32
  }
  func.func @transform_1(%arg0: i32) -> (i32, i32) {
    %add3A = arith.constant 10 : i32
    %add3A_0 = arith.addi %arg0, %add3A : i32
    %c0_i32 = arith.constant 0 : i32
    %c0_i32_1 = arith.constant 0 : i32
    return %add3A_0, %c0_i32 : i32, i32
  }
  func.func @transform_2(%arg0: i32) -> (i32, i32) {
    %add3A = arith.constant 0 : i32
    %add3A_0 = arith.addi %arg0, %add3A : i32
    %c0_i32 = arith.constant 0 : i32
    %c0_i32_1 = arith.constant 0 : i32
    return %add3A_0, %c0_i32 : i32, i32
  }
  func.func @transform_3(%arg0: i32) -> (i32, i32) {
    %add3A = arith.constant 0 : i32
    %add3A_0 = arith.addi %arg0, %add3A : i32
    %c0_i32 = arith.constant 0 : i32
    %c0_i32_1 = arith.constant 0 : i32
    return %add3A_0, %c0_i32 : i32, i32
  }
  func.func @transform_4(%arg0: i32) -> (i32, i32) {
    %add3A = arith.constant 10 : i32
    %add3A_0 = arith.addi %arg0, %add3A : i32
    %c0_i32 = arith.constant 0 : i32
    %c0_i32_1 = arith.constant 0 : i32
    return %add3A_0, %c0_i32 : i32, i32
  }
  func.func @transform_5(%arg0: i32) -> (i32, i32) {
    %c0_i32 = arith.constant 0 : i32
    %c0_i32_0 = arith.constant 0 : i32
    %c0_i32_1 = arith.constant 0 : i32
    return %c0_i32, %c0_i32_0 : i32, i32
  }
  func.func @transform_6(%arg0: i32) -> (i32, i32) {
    %add3A = arith.constant 0 : i32
    %add3A_0 = arith.addi %arg0, %add3A : i32
    %c0_i32 = arith.constant 0 : i32
    %c0_i32_1 = arith.constant 0 : i32
    return %add3A_0, %c0_i32 : i32, i32
  }
}

module attributes {stable_mosaic.version = 14 : i64} {
  func.func @_tc1_body(%arg0: i32, %arg1: memref<1000x128xf32, #tpu.memory_space<vmem>>, %arg2: memref<128x128xf32, #tpu.memory_space<vmem>>, %arg3: memref<1000x128xf32, #tpu.memory_space<vmem>>, %arg4: memref<1000x128xf32, #tpu.memory_space<vmem>>, %arg5: memref<1000x128xf32, #tpu.memory_space<vmem>>, %arg6: memref<1000x128xf32, #tpu.memory_space<vmem>>) attributes {dimension_semantics = [#tpu.dimension_semantics<arbitrary>], iteration_bounds = array<i64: 10>, scalar_prefetch = 0 : i64, scratch_operands = 0 : i64, tpu.core_type = #tpu.core_type<tc>, window_params = [{transform_indices = @transform_0, window_bounds = array<i64: 1000, 128>}, {pipeline_mode = #tpu.pipeline_mode<synchronous>, transform_indices = @transform_1, window_bounds = array<i64: 128, 128>}, {transform_indices = @transform_2, window_bounds = array<i64: 1000, 128>}, {transform_indices = @transform_3, window_bounds = array<i64: 1000, 128>}, {transform_indices = @transform_4, window_bounds = array<i64: 1000, 128>}, {transform_indices = @transform_5, window_bounds = array<i64: 1000, 128>}]} {
    %get3A = arith.constant 0 : index
    %get3A_0 = arith.constant 0 : index
    %get3A_1 = vector.load %arg3[%get3A, %get3A_0] : memref<1000x128xf32, #tpu.memory_space<vmem>>, vector<1000x128xf32>
    %get3A_2 = arith.constant 0 : index
    %get3A_3 = arith.constant 0 : index
    %get3A_4 = vector.load %arg4[%get3A_2, %get3A_3] : memref<1000x128xf32, #tpu.memory_space<vmem>>, vector<1000x128xf32>
    %slice3A = vector.extract_strided_slice %get3A_1 {offsets = [0, 0], sizes = [1000, 1], strides = [1, 1]} : vector<1000x128xf32> to vector<1000x1xf32>
    %add3A = arith.constant 1.000000e+00 : f32
    %add3A_5 = vector.broadcast %add3A : f32 to vector<1000x1xf32>
    %add3A_6 = arith.addf %add3A_5, %slice3A : vector<1000x1xf32>
    %slice3A_7 = vector.extract_strided_slice %get3A_4 {offsets = [0, 0], sizes = [1000, 1], strides = [1, 1]} : vector<1000x128xf32> to vector<1000x1xf32>
    %add3A_8 = arith.addf %add3A_6, %slice3A_7 : vector<1000x1xf32>
    %rsqrt3A = math.rsqrt %add3A_8 : vector<1000x1xf32>
    %get3A_9 = arith.constant 0 : index
    %get3A_10 = arith.constant 0 : index
    %get3A_11 = vector.load %arg1[%get3A_9, %get3A_10] : memref<1000x128xf32, #tpu.memory_space<vmem>>, vector<1000x128xf32>
    %get3A_12 = arith.constant 0 : index
    %get3A_13 = arith.constant 0 : index
    %get3A_14 = vector.load %arg2[%get3A_12, %get3A_13] : memref<128x128xf32, #tpu.memory_space<vmem>>, vector<128x128xf32>
    %dot_general3A = arith.constant dense<0.000000e+00> : vector<1000x128xf32>
    %dot_general3A_15 = tpu.matmul %get3A_11, %get3A_14, %dot_general3A {dimension_numbers = #tpu.dot_dimension_numbers<[1], [0], [0], [1], [0, 0, 1, 1], [], []>, transpose_lhs_hint = false} : vector<1000x128xf32>, vector<128x128xf32>, vector<1000x128xf32> -> vector<1000x128xf32>
    %swap3A = arith.constant 0 : index
    %swap3A_16 = arith.constant 0 : index
    %swap3A_17 = vector.load %arg5[%swap3A, %swap3A_16] : memref<1000x128xf32, #tpu.memory_space<vmem>>, vector<1000x128xf32>
    tpu.vector_store %arg5[%swap3A, %swap3A_16], %dot_general3A_15 {strides = array<i32>} : memref<1000x128xf32, #tpu.memory_space<vmem>>, vector<1000x128xf32>,
    %mul3A = vector.broadcast %rsqrt3A : vector<1000x1xf32> to vector<1000x128xf32>
    %mul3A_18 = arith.mulf %dot_general3A_15, %mul3A : vector<1000x128xf32>
    %swap3A_19 = arith.constant 0 : index
    %swap3A_20 = arith.constant 0 : index
    %swap3A_21 = vector.load %arg6[%swap3A_19, %swap3A_20] : memref<1000x128xf32, #tpu.memory_space<vmem>>, vector<1000x128xf32>
    tpu.vector_store %arg6[%swap3A_19, %swap3A_20], %mul3A_18 {strides = array<i32>} : memref<1000x128xf32, #tpu.memory_space<vmem>>, vector<1000x128xf32>,
    return
  }
  func.func @transform_0(%arg0: i32) -> (i32, i32) {
    %add3A = arith.constant 0 : i32
    %add3A_0 = arith.addi %arg0, %add3A : i32
    %c0_i32 = arith.constant 0 : i32
    %c0_i32_1 = arith.constant 0 : i32
    return %add3A_0, %c0_i32 : i32, i32
  }
  func.func @transform_1(%arg0: i32) -> (i32, i32) {
    %c0_i32 = arith.constant 0 : i32
    %c0_i32_0 = arith.constant 0 : i32
    %c0_i32_1 = arith.constant 0 : i32
    return %c0_i32, %c0_i32_0 : i32, i32
  }
  func.func @transform_2(%arg0: i32) -> (i32, i32) {
    %add3A = arith.constant 0 : i32
    %add3A_0 = arith.addi %arg0, %add3A : i32
    %c0_i32 = arith.constant 0 : i32
    %c0_i32_1 = arith.constant 0 : i32
    return %add3A_0, %c0_i32 : i32, i32
  }
  func.func @transform_3(%arg0: i32) -> (i32, i32) {
    %add3A = arith.constant 10 : i32
    %add3A_0 = arith.addi %arg0, %add3A : i32
    %c0_i32 = arith.constant 0 : i32
    %c0_i32_1 = arith.constant 0 : i32
    return %add3A_0, %c0_i32 : i32, i32
  }
  func.func @transform_4(%arg0: i32) -> (i32, i32) {
    %add3A = arith.constant 0 : i32
    %add3A_0 = arith.addi %arg0, %add3A : i32
    %c0_i32 = arith.constant 0 : i32
    %c0_i32_1 = arith.constant 0 : i32
    return %add3A_0, %c0_i32 : i32, i32
  }
  func.func @transform_5(%arg0: i32) -> (i32, i32) {
    %add3A = arith.constant 0 : i32
    %add3A_0 = arith.addi %arg0, %add3A : i32
    %c0_i32 = arith.constant 0 : i32
    %c0_i32_1 = arith.constant 0 : i32
    return %add3A_0, %c0_i32 : i32, i32
  }
}

</mosaic_0001>

<sc_bundles>
// kernel: kernel.11.cloned.1.call-start
scs
__scs_entry_jumppad:
0x0: {  	(pc) =	sbr.rel $0x88, $3  }
0x1: {  	(tag) =	ssettag $0x0;
	lr =	simm.s32 $0x1  }
0x2: {  	[smem:$0x3F9B] =	sst lr;
	_ =	strace $0xD0000000  }
0x3: {  	_ = 	snop  }
0x4: {  	_ = 	snop  }
0x5: {  	_ = 	snop  }
0x6: {  	_ = 	snop  }
0x7: {  	_ = 	snop  }
__scs_overlays_trampoline_lowered:
0x8: {  	[smem:$0x3FAA] =	sst s0  }
0x9: {  	[smem:$0x3FAB] =	sst s1  }
0xa: {  	[smem:$0x3FAC] =	sst s2  }
0xb: {  	[smem:$0x3FAD] =	sst s3  }
0xc: {  	[smem:$0x3FAE] =	sst s4  }
0xd: {  	[smem:$0x3FAF] =	sst s5  }
0xe: {  	[smem:$0x3FB0] =	sst s6  }
0xf: {  	[smem:$0x3FB1] =	sst s7  }
0x10: {  	[smem:$0x3FB2] =	sst s8  }
0x11: {  	[smem:$0x3FB3] =	sst s9;
	s0 =	simm.s32 @!p0 $0x0  }
0x12: {  	s1 =	sld [smem:$0x3F99];
	s0 =	simm.s32 @p0 $0x1  }
0x13: {  	[smem:$0x3FB4] =	sst s0;
	s0 =	simm.s32 @!p1 $0x0  }
0x14: {  	s2 =	sld [smem:$0x3F98];
	s0 =	simm.s32 @p1 $0x1  }
0x15: {  	[smem:$0x3FB5] =	sst s0;
	s0 =	simm.s32 @!p2 $0x0  }
0x16: {  	s3 =	sld [smem:$0x3FDB];
	s0 =	simm.s32 @p2 $0x1  }
0x17: {  	s4 =	simm.s32 $0x1BF5;
	[smem:$0x3FB7] =	sst s0  }
0x18: {  	s0 =	sld [smem:$0x3F9A];
	_ =	swait.ge [sflag:s4], $0x0  }
0x19: {  	s7 =	sld [smem:$0x3F9B]  }
0x1a: {  	s8 =	sadd.s32 $0xFFFFE003, lr  }
0x1b: {  	s9 =	sadd.s32 $0xFFFFFEF7, lr;
	s5 =	simm.s32 $0xFFFFFFFF;
	p2 =	slt.u32 s8, $0xFFFFF086  }
0x1c: {  	p1 =	slt.u32 s9, $0xF7A;
	s5 =	simm.s32 @!p2 $0x0  }
0x1d: {  	s5 =	simm.s32 @p1 $0x1;
	p0 =	seq.s32 s7, s2  }
0x1e: {  	s7 =	smul.u32 @!p0 $0xF7A, s2;
	p2 =	seq.s32 @!p0 s5, $0x0  }
0x1f: {  	s9 =	smul.u32 $0xF7A, s1;
	s8 =	simm.s32 @!p0 $0x1BF5;
	p2 =	por !p2, p0  }
0x20: {  	[sflag:s8] =	ssyncset.s32 @!p0 $0xFFFFF086;
	s6 =	sadd.s32 @!p0 s3, s7;
	s7 =	simm.s32 @!p0 $0x108  }
0x21: {  	s3 =	sadd.s32 s3, s9;
	s6 =	sadd.s32 @!p0 $0x88, s6;
	s7 =	simm.s32 @p2 $0x1082  }
0x22: {  	[simem:s7], [sflag:s8] =	dma.local @!p0 [hbm:s6], $0xF7A  }
0x23: {  	s9 =	sor.u32 $0xD0000000, s2;
	s6 =	simm.s32 $0x108;
	_ =	swait.ge @!p0 [sflag:s8], $0x0  }
0x24: {  	s3 =	sadd.s32 $0x88, s3;
	s6 =	simm.s32 @!p1 $0x1082;
	[sflag:s4] =	ssyncset.s32 $0xFFFFF086  }
0x25: {  	[simem:s6], [sflag:s4] =	dma.local [hbm:s3], $0xF7A  }
0x26: {  	[smem:$0x3F9B] =	sst s1;
	(tag) =	ssettag s2;
	_ =	strace s9  }
0x27: {  	s1 =	sld [smem:$0x3FAB]  }
0x28: {  	s2 =	sld [smem:$0x3FAC]  }
0x29: {  	s4 =	sld [smem:$0x3FAE]  }
0x2a: {  	p0 =	seq.s32 s5, $0x0;
	s5 =	sld [smem:$0x3FAF]  }
0x2b: {  	s6 =	sld [smem:$0x3FB0]  }
0x2c: {  	s7 =	sld [smem:$0x3FB1]  }
0x2d: {  	s3 =	simm.s32 $0x108;
	s8 =	sld [smem:$0x3FB2]  }
0x2e: {  	s3 =	simm.s32 @!p0 $0x1082;
	s9 =	sld [smem:$0x3FB3]  }
0x2f: {  	lr =	sadd.s32 s0, s3;
	s0 =	sld [smem:$0x3FAA]  }
0x30: {  	s3 =	sld [smem:$0x3FAD]  }
0x31: {  	[smem:$0x3FB6] =	sst s10  }
0x32: {  	s10 =	sld [smem:$0x3FB4];
	_ =	sdelay $0x3  }
0x33: {  	p0 =	seq.s32 s10, $0x1;
	s10 =	sld [smem:$0x3FB6];
	_ =	sdelay $0x3  }
0x34: {  	[smem:$0x3FB6] =	sst s10  }
0x35: {  	s10 =	sld [smem:$0x3FB5];
	_ =	sdelay $0x3  }
0x36: {  	p1 =	seq.s32 s10, $0x1;
	s10 =	sld [smem:$0x3FB6];
	_ =	sdelay $0x3  }
0x37: {  	[smem:$0x3FB6] =	sst s10  }
0x38: {  	s10 =	sld [smem:$0x3FB7]  }
0x39: {  	_ = 	snop;
	(pc) =	sbr.ind lr, $3  }
0x3a: {  	_ = 	snop  }
0x3b: {  	_ = 	snop  }
0x3c: {  	p2 =	seq.s32 s10, $0x1;
	s10 =	sld [smem:$0x3FB6]  }
0x3d: {  	_ =	shalt  }
0x3e: {  	_ =	shalt  }
0x3f: {  	_ =	shalt  }
0x40: {  	_ =	shalt  }
0x41: {  	_ =	shalt  }
0x42: {  	_ =	shalt  }
0x43: {  	_ =	shalt  }
0x44: {  	_ =	shalt  }
0x45: {  	_ =	shalt  }
0x46: {  	_ =	shalt  }
0x47: {  	_ =	shalt  }
0x48: {  	_ =	shalt  }
0x49: {  	_ =	shalt  }
0x4a: {  	_ =	shalt  }
0x4b: {  	_ =	shalt  }
0x4c: {  	_ =	shalt  }
0x4d: {  	_ =	shalt  }
0x4e: {  	_ =	shalt  }
0x4f: {  	_ =	shalt  }
0x50: {  	_ =	shalt  }
0x51: {  	_ =	shalt  }
0x52: {  	_ =	shalt  }
0x53: {  	_ =	shalt  }
0x54: {  	_ =	shalt  }
0x55: {  	_ =	shalt  }
0x56: {  	_ =	shalt  }
0x57: {  	_ =	shalt  }
0x58: {  	_ =	shalt  }
0x59: {  	_ =	shalt  }
0x5a: {  	_ =	shalt  }
0x5b: {  	_ =	shalt  }
0x5c: {  	_ =	shalt  }
0x5d: {  	_ =	shalt  }
0x5e: {  	_ =	shalt  }
0x5f: {  	_ =	shalt  }
0x60: {  	_ =	shalt  }
0x61: {  	_ =	shalt  }
0x62: {  	_ =	shalt  }
0x63: {  	_ =	shalt  }
0x64: {  	_ =	shalt  }
0x65: {  	_ =	shalt  }
0x66: {  	_ =	shalt  }
0x67: {  	_ =	shalt  }
0x68: {  	_ =	shalt  }
0x69: {  	_ =	shalt  }
0x6a: {  	_ =	shalt  }
0x6b: {  	_ =	shalt  }
0x6c: {  	_ =	shalt  }
0x6d: {  	_ =	shalt  }
0x6e: {  	_ =	shalt  }
0x6f: {  	_ =	shalt  }
0x70: {  	_ =	shalt  }
0x71: {  	_ =	shalt  }
0x72: {  	_ =	shalt  }
0x73: {  	_ =	shalt  }
0x74: {  	_ =	shalt  }
0x75: {  	_ =	shalt  }
0x76: {  	_ =	shalt  }
0x77: {  	_ =	shalt  }
0x78: {  	_ =	shalt  }
0x79: {  	_ =	shalt  }
0x7a: {  	_ =	shalt  }
0x7b: {  	_ =	shalt  }
0x7c: {  	_ =	shalt  }
0x7d: {  	_ =	shalt  }
0x7e: {  	_ =	shalt  }
0x7f: {  	_ =	shalt  }
0x80: {  	_ =	shalt  }
0x81: {  	_ =	shalt  }
0x82: {  	_ =	shalt  }
0x83: {  	_ =	shalt  }
0x84: {  	_ =	shalt  }
0x85: {  	_ =	shalt  }
0x86: {  	_ =	shalt  }
0x87: {  	_ =	shalt  }
.Lfunc_end0:
.L_simem_size_0:
called_computation.1_lowered:
.L_overlay_start_0:
0x88: {  	s2 =	sld [smem:$0x3FD9]  }
0x89: {  	s3 =	sld [smem:$0x3FFE];
	_ =	sdelay $0x1  }
0x8a: {  	s1 =	srdreg.scid  }
0x8b: {  	s0 =	sand.u32 $0x1, s1  }
0x8c: {  	s14 =	sshll.u32 s0, $0xA;
	s2 =	sadd.s32 s3, s2  }
0x8d: {  	s2 =	sadd.s32 s2, s14  }
0x8e: {  	[smem:$0x3FC2] =	sst s2  }
0x8f: {  	_ = 	snop  }
0x90: {  	s2 =	sld [smem:$0x3FD0];
	_ =	sdelay $0x2  }
0x91: {  	s15 =	simm.s32 $0xA;
	s4 =	simm.s32 $0x10  }
0x92: {  	[smem:s4], [sflag:s15] =	dma.local [hbm:s2], $0x1  }
0x93: {  	_ =	swait.eq [sflag:s15], $0x1  }
0x94: {  	[sflag:s15] =	ssyncset.done $0x0  }
0x95: {  	[sflag:s15] =	ssyncadd.s32 $0xFFFFFFFF  }
0x96: {  	s16 =	sld [smem:$0x11];
	(tm) =	ssettm $0x1  }
0x97: {  	s17 =	sld [smem:$0x3FFB];
	_ =	sdelay $0x3  }
0x98: {  	_ =	strace s17  }
0x99: {  	s3 =	sld [smem:$0x3FFC];
	_ =	sdelay $0x3  }
0x9a: {  	_ =	strace s3  }
0x9b: {  	s3 =	sld [smem:$0x3FFD];
	_ =	sdelay $0x3  }
0x9c: {  	_ =	strace s3  }
0x9d: {  	_ =	strace $0x8FFFFFFF  }
0x9e: {  	s18 =	sld [smem:$0x3FDB];
	_ =	sdelay $0x1  }
0x9f: {  	s19 =	simm.s32 $_scs_section_size  }
0xa0: {  	s5 =	simm.s32 $_size__tile_overlayer_lowered;
	s6 =	simm.s32 $_tile_overlayer_lowered  }
0xa1: {  	s22 =	simm.s32 $0x1BFF;
	s21 =	sshll.u32 s6, $0x1;
	s3 =	sadd.s32 s19, s18  }
0xa2: {  	s7 =	simm.s32 $0x0;
	s20 =	sshll.u32 s5, $0x1;
	s5 =	sadd.s32 s21, s3  }
0xa3: {  	[timem:s7], [sflag:s22] =	dma.local [hbm:s5], s20  }
0xa4: {  	_ =	swait.ge [sflag:s22], s20  }
0xa5: {  	s4 =	ssub.s32 $0x0, s20;
	[sflag:s22] =	ssyncset.done $0x0  }
0xa6: {  	[sflag:s22] =	ssyncadd.s32 s4;
	_ =	sdelay $0x1  }
0xa7: {  	s23 =	simm.s32 $0x1B8B  }
0xa8: {  	_ =	swait.ge [sflag:s23], $0x1  }
0xa9: {  	[sflag:s23] =	ssyncset.done $0x0  }
0xaa: {  	s25 =	simm.s32 $0x1B8E;
	s24 =	sld [smem:$0x3FFE];
	[sflag:s23] =	ssyncadd.s32 $0xFFFFFFFF  }
0xab: {  	s26 =	simm.s32 $execute0_lowered;
	[smem:$0x3FD2] =	sst s25  }
0xac: {  	s5 =	sshll.u32 s26, $0x1;
	_ =	strace $0x80000049;
	[dreg:$0x1] =	wrdreg $0xFFFFFFFF  }
0xad: {  	s28 =	simm.s32 $_size_execute0_lowered;
	s3 =	sadd.s32 s3, s5;
	[dreg:$0x0] =	wrdreg $0x0  }
0xae: {  	s5 =	sshll.u32 s28, $0x1;
	[dreg:$0x2] =	wrdreg s3  }
0xaf: {  	[dreg:$0x3] =	wrdreg s5  }
0xb0: {  	[dreg:$0x4] =	wrdreg $0xC0  }
0xb1: {  	_ =	task [dreg:s7], $0x5FFFF  }
0xb2: {  	[dreg:$0x1] =	wrdreg $0xFFFFFFFF  }
0xb3: {  	[dreg:$0x0] =	wrdreg $0x60  }
0xb4: {  	[dreg:$0x2] =	wrdreg s16  }
0xb5: {  	[dreg:$0x3] =	wrdreg s24  }
0xb6: {  	[dreg:$0x4] =	wrdreg $0xC6200  }
0xb7: {  	[dreg:$0x5] =	wrdreg $0x9  }
0xb8: {  	_ =	task.clear_ibuf [dreg:s7], $0x6FFFF;
	_ =	strace $0x90000049  }
0xb9: {  	s29 =	simm.s32 $0x9;
	_ =	strace $0x8000004B  }
0xba: {  	_ =	swait.ge [sflag:s29], $0x1  }
0xbb: {  	[sflag:s29] =	ssyncadd.s32 $0xFFFFFFFF  }
0xbc: {  	_ =	strace $0x9000004B  }
0xbd: {  	_ =	sfence  }
0xbe: {  	s30 =	sld [smem:$0x0];
	_ =	sdelay $0x2  }
0xbf: {  	s31 =	sshll.u32 s1, $0xD;
	s1 =	sshrl.u32 s1, $0x2  }
0xc0: {  	s3 =	sand.u32 $0x4000, s31;
	s1 =	sadd.s32 s1, s30  }
0xc1: {  	s0 =	sor.u32 s3, s0;
	s1 =	sshll.u32 s1, $0x11  }
0xc2: {  	s0 =	sor.u32 s1, s0  }
0xc3: {  	s0 =	sadd.s32 $0x8F2B, s0  }
0xc4: {  	[sflag:s0] =	ssyncadd.remote.s32 $0x1  }
0xc5: {  	_ =	sfence.sel $0xFFFF  }
0xc6: {  	[dreg:$0x0] =	wrdreg $0xFFFFFFFF;
	(pc) =	sbr.abs _section_cstart, $3  }
0xc7: {  	[dreg:$0x1] =	wrdreg $0xFFFFFFFF  }
0xc8: {  	_ =	task.clear_ibuf [dreg:s7], $0x2FFFF;
	_ =	strace $0x9FFFFFFF  }
0xc9: {  	(tm) =	ssettm $0x7FFFFFFF  }
tec
execute0_lowered:
.L_overlay_start_1:
0x0: {  	(tag) =	ssettag $0x1  }
0x1: {  	s2 =	rddreg [dreg:$0x0]  }
0x2: {  	s0 =	srdreg.scid;
	s5 =	rddreg [dreg:$0x1]  }
0x3: {  	s8 =	stileid.u32;
	s3 =	rddreg [dreg:$0x2]  }
0x4: {  	s4 =	simm.s32 $0x0;
	s17 =	simm.s32 $0x4E20;
	s18 =	simm.s32 $0x8  }
0x5: {  	s19 =	simm.s32 $0x1;
	s20 =	simm.s32 $0x50;
	s21 =	simm.s32 $0x7620  }
0x6: {  	s22 =	simm.s32 $0x2;
	s25 =	simm.s32 $0x9E20;
	s29 =	simm.s32 $0x5  }
0x7: {  	s31 =	simm.s32 $0x4;
	s23 =	simm.s32 $0x7;
	s6 =	smul.u32 $0x2710, s8  }
0x8: {  	s0 =	sand.u32 $0x1, s0;
	[smem:$0x7FF] =	sst s4;
	s26 =	smul.u32 $0x4E200, s8  }
0x9: {  	s1 =	sshll.u32 s0, $0x4;
	s7 =	smul.u32 $0x27100, s0;
	s0 =	ssub.s32 $0x2, s0  }
0xa: {  	_ =	strace $0x8000004A;
	s1 =	sor.u32 s8, s1;
	s30 =	sshrl.u32 s0, $0x1  }
0xb: {  	s1 =	smul.u32 $0x2710, s1;
	s6 =	sadd.s32 s6, s7;
	s7 =	sshrl.u32 s26, $0x2  }
0xc: {  	s0 =	ssub.s32 s0, s30;
	s26 =	simm.s32 $0x3;
	s28 =	sshrl.u32 s6, $0x3  }
0xd: {  	s14 =	sadd.s32 s6, s5;
	s15 =	smax.u32 s0, $0x1;
	s0 =	simm.s32 $0x6  }
0xe: {  	s1 =	sshrl.u32 s1, $0x3;
	s16 =	sadd.s32 s28, s5;
	s14 =	sadd.s32 $0x63C00, s14  }
0xf: {  	s1 =	sadd.s32 s1, s5;
	s5 =	sadd.s32 s7, s3;
	s16 =	sadd.s32 $0xBC00, s16  }
0x10: {  	s6 =	sadd.s32 $0x2800, s5;
	s7 =	sadd.s32 $0x5000, s5;
	s8 =	sadd.s32 $0x7800, s5  }
0x11: {  	s9 =	sadd.s32 $0xA000, s5;
	s10 =	sadd.s32 $0xC800, s5;
	s11 =	sadd.s32 $0xF000, s5  }
0x12: {  	v0 =	vimm.f32 $0.0e+00;
	s12 =	sadd.s32 $0x11080, s5;
	s13 =	sadd.s32 $0x1E00, s1;
	s1 =	simm.s32 $0x0  }
.LBB2_1:
0x13: {  	s24 =	simm.s32 $0x0;
	s28 =	simm.s32 $0x200  }
.LBB2_2:
0x14: {  	p0 =	sne.s32 s28, $0x9E00;
	[tilespmem:s24+$0x4E90] =	vst v0  }
0x15: {  	[tilespmem:s24+$0x4E20] =	vst v0  }
0x16: {  	[tilespmem:s24+$0x4E30] =	vst v0  }
.Ltmp0:
0x17: {  	[tilespmem:s24+$0x4E40] =	vst v0;
	(pc) =	sbr.rel @p0 .LBB2_2-.Ltmp0, $4  }
0x18: {  	[tilespmem:s24+$0x4E50] =	vst v0  }
0x19: {  	[tilespmem:s24+$0x4E60] =	vst v0  }
0x1a: {  	[tilespmem:s24+$0x4E70] =	vst v0  }
0x1b: {  	[tilespmem:s24+$0x4E80] =	vst v0;
	s24 =	sshra.s32 s28, $0x2;
	s28 =	sadd.s32 $0x200, s28  }
0x1c: {  	[tilespmem:s24+$0x4E90] =	vst v0  }
0x1d: {  	[tilespmem:s24+$0x4E20] =	vst v0  }
0x1e: {  	[tilespmem:s24+$0x4E30] =	vst v0  }
0x1f: {  	[tilespmem:s24+$0x4E40] =	vst v0  }
0x20: {  	[tilespmem:s24+$0x4E50] =	vst v0  }
0x21: {  	[tilespmem:s24+$0x4E60] =	vst v0  }
0x22: {  	[tilespmem:s24+$0x4E70] =	vst v0  }
0x23: {  	[tilespmem:s24+$0x4E80] =	vst v0  }
0x24: {  	[spmem:s5] =	stream.linear.scatter [tilespmem:s17], [sflag:$0x8], $0x2800, $0x38;
	[tilespmem:$0x1FEA0] =	vst v63  }
0x25: {  	_ =	swait.ge [sflag:s18], $0x2800  }
0x26: {  	[sflag:s18] =	ssyncset.done $0x0  }
0x27: {  	[sflag:s18] =	ssyncadd.s32 $0xFFFFD800  }
0x28: {  	[spmem:s6] =	stream.linear.scatter [tilespmem:s17], [sflag:$0x8], $0x2800, $0x38;
	[tilespmem:$0x1FEA0] =	vst v63  }
0x29: {  	_ =	swait.ge [sflag:s18], $0x2800  }
0x2a: {  	[sflag:s18] =	ssyncset.done $0x0  }
0x2b: {  	[sflag:s18] =	ssyncadd.s32 $0xFFFFD800  }
0x2c: {  	[spmem:s7] =	stream.linear.scatter [tilespmem:s17], [sflag:$0x8], $0x2800, $0x38;
	[tilespmem:$0x1FEA0] =	vst v63  }
0x2d: {  	_ =	swait.ge [sflag:s18], $0x2800  }
0x2e: {  	[sflag:s18] =	ssyncset.done $0x0  }
0x2f: {  	[sflag:s18] =	ssyncadd.s32 $0xFFFFD800  }
0x30: {  	[spmem:s8] =	stream.linear.scatter [tilespmem:s17], [sflag:$0x8], $0x2800, $0x38;
	[tilespmem:$0x1FEA0] =	vst v63  }
0x31: {  	_ =	swait.ge [sflag:s18], $0x2800  }
0x32: {  	[sflag:s18] =	ssyncset.done $0x0  }
0x33: {  	[sflag:s18] =	ssyncadd.s32 $0xFFFFD800  }
0x34: {  	[spmem:s9] =	stream.linear.scatter [tilespmem:s17], [sflag:$0x8], $0x2800, $0x38;
	[tilespmem:$0x1FEA0] =	vst v63  }
0x35: {  	_ =	swait.ge [sflag:s18], $0x2800  }
0x36: {  	[sflag:s18] =	ssyncset.done $0x0  }
0x37: {  	[sflag:s18] =	ssyncadd.s32 $0xFFFFD800  }
0x38: {  	[spmem:s10] =	stream.linear.scatter [tilespmem:s17], [sflag:$0x8], $0x2800, $0x38;
	[tilespmem:$0x1FEA0] =	vst v63  }
0x39: {  	_ =	swait.ge [sflag:s18], $0x2800  }
0x3a: {  	[sflag:s18] =	ssyncset.done $0x0  }
0x3b: {  	[sflag:s18] =	ssyncadd.s32 $0xFFFFD800  }
0x3c: {  	[spmem:s11] =	stream.linear.scatter [tilespmem:s17], [sflag:$0x8], $0x2800, $0x38;
	[tilespmem:$0x1FEA0] =	vst v63  }
0x3d: {  	_ =	swait.ge [sflag:s18], $0x2800  }
0x3e: {  	[sflag:s18] =	ssyncset.done $0x0  }
0x3f: {  	[sflag:s18] =	ssyncadd.s32 $0xFFFFD800  }
0x40: {  	[spmem:s12] =	stream.linear.scatter [tilespmem:s17], [sflag:$0x8], $0x2800, $0x38;
	[tilespmem:$0x1FEA0] =	vst v63  }
0x41: {  	_ =	swait.ge [sflag:s18], $0x2800  }
0x42: {  	[sflag:s18] =	ssyncset.done $0x0  }
0x43: {  	s24 =	simm.s32 $0x0;
	[sflag:s18] =	ssyncadd.s32 $0xFFFFD800  }
0x44: {  	[tilespmem:s24], [sflag:$0x8] =	stream.linear.gather [hbm4b:s13+s24], $0x2710, $0x38;
	[tilespmem:$0x1FEA0] =	vst v63  }
0x45: {  	_ =	swait.ge [sflag:s18], $0x2710  }
0x46: {  	[sflag:s18] =	ssyncset.done $0x0  }
0x47: {  	s28 =	simm.s32 $0x2710;
	[sflag:s18] =	ssyncadd.s32 $0xFFFFD8F0  }
.LBB2_4:
0x48: {  	p0 =	sne.s32 s24, $0x4D8  }
.Ltmp1:
0x49: {  	_ = 	snop;
	(pc) =	sbr.rel @p0 .LBB2_4-.Ltmp1, $4  }
0x4a: {  	_ = 	snop  }
0x4b: {  	s30 =	sadd.s32 s24, s16  }
0x4c: {  	[tilespmem:s28], [sflag:$0x1] =	stream.linear.gather [hbm4b:s30+s4], $0x50, $0x38;
	[tilespmem:$0x1FEA0] =	vst v63  }
0x4d: {  	s24 =	sadd.s32 $0xA, s24;
	s28 =	sadd.s32 $0x50, s28  }
0x4e: {  	_ =	swait.ge [sflag:s19], $0x50  }
0x4f: {  	s24 =	simm.s32 $0x7C;
	[sflag:s19] =	ssyncset.done $0x0  }
.LBB2_6:
0x50: {  	p0 =	sne.s32 s24, $0x1;
	s24 =	sadd.s32 $0xFFFFFFFF, s24;
	[sflag:s19] =	ssyncadd.s32 $0xFFFFFFB0  }
.Ltmp2:
0x51: {  	(pc) =	sbr.rel @p0 .LBB2_6-.Ltmp2, $3  }
0x52: {  	_ =	sdelay $0x1  }
0x53: {  	_ =	swait.ge [sflag:s19], $0x50  }
0x54: {  	[sflag:s19] =	ssyncset.done $0x0  }
0x55: {  	[sflag:s19] =	ssyncadd.s32 $0xFFFFFFB0  }
0x56: {  	s24 =	simm.s32 $0x0;
	[bflag:$0x0] =	sbarrier.arrive $0xFFFF  }
0x57: {  	[tilespmem:s17], [sflag:$0x2] =	stream.indirect.gather [hbm4b:s2+s20], $0x80, s24, s20, $0xb8;
	[tilespmem:$0x1FEA0] =	vst v63  }
0x58: {  	_ = 	snop  }
0x59: {  	[tilespmem:s21], [sflag:$0x3] =	stream.indirect.gather [hbm4b:s2+s20], $0x80, s20, s20, $0xb8;
	[tilespmem:$0x1FEA0] =	vst v63  }
0x5a: {  	_ =	swait.ge [sflag:s22], $0x2800  }
0x5b: {  	[sflag:s22] =	ssyncset.done $0x0  }
0x5c: {  	s30 =	simm.s32 $0x2710;
	[sflag:s22] =	ssyncadd.s32 $0xFFFFD800  }
0x5d: {  	[spmem:s3] =	stream.indirect.scatter.add.f32 [tilespmem:s17], [sflag:$0x5], $0x80, s30, s20, $0xb8;
	[tilespmem:$0x1FEA0] =	vst v63  }
0x5e: {  	s30 =	simm.s32 $0xA0  }
0x5f: {  	[tilespmem:s25], [sflag:$0x4] =	stream.indirect.gather [hbm4b:s2+s20], $0x80, s30, s20, $0xb8;
	[tilespmem:$0x1FEA0] =	vst v63  }
0x60: {  	_ =	swait.ge [sflag:s26], $0x2800  }
0x61: {  	[sflag:s26] =	ssyncset.done $0x0  }
0x62: {  	s30 =	simm.s32 $0x2760;
	[sflag:s26] =	ssyncadd.s32 $0xFFFFD800  }
0x63: {  	[spmem:s3] =	stream.indirect.scatter.add.f32 [tilespmem:s21], [sflag:$0x6], $0x80, s30, s20, $0xb8;
	[tilespmem:$0x1FEA0] =	vst v63  }
0x64: {  	_ =	swait.ge [sflag:s29], $0x2800  }
0x65: {  	[sflag:s29] =	ssyncset.done $0x0  }
0x66: {  	s30 =	simm.s32 $0xF0;
	[sflag:s29] =	ssyncadd.s32 $0xFFFFD800  }
0x67: {  	[tilespmem:s17], [sflag:$0x2] =	stream.indirect.gather [hbm4b:s2+s20], $0x80, s30, s20, $0xb8;
	[tilespmem:$0x1FEA0] =	vst v63  }
0x68: {  	_ =	swait.ge [sflag:s31], $0x2800  }
0x69: {  	[sflag:s31] =	ssyncset.done $0x0  }
0x6a: {  	s30 =	simm.s32 $0x27B0;
	[sflag:s31] =	ssyncadd.s32 $0xFFFFD800  }
0x6b: {  	[spmem:s3] =	stream.indirect.scatter.add.f32 [tilespmem:s25], [sflag:$0x7], $0x80, s30, s20, $0xb8;
	[tilespmem:$0x1FEA0] =	vst v63  }
0x6c: {  	_ =	swait.ge [sflag:s0], $0x2800  }
0x6d: {  	[sflag:s0] =	ssyncset.done $0x0  }
0x6e: {  	s30 =	simm.s32 $0x140;
	[sflag:s0] =	ssyncadd.s32 $0xFFFFD800  }
0x6f: {  	[tilespmem:s21], [sflag:$0x3] =	stream.indirect.gather [hbm4b:s2+s20], $0x80, s30, s20, $0xb8;
	[tilespmem:$0x1FEA0] =	vst v63  }
0x70: {  	_ =	swait.ge [sflag:s22], $0x2800  }
0x71: {  	[sflag:s22] =	ssyncset.done $0x0  }
0x72: {  	s30 =	simm.s32 $0x2800;
	[sflag:s22] =	ssyncadd.s32 $0xFFFFD800  }
0x73: {  	[spmem:s3] =	stream.indirect.scatter.add.f32 [tilespmem:s17], [sflag:$0x5], $0x80, s30, s20, $0xb8;
	[tilespmem:$0x1FEA0] =	vst v63  }
0x74: {  	_ =	swait.ge [sflag:s23], $0x2800  }
0x75: {  	[sflag:s23] =	ssyncset.done $0x0  }
0x76: {  	s30 =	simm.s32 $0x190;
	[sflag:s23] =	ssyncadd.s32 $0xFFFFD800  }
0x77: {  	[tilespmem:s25], [sflag:$0x4] =	stream.indirect.gather [hbm4b:s2+s20], $0x80, s30, s20, $0xb8;
	[tilespmem:$0x1FEA0] =	vst v63  }
0x78: {  	_ =	swait.ge [sflag:s26], $0x2800  }
0x79: {  	[sflag:s26] =	ssyncset.done $0x0  }
0x7a: {  	s30 =	simm.s32 $0x2850;
	[sflag:s26] =	ssyncadd.s32 $0xFFFFD800  }
0x7b: {  	[spmem:s3] =	stream.indirect.scatter.add.f32 [tilespmem:s21], [sflag:$0x6], $0x80, s30, s20, $0xb8;
	[tilespmem:$0x1FEA0] =	vst v63  }
0x7c: {  	_ =	swait.ge [sflag:s29], $0x2800  }
0x7d: {  	[sflag:s29] =	ssyncset.done $0x0  }
0x7e: {  	s30 =	simm.s32 $0x1E0;
	[sflag:s29] =	ssyncadd.s32 $0xFFFFD800  }
0x7f: {  	[tilespmem:s17], [sflag:$0x2] =	stream.indirect.gather [hbm4b:s2+s20], $0x80, s30, s20, $0xb8;
	[tilespmem:$0x1FEA0] =	vst v63  }
0x80: {  	_ =	swait.ge [sflag:s31], $0x2800  }
0x81: {  	[sflag:s31] =	ssyncset.done $0x0  }
0x82: {  	s28 =	simm.s32 $0x28A0;
	s24 =	simm.s32 $0x3C0;
	[sflag:s31] =	ssyncadd.s32 $0xFFFFD800  }
.LBB2_8:
0x83: {  	[spmem:s3] =	stream.indirect.scatter.add.f32 [tilespmem:s25], [sflag:$0x7], $0x80, s28, s20, $0xb8;
	[tilespmem:$0x1FEA0] =	vst v63  }
0x84: {  	s28 =	smov.u32 s24  }
0x85: {  	p0 =	sne.s32 s24, $0x9240;
	s24 =	sadd.s32 $0x3C0, s24;
	_ =	swait.ge [sflag:s0], $0x2800  }
0x86: {  	s28 =	sshra.s32 s28, $0x2;
	[sflag:s0] =	ssyncset.done $0x0  }
0x87: {  	s30 =	sadd.s32 $0x140, s28;
	[sflag:s0] =	ssyncadd.s32 $0xFFFFD800  }
0x88: {  	[tilespmem:s21], [sflag:$0x3] =	stream.indirect.gather [hbm4b:s2+s20], $0x80, s30, s20, $0xb8;
	[tilespmem:$0x1FEA0] =	vst v63  }
0x89: {  	_ =	swait.ge [sflag:s22], $0x2800  }
0x8a: {  	[sflag:s22] =	ssyncset.done $0x0  }
0x8b: {  	s30 =	sadd.s32 $0x2800, s28;
	[sflag:s22] =	ssyncadd.s32 $0xFFFFD800  }
0x8c: {  	[spmem:s3] =	stream.indirect.scatter.add.f32 [tilespmem:s17], [sflag:$0x5], $0x80, s30, s20, $0xb8;
	[tilespmem:$0x1FEA0] =	vst v63  }
0x8d: {  	_ =	swait.ge [sflag:s23], $0x2800  }
0x8e: {  	[sflag:s23] =	ssyncset.done $0x0  }
0x8f: {  	s30 =	sadd.s32 $0x190, s28;
	[sflag:s23] =	ssyncadd.s32 $0xFFFFD800  }
0x90: {  	[tilespmem:s25], [sflag:$0x4] =	stream.indirect.gather [hbm4b:s2+s20], $0x80, s30, s20, $0xb8;
	[tilespmem:$0x1FEA0] =	vst v63  }
0x91: {  	_ =	swait.ge [sflag:s26], $0x2800  }
0x92: {  	[sflag:s26] =	ssyncset.done $0x0  }
0x93: {  	s30 =	sadd.s32 $0x2850, s28;
	[sflag:s26] =	ssyncadd.s32 $0xFFFFD800  }
0x94: {  	[spmem:s3] =	stream.indirect.scatter.add.f32 [tilespmem:s21], [sflag:$0x6], $0x80, s30, s20, $0xb8;
	[tilespmem:$0x1FEA0] =	vst v63  }
0x95: {  	_ =	swait.ge [sflag:s29], $0x2800  }
0x96: {  	[sflag:s29] =	ssyncset.done $0x0  }
.Ltmp3:
0x97: {  	s30 =	sadd.s32 $0x1E0, s28;
	[sflag:s29] =	ssyncadd.s32 $0xFFFFD800;
	(pc) =	sbr.rel @p0 .LBB2_8-.Ltmp3, $4  }
0x98: {  	[tilespmem:s17], [sflag:$0x2] =	stream.indirect.gather [hbm4b:s2+s20], $0x80, s30, s20, $0xb8;
	[tilespmem:$0x1FEA0] =	vst v63  }
0x99: {  	_ =	swait.ge [sflag:s31], $0x2800  }
0x9a: {  	[sflag:s31] =	ssyncset.done $0x0  }
0x9b: {  	s28 =	sadd.s32 $0x28A0, s28;
	[sflag:s31] =	ssyncadd.s32 $0xFFFFD800  }
0x9c: {  	[spmem:s3] =	stream.indirect.scatter.add.f32 [tilespmem:s25], [sflag:$0x7], $0x80, s28, s20, $0xb8;
	[tilespmem:$0x1FEA0] =	vst v63  }
0x9d: {  	_ =	swait.ge [sflag:s0], $0x2800  }
0x9e: {  	[sflag:s0] =	ssyncset.done $0x0  }
0x9f: {  	s24 =	simm.s32 $0x26C0;
	[sflag:s0] =	ssyncadd.s32 $0xFFFFD800  }
0xa0: {  	[tilespmem:s21], [sflag:$0x3] =	stream.indirect.gather [hbm4b:s2+s20], $0x80, s24, s20, $0xb8;
	[tilespmem:$0x1FEA0] =	vst v63  }
0xa1: {  	_ =	swait.ge [sflag:s22], $0x2800  }
0xa2: {  	[sflag:s22] =	ssyncset.done $0x0  }
0xa3: {  	s28 =	simm.s32 $0x4D80;
	[sflag:s22] =	ssyncadd.s32 $0xFFFFD800  }
0xa4: {  	[spmem:s3] =	stream.indirect.scatter.add.f32 [tilespmem:s17], [sflag:$0x5], $0x80, s28, s20, $0xb8;
	[tilespmem:$0x1FEA0] =	vst v63  }
0xa5: {  	_ =	swait.ge [sflag:s26], $0x2800  }
0xa6: {  	[sflag:s26] =	ssyncset.done $0x0  }
0xa7: {  	s30 =	simm.s32 $0x4DD0;
	[sflag:s26] =	ssyncadd.s32 $0xFFFFD800  }
0xa8: {  	[spmem:s3] =	stream.indirect.scatter.add.f32 [tilespmem:s21], [sflag:$0x6], $0x80, s30, s20, $0xb8;
	[tilespmem:$0x1FEA0] =	vst v63  }
0xa9: {  	_ =	swait.ge [sflag:s23], $0x2800  }
0xaa: {  	[sflag:s23] =	ssyncset.done $0x0  }
0xab: {  	[sflag:s23] =	ssyncadd.s32 $0xFFFFD800  }
0xac: {  	_ =	swait.ge [sflag:s29], $0x2800  }
0xad: {  	[sflag:s29] =	ssyncset.done $0x0  }
0xae: {  	[sflag:s29] =	ssyncadd.s32 $0xFFFFD800  }
0xaf: {  	s28 =	stileid.u32;
	_ =	swait.ge [sflag:s0], $0x2800  }
0xb0: {  	s1 =	sadd.s32 $0x1, s1;
	s24 =	sshll.u32 s28, $0x6;
	[sflag:s0] =	ssyncset.done $0x0  }
0xb1: {  	p0 =	sne.s32 s1, s15;
	s24 =	sor.u32 $0x1C08, s24;
	[sflag:s0] =	ssyncadd.s32 $0xFFFFD800  }
.Ltmp4:
0xb2: {  	s30 =	sshrl.u32 s5, $0x3;
	[bflag:$0x0] =	sbarrier.arrive $0xFFFF;
	(pc) =	sbr.rel @p0 .LBB2_1-.Ltmp4, $4  }
0xb3: {  	[hbm:s14], [sflag:s24] =	dma.local [spmem:s30], $0x2710  }
0xb4: {  	_ =	swait.ge [sflag:s18], $0x2710  }
0xb5: {  	[sflag:s18] =	ssyncset.done $0x0  }
0xb6: {  	[sflag:s18] =	ssyncadd.s32 $0xFFFFD8F0  }
0xb7: {  	_ =	sfence.sel $0x180000  }
0xb8: {  	[bflag:$0x0] =	sbarrier.arrive $0xFFFF  }
0xb9: {  	_ =	strace $0x9000004A  }
0xba: {  	s0 =	stileid.u32;
	[bflag:$0x2] =	sbarrier.arrive $0xFFFF  }
0xbb: {  	p0 =	sne.s32 s0, $0x0;
	s0 =	rddreg [dreg:$0x3]  }
0xbc: {  	s0 =	sadd.s32 @!p0 $0x100000, s0  }
0xbd: {  	[sflag:s0] =	ssyncadd.tile.s32 @!p0 $0x1;
	_ =	shalt  }
.Lfunc_end2:
_tile_overlayer_lowered:
.L_overlay_start_2:
0xbe: {  	(tag) =	ssettag $0x2  }
0xbf: {  	s0 =	rddreg [dreg:$0x0];
	s2 =	stileid.u32  }
0xc0: {  	s1 =	rddreg [dreg:$0x1];
	p0 =	sne.s32 s2, $0x0  }
0xc1: {  	s3 =	rddreg [dreg:$0x2];
	[bflag:$0x3] =	sbarrier.arrive $0xFFFF;
	s2 =	simm.s32 @!p0 $0x1C08  }
0xc2: {  	[timem:s3], [sflag:s2] =	dma.local @!p0 [hbm:s0], s1  }
0xc3: {  	s0 =	simm.s32 @!p0 $0x8  }
0xc4: {  	_ =	swait.ge @!p0 [sflag:s0], s1  }
0xc5: {  	s1 =	ssub.s32 @!p0 $0x0, s1;
	[sflag:s0] =	ssyncset.done @!p0 $0x0  }
0xc6: {  	[sflag:s0] =	ssyncadd.s32 @!p0 s1  }
0xc7: {  	[bflag:$0x3] =	sbarrier.arrive $0xFFFF  }
0xc8: {  	_ =	shalt  }

// kernel: kernel.14.cloned.1.call-start
scs
__scs_entry_jumppad:
0x0: {  	(pc) =	sbr.rel $0x88, $3  }
0x1: {  	(tag) =	ssettag $0x0;
	lr =	simm.s32 $0x1  }
0x2: {  	[smem:$0x3F9B] =	sst lr;
	_ =	strace $0xD0000000  }
0x3: {  	_ = 	snop  }
0x4: {  	_ = 	snop  }
0x5: {  	_ = 	snop  }
0x6: {  	_ = 	snop  }
0x7: {  	_ = 	snop  }
__scs_overlays_trampoline_lowered:
0x8: {  	[smem:$0x3FAA] =	sst s0  }
0x9: {  	[smem:$0x3FAB] =	sst s1  }
0xa: {  	[smem:$0x3FAC] =	sst s2  }
0xb: {  	[smem:$0x3FAD] =	sst s3  }
0xc: {  	[smem:$0x3FAE] =	sst s4  }
0xd: {  	[smem:$0x3FAF] =	sst s5  }
0xe: {  	[smem:$0x3FB0] =	sst s6  }
0xf: {  	[smem:$0x3FB1] =	sst s7  }
0x10: {  	[smem:$0x3FB2] =	sst s8  }
0x11: {  	[smem:$0x3FB3] =	sst s9;
	s0 =	simm.s32 @!p0 $0x0  }
0x12: {  	s1 =	sld [smem:$0x3F99];
	s0 =	simm.s32 @p0 $0x1  }
0x13: {  	[smem:$0x3FB4] =	sst s0;
	s0 =	simm.s32 @!p1 $0x0  }
0x14: {  	s2 =	sld [smem:$0x3F98];
	s0 =	simm.s32 @p1 $0x1  }
0x15: {  	[smem:$0x3FB5] =	sst s0;
	s0 =	simm.s32 @!p2 $0x0  }
0x16: {  	s3 =	sld [smem:$0x3FDB];
	s0 =	simm.s32 @p2 $0x1  }
0x17: {  	s4 =	simm.s32 $0x1BF5;
	[smem:$0x3FB7] =	sst s0  }
0x18: {  	s0 =	sld [smem:$0x3F9A];
	_ =	swait.ge [sflag:s4], $0x0  }
0x19: {  	s7 =	sld [smem:$0x3F9B]  }
0x1a: {  	s8 =	sadd.s32 $0xFFFFE003, lr  }
0x1b: {  	s9 =	sadd.s32 $0xFFFFFEF7, lr;
	s5 =	simm.s32 $0xFFFFFFFF;
	p2 =	slt.u32 s8, $0xFFFFF086  }
0x1c: {  	p1 =	slt.u32 s9, $0xF7A;
	s5 =	simm.s32 @!p2 $0x0  }
0x1d: {  	s5 =	simm.s32 @p1 $0x1;
	p0 =	seq.s32 s7, s2  }
0x1e: {  	s7 =	smul.u32 @!p0 $0xF7A, s2;
	p2 =	seq.s32 @!p0 s5, $0x0  }
0x1f: {  	s9 =	smul.u32 $0xF7A, s1;
	s8 =	simm.s32 @!p0 $0x1BF5;
	p2 =	por !p2, p0  }
0x20: {  	[sflag:s8] =	ssyncset.s32 @!p0 $0xFFFFF086;
	s6 =	sadd.s32 @!p0 s3, s7;
	s7 =	simm.s32 @!p0 $0x108  }
0x21: {  	s3 =	sadd.s32 s3, s9;
	s6 =	sadd.s32 @!p0 $0x88, s6;
	s7 =	simm.s32 @p2 $0x1082  }
0x22: {  	[simem:s7], [sflag:s8] =	dma.local @!p0 [hbm:s6], $0xF7A  }
0x23: {  	s9 =	sor.u32 $0xD0000000, s2;
	s6 =	simm.s32 $0x108;
	_ =	swait.ge @!p0 [sflag:s8], $0x0  }
0x24: {  	s3 =	sadd.s32 $0x88, s3;
	s6 =	simm.s32 @!p1 $0x1082;
	[sflag:s4] =	ssyncset.s32 $0xFFFFF086  }
0x25: {  	[simem:s6], [sflag:s4] =	dma.local [hbm:s3], $0xF7A  }
0x26: {  	[smem:$0x3F9B] =	sst s1;
	(tag) =	ssettag s2;
	_ =	strace s9  }
0x27: {  	s1 =	sld [smem:$0x3FAB]  }
0x28: {  	s2 =	sld [smem:$0x3FAC]  }
0x29: {  	s4 =	sld [smem:$0x3FAE]  }
0x2a: {  	p0 =	seq.s32 s5, $0x0;
	s5 =	sld [smem:$0x3FAF]  }
0x2b: {  	s6 =	sld [smem:$0x3FB0]  }
0x2c: {  	s7 =	sld [smem:$0x3FB1]  }
0x2d: {  	s3 =	simm.s32 $0x108;
	s8 =	sld [smem:$0x3FB2]  }
0x2e: {  	s3 =	simm.s32 @!p0 $0x1082;
	s9 =	sld [smem:$0x3FB3]  }
0x2f: {  	lr =	sadd.s32 s0, s3;
	s0 =	sld [smem:$0x3FAA]  }
0x30: {  	s3 =	sld [smem:$0x3FAD]  }
0x31: {  	[smem:$0x3FB6] =	sst s10  }
0x32: {  	s10 =	sld [smem:$0x3FB4];
	_ =	sdelay $0x3  }
0x33: {  	p0 =	seq.s32 s10, $0x1;
	s10 =	sld [smem:$0x3FB6];
	_ =	sdelay $0x3  }
0x34: {  	[smem:$0x3FB6] =	sst s10  }
0x35: {  	s10 =	sld [smem:$0x3FB5];
	_ =	sdelay $0x3  }
0x36: {  	p1 =	seq.s32 s10, $0x1;
	s10 =	sld [smem:$0x3FB6];
	_ =	sdelay $0x3  }
0x37: {  	[smem:$0x3FB6] =	sst s10  }
0x38: {  	s10 =	sld [smem:$0x3FB7]  }
0x39: {  	_ = 	snop;
	(pc) =	sbr.ind lr, $3  }
0x3a: {  	_ = 	snop  }
0x3b: {  	_ = 	snop  }
0x3c: {  	p2 =	seq.s32 s10, $0x1;
	s10 =	sld [smem:$0x3FB6]  }
0x3d: {  	_ =	shalt  }
0x3e: {  	_ =	shalt  }
0x3f: {  	_ =	shalt  }
0x40: {  	_ =	shalt  }
0x41: {  	_ =	shalt  }
0x42: {  	_ =	shalt  }
0x43: {  	_ =	shalt  }
0x44: {  	_ =	shalt  }
0x45: {  	_ =	shalt  }
0x46: {  	_ =	shalt  }
0x47: {  	_ =	shalt  }
0x48: {  	_ =	shalt  }
0x49: {  	_ =	shalt  }
0x4a: {  	_ =	shalt  }
0x4b: {  	_ =	shalt  }
0x4c: {  	_ =	shalt  }
0x4d: {  	_ =	shalt  }
0x4e: {  	_ =	shalt  }
0x4f: {  	_ =	shalt  }
0x50: {  	_ =	shalt  }
0x51: {  	_ =	shalt  }
0x52: {  	_ =	shalt  }
0x53: {  	_ =	shalt  }
0x54: {  	_ =	shalt  }
0x55: {  	_ =	shalt  }
0x56: {  	_ =	shalt  }
0x57: {  	_ =	shalt  }
0x58: {  	_ =	shalt  }
0x59: {  	_ =	shalt  }
0x5a: {  	_ =	shalt  }
0x5b: {  	_ =	shalt  }
0x5c: {  	_ =	shalt  }
0x5d: {  	_ =	shalt  }
0x5e: {  	_ =	shalt  }
0x5f: {  	_ =	shalt  }
0x60: {  	_ =	shalt  }
0x61: {  	_ =	shalt  }
0x62: {  	_ =	shalt  }
0x63: {  	_ =	shalt  }
0x64: {  	_ =	shalt  }
0x65: {  	_ =	shalt  }
0x66: {  	_ =	shalt  }
0x67: {  	_ =	shalt  }
0x68: {  	_ =	shalt  }
0x69: {  	_ =	shalt  }
0x6a: {  	_ =	shalt  }
0x6b: {  	_ =	shalt  }
0x6c: {  	_ =	shalt  }
0x6d: {  	_ =	shalt  }
0x6e: {  	_ =	shalt  }
0x6f: {  	_ =	shalt  }
0x70: {  	_ =	shalt  }
0x71: {  	_ =	shalt  }
0x72: {  	_ =	shalt  }
0x73: {  	_ =	shalt  }
0x74: {  	_ =	shalt  }
0x75: {  	_ =	shalt  }
0x76: {  	_ =	shalt  }
0x77: {  	_ =	shalt  }
0x78: {  	_ =	shalt  }
0x79: {  	_ =	shalt  }
0x7a: {  	_ =	shalt  }
0x7b: {  	_ =	shalt  }
0x7c: {  	_ =	shalt  }
0x7d: {  	_ =	shalt  }
0x7e: {  	_ =	shalt  }
0x7f: {  	_ =	shalt  }
0x80: {  	_ =	shalt  }
0x81: {  	_ =	shalt  }
0x82: {  	_ =	shalt  }
0x83: {  	_ =	shalt  }
0x84: {  	_ =	shalt  }
0x85: {  	_ =	shalt  }
0x86: {  	_ =	shalt  }
0x87: {  	_ =	shalt  }
.Lfunc_end0:
.L_simem_size_0:
called_computation.2_lowered:
.L_overlay_start_0:
0x88: {  	s2 =	sld [smem:$0x3FD9]  }
0x89: {  	s3 =	sld [smem:$0x3FFE];
	_ =	sdelay $0x1  }
0x8a: {  	s1 =	srdreg.scid  }
0x8b: {  	s0 =	sand.u32 $0x1, s1  }
0x8c: {  	s14 =	sshll.u32 s0, $0xA;
	s2 =	sadd.s32 s3, s2  }
0x8d: {  	s2 =	sadd.s32 s2, s14  }
0x8e: {  	[smem:$0x3FC2] =	sst s2  }
0x8f: {  	_ = 	snop  }
0x90: {  	s2 =	sld [smem:$0x3FD0];
	_ =	sdelay $0x2  }
0x91: {  	s15 =	simm.s32 $0xA;
	s4 =	simm.s32 $0x10  }
0x92: {  	[smem:s4], [sflag:s15] =	dma.local [hbm:s2], $0x1  }
0x93: {  	_ =	swait.eq [sflag:s15], $0x1  }
0x94: {  	[sflag:s15] =	ssyncset.done $0x0  }
0x95: {  	[sflag:s15] =	ssyncadd.s32 $0xFFFFFFFF  }
0x96: {  	s16 =	sld [smem:$0x11];
	(tm) =	ssettm $0x1  }
0x97: {  	s17 =	sld [smem:$0x3FFB];
	_ =	sdelay $0x3  }
0x98: {  	_ =	strace s17  }
0x99: {  	s3 =	sld [smem:$0x3FFC];
	_ =	sdelay $0x3  }
0x9a: {  	_ =	strace s3  }
0x9b: {  	s3 =	sld [smem:$0x3FFD];
	_ =	sdelay $0x3  }
0x9c: {  	_ =	strace s3  }
0x9d: {  	_ =	strace $0x8FFFFFFF  }
0x9e: {  	s18 =	sld [smem:$0x3FDB];
	_ =	sdelay $0x1  }
0x9f: {  	s19 =	simm.s32 $_scs_section_size  }
0xa0: {  	s5 =	simm.s32 $_size__tile_overlayer_lowered;
	s6 =	simm.s32 $_tile_overlayer_lowered  }
0xa1: {  	s22 =	simm.s32 $0x1BFF;
	s21 =	sshll.u32 s6, $0x1;
	s3 =	sadd.s32 s19, s18  }
0xa2: {  	s7 =	simm.s32 $0x0;
	s20 =	sshll.u32 s5, $0x1;
	s5 =	sadd.s32 s21, s3  }
0xa3: {  	[timem:s7], [sflag:s22] =	dma.local [hbm:s5], s20  }
0xa4: {  	_ =	swait.ge [sflag:s22], s20  }
0xa5: {  	s4 =	ssub.s32 $0x0, s20;
	[sflag:s22] =	ssyncset.done $0x0  }
0xa6: {  	[sflag:s22] =	ssyncadd.s32 s4;
	_ =	sdelay $0x1  }
0xa7: {  	s23 =	simm.s32 $0x1B8B  }
0xa8: {  	_ =	swait.ge [sflag:s23], $0x1  }
0xa9: {  	[sflag:s23] =	ssyncset.done $0x0  }
0xaa: {  	s25 =	simm.s32 $0x1B8E;
	s24 =	sld [smem:$0x3FFE];
	[sflag:s23] =	ssyncadd.s32 $0xFFFFFFFF  }
0xab: {  	s26 =	simm.s32 $execute0_lowered;
	[smem:$0x3FD2] =	sst s25  }
0xac: {  	s5 =	sshll.u32 s26, $0x1;
	_ =	strace $0x8000004C;
	[dreg:$0x1] =	wrdreg $0xFFFFFFFF  }
0xad: {  	s28 =	simm.s32 $_size_execute0_lowered;
	s3 =	sadd.s32 s3, s5;
	[dreg:$0x0] =	wrdreg $0x0  }
0xae: {  	s5 =	sshll.u32 s28, $0x1;
	[dreg:$0x2] =	wrdreg s3  }
0xaf: {  	[dreg:$0x3] =	wrdreg s5  }
0xb0: {  	[dreg:$0x4] =	wrdreg $0xC0  }
0xb1: {  	_ =	task [dreg:s7], $0x5FFFF  }
0xb2: {  	[dreg:$0x1] =	wrdreg $0xFFFFFFFF  }
0xb3: {  	[dreg:$0x0] =	wrdreg $0x60  }
0xb4: {  	[dreg:$0x2] =	wrdreg s16  }
0xb5: {  	[dreg:$0x3] =	wrdreg s24  }
0xb6: {  	[dreg:$0x4] =	wrdreg $0xC6200  }
0xb7: {  	[dreg:$0x5] =	wrdreg $0x9  }
0xb8: {  	_ =	task.clear_ibuf [dreg:s7], $0x6FFFF;
	_ =	strace $0x9000004C  }
0xb9: {  	s29 =	simm.s32 $0x9;
	_ =	strace $0x8000004E  }
0xba: {  	_ =	swait.ge [sflag:s29], $0x1  }
0xbb: {  	[sflag:s29] =	ssyncadd.s32 $0xFFFFFFFF  }
0xbc: {  	_ =	strace $0x9000004E  }
0xbd: {  	_ =	sfence  }
0xbe: {  	s30 =	sld [smem:$0x0];
	_ =	sdelay $0x2  }
0xbf: {  	s31 =	sshll.u32 s1, $0xD;
	s1 =	sshrl.u32 s1, $0x2  }
0xc0: {  	s3 =	sand.u32 $0x4000, s31;
	s1 =	sadd.s32 s1, s30  }
0xc1: {  	s0 =	sor.u32 s3, s0;
	s1 =	sshll.u32 s1, $0x11  }
0xc2: {  	s0 =	sor.u32 s1, s0  }
0xc3: {  	s0 =	sadd.s32 $0x8F2B, s0  }
0xc4: {  	[sflag:s0] =	ssyncadd.remote.s32 $0x1  }
0xc5: {  	_ =	sfence.sel $0xFFFF  }
0xc6: {  	[dreg:$0x0] =	wrdreg $0xFFFFFFFF;
	(pc) =	sbr.abs _section_cstart, $3  }
0xc7: {  	[dreg:$0x1] =	wrdreg $0xFFFFFFFF  }
0xc8: {  	_ =	task.clear_ibuf [dreg:s7], $0x2FFFF;
	_ =	strace $0x9FFFFFFF  }
0xc9: {  	(tm) =	ssettm $0x7FFFFFFF  }
tec
execute0_lowered:
.L_overlay_start_1:
0x0: {  	(tag) =	ssettag $0x1  }
0x1: {  	s2 =	rddreg [dreg:$0x0]  }
0x2: {  	s0 =	srdreg.scid;
	s5 =	rddreg [dreg:$0x1]  }
0x3: {  	s8 =	stileid.u32;
	s3 =	rddreg [dreg:$0x2]  }
0x4: {  	s4 =	simm.s32 $0x0;
	s17 =	simm.s32 $0x4E20;
	s18 =	simm.s32 $0x8  }
0x5: {  	s19 =	simm.s32 $0x1;
	s20 =	simm.s32 $0x50;
	s21 =	simm.s32 $0x7620  }
0x6: {  	s22 =	simm.s32 $0x2;
	s25 =	simm.s32 $0x9E20;
	s29 =	simm.s32 $0x5  }
0x7: {  	s31 =	simm.s32 $0x4;
	s23 =	simm.s32 $0x7;
	s6 =	smul.u32 $0x2710, s8  }
0x8: {  	s0 =	sand.u32 $0x1, s0;
	[smem:$0x7FF] =	sst s4;
	s26 =	smul.u32 $0x4E200, s8  }
0x9: {  	s1 =	sshll.u32 s0, $0x4;
	s7 =	smul.u32 $0x27100, s0;
	s0 =	ssub.s32 $0x2, s0  }
0xa: {  	_ =	strace $0x8000004D;
	s1 =	sor.u32 s8, s1;
	s30 =	sshrl.u32 s0, $0x1  }
0xb: {  	s1 =	smul.u32 $0x2710, s1;
	s6 =	sadd.s32 s6, s7;
	s7 =	sshrl.u32 s26, $0x2  }
0xc: {  	s0 =	ssub.s32 s0, s30;
	s26 =	simm.s32 $0x3;
	s28 =	sshrl.u32 s6, $0x3  }
0xd: {  	s14 =	sadd.s32 s6, s5;
	s15 =	smax.u32 s0, $0x1;
	s0 =	simm.s32 $0x6  }
0xe: {  	s1 =	sshrl.u32 s1, $0x3;
	s16 =	sadd.s32 s28, s5;
	s14 =	sadd.s32 $0x63C00, s14  }
0xf: {  	s1 =	sadd.s32 s1, s5;
	s5 =	sadd.s32 s7, s3;
	s16 =	sadd.s32 $0xBC00, s16  }
0x10: {  	s6 =	sadd.s32 $0x2800, s5;
	s7 =	sadd.s32 $0x5000, s5;
	s8 =	sadd.s32 $0x7800, s5  }
0x11: {  	s9 =	sadd.s32 $0xA000, s5;
	s10 =	sadd.s32 $0xC800, s5;
	s11 =	sadd.s32 $0xF000, s5  }
0x12: {  	v0 =	vimm.f32 $0.0e+00;
	s12 =	sadd.s32 $0x11080, s5;
	s13 =	sadd.s32 $0x1E00, s1;
	s1 =	simm.s32 $0x0  }
.LBB2_1:
0x13: {  	s24 =	simm.s32 $0x0;
	s28 =	simm.s32 $0x200  }
.LBB2_2:
0x14: {  	p0 =	sne.s32 s28, $0x9E00;
	[tilespmem:s24+$0x4E90] =	vst v0  }
0x15: {  	[tilespmem:s24+$0x4E20] =	vst v0  }
0x16: {  	[tilespmem:s24+$0x4E30] =	vst v0  }
.Ltmp0:
0x17: {  	[tilespmem:s24+$0x4E40] =	vst v0;
	(pc) =	sbr.rel @p0 .LBB2_2-.Ltmp0, $4  }
0x18: {  	[tilespmem:s24+$0x4E50] =	vst v0  }
0x19: {  	[tilespmem:s24+$0x4E60] =	vst v0  }
0x1a: {  	[tilespmem:s24+$0x4E70] =	vst v0  }
0x1b: {  	[tilespmem:s24+$0x4E80] =	vst v0;
	s24 =	sshra.s32 s28, $0x2;
	s28 =	sadd.s32 $0x200, s28  }
0x1c: {  	[tilespmem:s24+$0x4E90] =	vst v0  }
0x1d: {  	[tilespmem:s24+$0x4E20] =	vst v0  }
0x1e: {  	[tilespmem:s24+$0x4E30] =	vst v0  }
0x1f: {  	[tilespmem:s24+$0x4E40] =	vst v0  }
0x20: {  	[tilespmem:s24+$0x4E50] =	vst v0  }
0x21: {  	[tilespmem:s24+$0x4E60] =	vst v0  }
0x22: {  	[tilespmem:s24+$0x4E70] =	vst v0  }
0x23: {  	[tilespmem:s24+$0x4E80] =	vst v0  }
0x24: {  	[spmem:s5] =	stream.linear.scatter [tilespmem:s17], [sflag:$0x8], $0x2800, $0x38;
	[tilespmem:$0x1FEA0] =	vst v63  }
0x25: {  	_ =	swait.ge [sflag:s18], $0x2800  }
0x26: {  	[sflag:s18] =	ssyncset.done $0x0  }
0x27: {  	[sflag:s18] =	ssyncadd.s32 $0xFFFFD800  }
0x28: {  	[spmem:s6] =	stream.linear.scatter [tilespmem:s17], [sflag:$0x8], $0x2800, $0x38;
	[tilespmem:$0x1FEA0] =	vst v63  }
0x29: {  	_ =	swait.ge [sflag:s18], $0x2800  }
0x2a: {  	[sflag:s18] =	ssyncset.done $0x0  }
0x2b: {  	[sflag:s18] =	ssyncadd.s32 $0xFFFFD800  }
0x2c: {  	[spmem:s7] =	stream.linear.scatter [tilespmem:s17], [sflag:$0x8], $0x2800, $0x38;
	[tilespmem:$0x1FEA0] =	vst v63  }
0x2d: {  	_ =	swait.ge [sflag:s18], $0x2800  }
0x2e: {  	[sflag:s18] =	ssyncset.done $0x0  }
0x2f: {  	[sflag:s18] =	ssyncadd.s32 $0xFFFFD800  }
0x30: {  	[spmem:s8] =	stream.linear.scatter [tilespmem:s17], [sflag:$0x8], $0x2800, $0x38;
	[tilespmem:$0x1FEA0] =	vst v63  }
0x31: {  	_ =	swait.ge [sflag:s18], $0x2800  }
0x32: {  	[sflag:s18] =	ssyncset.done $0x0  }
0x33: {  	[sflag:s18] =	ssyncadd.s32 $0xFFFFD800  }
0x34: {  	[spmem:s9] =	stream.linear.scatter [tilespmem:s17], [sflag:$0x8], $0x2800, $0x38;
	[tilespmem:$0x1FEA0] =	vst v63  }
0x35: {  	_ =	swait.ge [sflag:s18], $0x2800  }
0x36: {  	[sflag:s18] =	ssyncset.done $0x0  }
0x37: {  	[sflag:s18] =	ssyncadd.s32 $0xFFFFD800  }
0x38: {  	[spmem:s10] =	stream.linear.scatter [tilespmem:s17], [sflag:$0x8], $0x2800, $0x38;
	[tilespmem:$0x1FEA0] =	vst v63  }
0x39: {  	_ =	swait.ge [sflag:s18], $0x2800  }
0x3a: {  	[sflag:s18] =	ssyncset.done $0x0  }
0x3b: {  	[sflag:s18] =	ssyncadd.s32 $0xFFFFD800  }
0x3c: {  	[spmem:s11] =	stream.linear.scatter [tilespmem:s17], [sflag:$0x8], $0x2800, $0x38;
	[tilespmem:$0x1FEA0] =	vst v63  }
0x3d: {  	_ =	swait.ge [sflag:s18], $0x2800  }
0x3e: {  	[sflag:s18] =	ssyncset.done $0x0  }
0x3f: {  	[sflag:s18] =	ssyncadd.s32 $0xFFFFD800  }
0x40: {  	[spmem:s12] =	stream.linear.scatter [tilespmem:s17], [sflag:$0x8], $0x2800, $0x38;
	[tilespmem:$0x1FEA0] =	vst v63  }
0x41: {  	_ =	swait.ge [sflag:s18], $0x2800  }
0x42: {  	[sflag:s18] =	ssyncset.done $0x0  }
0x43: {  	s24 =	simm.s32 $0x0;
	[sflag:s18] =	ssyncadd.s32 $0xFFFFD800  }
0x44: {  	[tilespmem:s24], [sflag:$0x8] =	stream.linear.gather [hbm4b:s13+s24], $0x2710, $0x38;
	[tilespmem:$0x1FEA0] =	vst v63  }
0x45: {  	_ =	swait.ge [sflag:s18], $0x2710  }
0x46: {  	[sflag:s18] =	ssyncset.done $0x0  }
0x47: {  	s28 =	simm.s32 $0x2710;
	[sflag:s18] =	ssyncadd.s32 $0xFFFFD8F0  }
.LBB2_4:
0x48: {  	p0 =	sne.s32 s24, $0x4D8  }
.Ltmp1:
0x49: {  	_ = 	snop;
	(pc) =	sbr.rel @p0 .LBB2_4-.Ltmp1, $4  }
0x4a: {  	_ = 	snop  }
0x4b: {  	s30 =	sadd.s32 s24, s16  }
0x4c: {  	[tilespmem:s28], [sflag:$0x1] =	stream.linear.gather [hbm4b:s30+s4], $0x50, $0x38;
	[tilespmem:$0x1FEA0] =	vst v63  }
0x4d: {  	s24 =	sadd.s32 $0xA, s24;
	s28 =	sadd.s32 $0x50, s28  }
0x4e: {  	_ =	swait.ge [sflag:s19], $0x50  }
0x4f: {  	s24 =	simm.s32 $0x7C;
	[sflag:s19] =	ssyncset.done $0x0  }
.LBB2_6:
0x50: {  	p0 =	sne.s32 s24, $0x1;
	s24 =	sadd.s32 $0xFFFFFFFF, s24;
	[sflag:s19] =	ssyncadd.s32 $0xFFFFFFB0  }
.Ltmp2:
0x51: {  	(pc) =	sbr.rel @p0 .LBB2_6-.Ltmp2, $3  }
0x52: {  	_ =	sdelay $0x1  }
0x53: {  	_ =	swait.ge [sflag:s19], $0x50  }
0x54: {  	[sflag:s19] =	ssyncset.done $0x0  }
0x55: {  	[sflag:s19] =	ssyncadd.s32 $0xFFFFFFB0  }
0x56: {  	s24 =	simm.s32 $0x0;
	[bflag:$0x0] =	sbarrier.arrive $0xFFFF  }
0x57: {  	[tilespmem:s17], [sflag:$0x2] =	stream.indirect.gather [hbm4b:s2+s20], $0x80, s24, s20, $0xb8;
	[tilespmem:$0x1FEA0] =	vst v63  }
0x58: {  	_ = 	snop  }
0x59: {  	[tilespmem:s21], [sflag:$0x3] =	stream.indirect.gather [hbm4b:s2+s20], $0x80, s20, s20, $0xb8;
	[tilespmem:$0x1FEA0] =	vst v63  }
0x5a: {  	_ =	swait.ge [sflag:s22], $0x2800  }
0x5b: {  	[sflag:s22] =	ssyncset.done $0x0  }
0x5c: {  	s30 =	simm.s32 $0x2710;
	[sflag:s22] =	ssyncadd.s32 $0xFFFFD800  }
0x5d: {  	[spmem:s3] =	stream.indirect.scatter.add.f32 [tilespmem:s17], [sflag:$0x5], $0x80, s30, s20, $0xb8;
	[tilespmem:$0x1FEA0] =	vst v63  }
0x5e: {  	s30 =	simm.s32 $0xA0  }
0x5f: {  	[tilespmem:s25], [sflag:$0x4] =	stream.indirect.gather [hbm4b:s2+s20], $0x80, s30, s20, $0xb8;
	[tilespmem:$0x1FEA0] =	vst v63  }
0x60: {  	_ =	swait.ge [sflag:s26], $0x2800  }
0x61: {  	[sflag:s26] =	ssyncset.done $0x0  }
0x62: {  	s30 =	simm.s32 $0x2760;
	[sflag:s26] =	ssyncadd.s32 $0xFFFFD800  }
0x63: {  	[spmem:s3] =	stream.indirect.scatter.add.f32 [tilespmem:s21], [sflag:$0x6], $0x80, s30, s20, $0xb8;
	[tilespmem:$0x1FEA0] =	vst v63  }
0x64: {  	_ =	swait.ge [sflag:s29], $0x2800  }
0x65: {  	[sflag:s29] =	ssyncset.done $0x0  }
0x66: {  	s30 =	simm.s32 $0xF0;
	[sflag:s29] =	ssyncadd.s32 $0xFFFFD800  }
0x67: {  	[tilespmem:s17], [sflag:$0x2] =	stream.indirect.gather [hbm4b:s2+s20], $0x80, s30, s20, $0xb8;
	[tilespmem:$0x1FEA0] =	vst v63  }
0x68: {  	_ =	swait.ge [sflag:s31], $0x2800  }
0x69: {  	[sflag:s31] =	ssyncset.done $0x0  }
0x6a: {  	s30 =	simm.s32 $0x27B0;
	[sflag:s31] =	ssyncadd.s32 $0xFFFFD800  }
0x6b: {  	[spmem:s3] =	stream.indirect.scatter.add.f32 [tilespmem:s25], [sflag:$0x7], $0x80, s30, s20, $0xb8;
	[tilespmem:$0x1FEA0] =	vst v63  }
0x6c: {  	_ =	swait.ge [sflag:s0], $0x2800  }
0x6d: {  	[sflag:s0] =	ssyncset.done $0x0  }
0x6e: {  	s30 =	simm.s32 $0x140;
	[sflag:s0] =	ssyncadd.s32 $0xFFFFD800  }
0x6f: {  	[tilespmem:s21], [sflag:$0x3] =	stream.indirect.gather [hbm4b:s2+s20], $0x80, s30, s20, $0xb8;
	[tilespmem:$0x1FEA0] =	vst v63  }
0x70: {  	_ =	swait.ge [sflag:s22], $0x2800  }
0x71: {  	[sflag:s22] =	ssyncset.done $0x0  }
0x72: {  	s30 =	simm.s32 $0x2800;
	[sflag:s22] =	ssyncadd.s32 $0xFFFFD800  }
0x73: {  	[spmem:s3] =	stream.indirect.scatter.add.f32 [tilespmem:s17], [sflag:$0x5], $0x80, s30, s20, $0xb8;
	[tilespmem:$0x1FEA0] =	vst v63  }
0x74: {  	_ =	swait.ge [sflag:s23], $0x2800  }
0x75: {  	[sflag:s23] =	ssyncset.done $0x0  }
0x76: {  	s30 =	simm.s32 $0x190;
	[sflag:s23] =	ssyncadd.s32 $0xFFFFD800  }
0x77: {  	[tilespmem:s25], [sflag:$0x4] =	stream.indirect.gather [hbm4b:s2+s20], $0x80, s30, s20, $0xb8;
	[tilespmem:$0x1FEA0] =	vst v63  }
0x78: {  	_ =	swait.ge [sflag:s26], $0x2800  }
0x79: {  	[sflag:s26] =	ssyncset.done $0x0  }
0x7a: {  	s30 =	simm.s32 $0x2850;
	[sflag:s26] =	ssyncadd.s32 $0xFFFFD800  }
0x7b: {  	[spmem:s3] =	stream.indirect.scatter.add.f32 [tilespmem:s21], [sflag:$0x6], $0x80, s30, s20, $0xb8;
	[tilespmem:$0x1FEA0] =	vst v63  }
0x7c: {  	_ =	swait.ge [sflag:s29], $0x2800  }
0x7d: {  	[sflag:s29] =	ssyncset.done $0x0  }
0x7e: {  	s30 =	simm.s32 $0x1E0;
	[sflag:s29] =	ssyncadd.s32 $0xFFFFD800  }
0x7f: {  	[tilespmem:s17], [sflag:$0x2] =	stream.indirect.gather [hbm4b:s2+s20], $0x80, s30, s20, $0xb8;
	[tilespmem:$0x1FEA0] =	vst v63  }
0x80: {  	_ =	swait.ge [sflag:s31], $0x2800  }
0x81: {  	[sflag:s31] =	ssyncset.done $0x0  }
0x82: {  	s28 =	simm.s32 $0x28A0;
	s24 =	simm.s32 $0x3C0;
	[sflag:s31] =	ssyncadd.s32 $0xFFFFD800  }
.LBB2_8:
0x83: {  	[spmem:s3] =	stream.indirect.scatter.add.f32 [tilespmem:s25], [sflag:$0x7], $0x80, s28, s20, $0xb8;
	[tilespmem:$0x1FEA0] =	vst v63  }
0x84: {  	s28 =	smov.u32 s24  }
0x85: {  	p0 =	sne.s32 s24, $0x9240;
	s24 =	sadd.s32 $0x3C0, s24;
	_ =	swait.ge [sflag:s0], $0x2800  }
0x86: {  	s28 =	sshra.s32 s28, $0x2;
	[sflag:s0] =	ssyncset.done $0x0  }
0x87: {  	s30 =	sadd.s32 $0x140, s28;
	[sflag:s0] =	ssyncadd.s32 $0xFFFFD800  }
0x88: {  	[tilespmem:s21], [sflag:$0x3] =	stream.indirect.gather [hbm4b:s2+s20], $0x80, s30, s20, $0xb8;
	[tilespmem:$0x1FEA0] =	vst v63  }
0x89: {  	_ =	swait.ge [sflag:s22], $0x2800  }
0x8a: {  	[sflag:s22] =	ssyncset.done $0x0  }
0x8b: {  	s30 =	sadd.s32 $0x2800, s28;
	[sflag:s22] =	ssyncadd.s32 $0xFFFFD800  }
0x8c: {  	[spmem:s3] =	stream.indirect.scatter.add.f32 [tilespmem:s17], [sflag:$0x5], $0x80, s30, s20, $0xb8;
	[tilespmem:$0x1FEA0] =	vst v63  }
0x8d: {  	_ =	swait.ge [sflag:s23], $0x2800  }
0x8e: {  	[sflag:s23] =	ssyncset.done $0x0  }
0x8f: {  	s30 =	sadd.s32 $0x190, s28;
	[sflag:s23] =	ssyncadd.s32 $0xFFFFD800  }
0x90: {  	[tilespmem:s25], [sflag:$0x4] =	stream.indirect.gather [hbm4b:s2+s20], $0x80, s30, s20, $0xb8;
	[tilespmem:$0x1FEA0] =	vst v63  }
0x91: {  	_ =	swait.ge [sflag:s26], $0x2800  }
0x92: {  	[sflag:s26] =	ssyncset.done $0x0  }
0x93: {  	s30 =	sadd.s32 $0x2850, s28;
	[sflag:s26] =	ssyncadd.s32 $0xFFFFD800  }
0x94: {  	[spmem:s3] =	stream.indirect.scatter.add.f32 [tilespmem:s21], [sflag:$0x6], $0x80, s30, s20, $0xb8;
	[tilespmem:$0x1FEA0] =	vst v63  }
0x95: {  	_ =	swait.ge [sflag:s29], $0x2800  }
0x96: {  	[sflag:s29] =	ssyncset.done $0x0  }
.Ltmp3:
0x97: {  	s30 =	sadd.s32 $0x1E0, s28;
	[sflag:s29] =	ssyncadd.s32 $0xFFFFD800;
	(pc) =	sbr.rel @p0 .LBB2_8-.Ltmp3, $4  }
0x98: {  	[tilespmem:s17], [sflag:$0x2] =	stream.indirect.gather [hbm4b:s2+s20], $0x80, s30, s20, $0xb8;
	[tilespmem:$0x1FEA0] =	vst v63  }
0x99: {  	_ =	swait.ge [sflag:s31], $0x2800  }
0x9a: {  	[sflag:s31] =	ssyncset.done $0x0  }
0x9b: {  	s28 =	sadd.s32 $0x28A0, s28;
	[sflag:s31] =	ssyncadd.s32 $0xFFFFD800  }
0x9c: {  	[spmem:s3] =	stream.indirect.scatter.add.f32 [tilespmem:s25], [sflag:$0x7], $0x80, s28, s20, $0xb8;
	[tilespmem:$0x1FEA0] =	vst v63  }
0x9d: {  	_ =	swait.ge [sflag:s0], $0x2800  }
0x9e: {  	[sflag:s0] =	ssyncset.done $0x0  }
0x9f: {  	s24 =	simm.s32 $0x26C0;
	[sflag:s0] =	ssyncadd.s32 $0xFFFFD800  }
0xa0: {  	[tilespmem:s21], [sflag:$0x3] =	stream.indirect.gather [hbm4b:s2+s20], $0x80, s24, s20, $0xb8;
	[tilespmem:$0x1FEA0] =	vst v63  }
0xa1: {  	_ =	swait.ge [sflag:s22], $0x2800  }
0xa2: {  	[sflag:s22] =	ssyncset.done $0x0  }
0xa3: {  	s28 =	simm.s32 $0x4D80;
	[sflag:s22] =	ssyncadd.s32 $0xFFFFD800  }
0xa4: {  	[spmem:s3] =	stream.indirect.scatter.add.f32 [tilespmem:s17], [sflag:$0x5], $0x80, s28, s20, $0xb8;
	[tilespmem:$0x1FEA0] =	vst v63  }
0xa5: {  	_ =	swait.ge [sflag:s26], $0x2800  }
0xa6: {  	[sflag:s26] =	ssyncset.done $0x0  }
0xa7: {  	s30 =	simm.s32 $0x4DD0;
	[sflag:s26] =	ssyncadd.s32 $0xFFFFD800  }
0xa8: {  	[spmem:s3] =	stream.indirect.scatter.add.f32 [tilespmem:s21], [sflag:$0x6], $0x80, s30, s20, $0xb8;
	[tilespmem:$0x1FEA0] =	vst v63  }
0xa9: {  	_ =	swait.ge [sflag:s23], $0x2800  }
0xaa: {  	[sflag:s23] =	ssyncset.done $0x0  }
0xab: {  	[sflag:s23] =	ssyncadd.s32 $0xFFFFD800  }
0xac: {  	_ =	swait.ge [sflag:s29], $0x2800  }
0xad: {  	[sflag:s29] =	ssyncset.done $0x0  }
0xae: {  	[sflag:s29] =	ssyncadd.s32 $0xFFFFD800  }
0xaf: {  	s28 =	stileid.u32;
	_ =	swait.ge [sflag:s0], $0x2800  }
0xb0: {  	s1 =	sadd.s32 $0x1, s1;
	s24 =	sshll.u32 s28, $0x6;
	[sflag:s0] =	ssyncset.done $0x0  }
0xb1: {  	p0 =	sne.s32 s1, s15;
	s24 =	sor.u32 $0x1C08, s24;
	[sflag:s0] =	ssyncadd.s32 $0xFFFFD800  }
.Ltmp4:
0xb2: {  	s30 =	sshrl.u32 s5, $0x3;
	[bflag:$0x0] =	sbarrier.arrive $0xFFFF;
	(pc) =	sbr.rel @p0 .LBB2_1-.Ltmp4, $4  }
0xb3: {  	[hbm:s14], [sflag:s24] =	dma.local [spmem:s30], $0x2710  }
0xb4: {  	_ =	swait.ge [sflag:s18], $0x2710  }
0xb5: {  	[sflag:s18] =	ssyncset.done $0x0  }
0xb6: {  	[sflag:s18] =	ssyncadd.s32 $0xFFFFD8F0  }
0xb7: {  	_ =	sfence.sel $0x180000  }
0xb8: {  	[bflag:$0x0] =	sbarrier.arrive $0xFFFF  }
0xb9: {  	_ =	strace $0x9000004D  }
0xba: {  	s0 =	stileid.u32;
	[bflag:$0x2] =	sbarrier.arrive $0xFFFF  }
0xbb: {  	p0 =	sne.s32 s0, $0x0;
	s0 =	rddreg [dreg:$0x3]  }
0xbc: {  	s0 =	sadd.s32 @!p0 $0x100000, s0  }
0xbd: {  	[sflag:s0] =	ssyncadd.tile.s32 @!p0 $0x1;
	_ =	shalt  }
.Lfunc_end2:
_tile_overlayer_lowered:
.L_overlay_start_2:
0xbe: {  	(tag) =	ssettag $0x2  }
0xbf: {  	s0 =	rddreg [dreg:$0x0];
	s2 =	stileid.u32  }
0xc0: {  	s1 =	rddreg [dreg:$0x1];
	p0 =	sne.s32 s2, $0x0  }
0xc1: {  	s3 =	rddreg [dreg:$0x2];
	[bflag:$0x3] =	sbarrier.arrive $0xFFFF;
	s2 =	simm.s32 @!p0 $0x1C08  }
0xc2: {  	[timem:s3], [sflag:s2] =	dma.local @!p0 [hbm:s0], s1  }
0xc3: {  	s0 =	simm.s32 @!p0 $0x8  }
0xc4: {  	_ =	swait.ge @!p0 [sflag:s0], s1  }
0xc5: {  	s1 =	ssub.s32 @!p0 $0x0, s1;
	[sflag:s0] =	ssyncset.done @!p0 $0x0  }
0xc6: {  	[sflag:s0] =	ssyncadd.s32 @!p0 s1  }
0xc7: {  	[bflag:$0x3] =	sbarrier.arrive $0xFFFF  }
0xc8: {  	_ =	shalt  }

// kernel: kernel.8.cloned.1.call-start
scs
__scs_entry_jumppad:
0x0: {  	(pc) =	sbr.rel $0x88, $3  }
0x1: {  	(tag) =	ssettag $0x0;
	lr =	simm.s32 $0x1  }
0x2: {  	[smem:$0x3F9B] =	sst lr;
	_ =	strace $0xD0000000  }
0x3: {  	_ = 	snop  }
0x4: {  	_ = 	snop  }
0x5: {  	_ = 	snop  }
0x6: {  	_ = 	snop  }
0x7: {  	_ = 	snop  }
__scs_overlays_trampoline_lowered:
0x8: {  	[smem:$0x3FAA] =	sst s0  }
0x9: {  	[smem:$0x3FAB] =	sst s1  }
0xa: {  	[smem:$0x3FAC] =	sst s2  }
0xb: {  	[smem:$0x3FAD] =	sst s3  }
0xc: {  	[smem:$0x3FAE] =	sst s4  }
0xd: {  	[smem:$0x3FAF] =	sst s5  }
0xe: {  	[smem:$0x3FB0] =	sst s6  }
0xf: {  	[smem:$0x3FB1] =	sst s7  }
0x10: {  	[smem:$0x3FB2] =	sst s8  }
0x11: {  	[smem:$0x3FB3] =	sst s9;
	s0 =	simm.s32 @!p0 $0x0  }
0x12: {  	s1 =	sld [smem:$0x3F99];
	s0 =	simm.s32 @p0 $0x1  }
0x13: {  	[smem:$0x3FB4] =	sst s0;
	s0 =	simm.s32 @!p1 $0x0  }
0x14: {  	s2 =	sld [smem:$0x3F98];
	s0 =	simm.s32 @p1 $0x1  }
0x15: {  	[smem:$0x3FB5] =	sst s0;
	s0 =	simm.s32 @!p2 $0x0  }
0x16: {  	s3 =	sld [smem:$0x3FDB];
	s0 =	simm.s32 @p2 $0x1  }
0x17: {  	s4 =	simm.s32 $0x1BF5;
	[smem:$0x3FB7] =	sst s0  }
0x18: {  	s0 =	sld [smem:$0x3F9A];
	_ =	swait.ge [sflag:s4], $0x0  }
0x19: {  	s7 =	sld [smem:$0x3F9B]  }
0x1a: {  	s8 =	sadd.s32 $0xFFFFE003, lr  }
0x1b: {  	s9 =	sadd.s32 $0xFFFFFEF7, lr;
	s5 =	simm.s32 $0xFFFFFFFF;
	p2 =	slt.u32 s8, $0xFFFFF086  }
0x1c: {  	p1 =	slt.u32 s9, $0xF7A;
	s5 =	simm.s32 @!p2 $0x0  }
0x1d: {  	s5 =	simm.s32 @p1 $0x1;
	p0 =	seq.s32 s7, s2  }
0x1e: {  	s7 =	smul.u32 @!p0 $0xF7A, s2;
	p2 =	seq.s32 @!p0 s5, $0x0  }
0x1f: {  	s9 =	smul.u32 $0xF7A, s1;
	s8 =	simm.s32 @!p0 $0x1BF5;
	p2 =	por !p2, p0  }
0x20: {  	[sflag:s8] =	ssyncset.s32 @!p0 $0xFFFFF086;
	s6 =	sadd.s32 @!p0 s3, s7;
	s7 =	simm.s32 @!p0 $0x108  }
0x21: {  	s3 =	sadd.s32 s3, s9;
	s6 =	sadd.s32 @!p0 $0x88, s6;
	s7 =	simm.s32 @p2 $0x1082  }
0x22: {  	[simem:s7], [sflag:s8] =	dma.local @!p0 [hbm:s6], $0xF7A  }
0x23: {  	s9 =	sor.u32 $0xD0000000, s2;
	s6 =	simm.s32 $0x108;
	_ =	swait.ge @!p0 [sflag:s8], $0x0  }
0x24: {  	s3 =	sadd.s32 $0x88, s3;
	s6 =	simm.s32 @!p1 $0x1082;
	[sflag:s4] =	ssyncset.s32 $0xFFFFF086  }
0x25: {  	[simem:s6], [sflag:s4] =	dma.local [hbm:s3], $0xF7A  }
0x26: {  	[smem:$0x3F9B] =	sst s1;
	(tag) =	ssettag s2;
	_ =	strace s9  }
0x27: {  	s1 =	sld [smem:$0x3FAB]  }
0x28: {  	s2 =	sld [smem:$0x3FAC]  }
0x29: {  	s4 =	sld [smem:$0x3FAE]  }
0x2a: {  	p0 =	seq.s32 s5, $0x0;
	s5 =	sld [smem:$0x3FAF]  }
0x2b: {  	s6 =	sld [smem:$0x3FB0]  }
0x2c: {  	s7 =	sld [smem:$0x3FB1]  }
0x2d: {  	s3 =	simm.s32 $0x108;
	s8 =	sld [smem:$0x3FB2]  }
0x2e: {  	s3 =	simm.s32 @!p0 $0x1082;
	s9 =	sld [smem:$0x3FB3]  }
0x2f: {  	lr =	sadd.s32 s0, s3;
	s0 =	sld [smem:$0x3FAA]  }
0x30: {  	s3 =	sld [smem:$0x3FAD]  }
0x31: {  	[smem:$0x3FB6] =	sst s10  }
0x32: {  	s10 =	sld [smem:$0x3FB4];
	_ =	sdelay $0x3  }
0x33: {  	p0 =	seq.s32 s10, $0x1;
	s10 =	sld [smem:$0x3FB6];
	_ =	sdelay $0x3  }
0x34: {  	[smem:$0x3FB6] =	sst s10  }
0x35: {  	s10 =	sld [smem:$0x3FB5];
	_ =	sdelay $0x3  }
0x36: {  	p1 =	seq.s32 s10, $0x1;
	s10 =	sld [smem:$0x3FB6];
	_ =	sdelay $0x3  }
0x37: {  	[smem:$0x3FB6] =	sst s10  }
0x38: {  	s10 =	sld [smem:$0x3FB7]  }
0x39: {  	_ = 	snop;
	(pc) =	sbr.ind lr, $3  }
0x3a: {  	_ = 	snop  }
0x3b: {  	_ = 	snop  }
0x3c: {  	p2 =	seq.s32 s10, $0x1;
	s10 =	sld [smem:$0x3FB6]  }
0x3d: {  	_ =	shalt  }
0x3e: {  	_ =	shalt  }
0x3f: {  	_ =	shalt  }
0x40: {  	_ =	shalt  }
0x41: {  	_ =	shalt  }
0x42: {  	_ =	shalt  }
0x43: {  	_ =	shalt  }
0x44: {  	_ =	shalt  }
0x45: {  	_ =	shalt  }
0x46: {  	_ =	shalt  }
0x47: {  	_ =	shalt  }
0x48: {  	_ =	shalt  }
0x49: {  	_ =	shalt  }
0x4a: {  	_ =	shalt  }
0x4b: {  	_ =	shalt  }
0x4c: {  	_ =	shalt  }
0x4d: {  	_ =	shalt  }
0x4e: {  	_ =	shalt  }
0x4f: {  	_ =	shalt  }
0x50: {  	_ =	shalt  }
0x51: {  	_ =	shalt  }
0x52: {  	_ =	shalt  }
0x53: {  	_ =	shalt  }
0x54: {  	_ =	shalt  }
0x55: {  	_ =	shalt  }
0x56: {  	_ =	shalt  }
0x57: {  	_ =	shalt  }
0x58: {  	_ =	shalt  }
0x59: {  	_ =	shalt  }
0x5a: {  	_ =	shalt  }
0x5b: {  	_ =	shalt  }
0x5c: {  	_ =	shalt  }
0x5d: {  	_ =	shalt  }
0x5e: {  	_ =	shalt  }
0x5f: {  	_ =	shalt  }
0x60: {  	_ =	shalt  }
0x61: {  	_ =	shalt  }
0x62: {  	_ =	shalt  }
0x63: {  	_ =	shalt  }
0x64: {  	_ =	shalt  }
0x65: {  	_ =	shalt  }
0x66: {  	_ =	shalt  }
0x67: {  	_ =	shalt  }
0x68: {  	_ =	shalt  }
0x69: {  	_ =	shalt  }
0x6a: {  	_ =	shalt  }
0x6b: {  	_ =	shalt  }
0x6c: {  	_ =	shalt  }
0x6d: {  	_ =	shalt  }
0x6e: {  	_ =	shalt  }
0x6f: {  	_ =	shalt  }
0x70: {  	_ =	shalt  }
0x71: {  	_ =	shalt  }
0x72: {  	_ =	shalt  }
0x73: {  	_ =	shalt  }
0x74: {  	_ =	shalt  }
0x75: {  	_ =	shalt  }
0x76: {  	_ =	shalt  }
0x77: {  	_ =	shalt  }
0x78: {  	_ =	shalt  }
0x79: {  	_ =	shalt  }
0x7a: {  	_ =	shalt  }
0x7b: {  	_ =	shalt  }
0x7c: {  	_ =	shalt  }
0x7d: {  	_ =	shalt  }
0x7e: {  	_ =	shalt  }
0x7f: {  	_ =	shalt  }
0x80: {  	_ =	shalt  }
0x81: {  	_ =	shalt  }
0x82: {  	_ =	shalt  }
0x83: {  	_ =	shalt  }
0x84: {  	_ =	shalt  }
0x85: {  	_ =	shalt  }
0x86: {  	_ =	shalt  }
0x87: {  	_ =	shalt  }
.Lfunc_end0:
.L_simem_size_0:
called_computation_lowered:
.L_overlay_start_0:
0x88: {  	s2 =	sld [smem:$0x3FD9]  }
0x89: {  	s3 =	sld [smem:$0x3FFE];
	_ =	sdelay $0x1  }
0x8a: {  	s1 =	srdreg.scid  }
0x8b: {  	s0 =	sand.u32 $0x1, s1  }
0x8c: {  	s16 =	sshll.u32 s0, $0xA;
	s2 =	sadd.s32 s3, s2  }
0x8d: {  	s2 =	sadd.s32 s2, s16  }
0x8e: {  	[smem:$0x3FC2] =	sst s2  }
0x8f: {  	_ = 	snop  }
0x90: {  	(tm) =	ssettm $0x1  }
0x91: {  	s17 =	sld [smem:$0x3FFB];
	_ =	sdelay $0x3  }
0x92: {  	_ =	strace s17  }
0x93: {  	s2 =	sld [smem:$0x3FFC];
	_ =	sdelay $0x3  }
0x94: {  	_ =	strace s2  }
0x95: {  	s2 =	sld [smem:$0x3FFD];
	_ =	sdelay $0x3  }
0x96: {  	_ =	strace s2  }
0x97: {  	_ =	strace $0x8FFFFFFF  }
0x98: {  	s18 =	sld [smem:$0x3FDB];
	_ =	sdelay $0x1  }
0x99: {  	s19 =	simm.s32 $_scs_section_size  }
0x9a: {  	s4 =	simm.s32 $_size__tile_overlayer_lowered;
	s5 =	simm.s32 $_tile_overlayer_lowered  }
0x9b: {  	s22 =	simm.s32 $0x1BFF;
	s21 =	sshll.u32 s5, $0x1;
	s2 =	sadd.s32 s19, s18  }
0x9c: {  	s6 =	simm.s32 $0x0;
	s20 =	sshll.u32 s4, $0x1;
	s4 =	sadd.s32 s21, s2  }
0x9d: {  	[timem:s6], [sflag:s22] =	dma.local [hbm:s4], s20  }
0x9e: {  	_ =	swait.ge [sflag:s22], s20  }
0x9f: {  	s3 =	ssub.s32 $0x0, s20;
	[sflag:s22] =	ssyncset.done $0x0  }
0xa0: {  	[sflag:s22] =	ssyncadd.s32 s3;
	_ =	sdelay $0x1  }
0xa1: {  	s23 =	simm.s32 $0x1B8B  }
0xa2: {  	_ =	swait.ge [sflag:s23], $0x1  }
0xa3: {  	[sflag:s23] =	ssyncset.done $0x0  }
0xa4: {  	s25 =	simm.s32 $0x1B8E;
	s24 =	sld [smem:$0x3FFE];
	[sflag:s23] =	ssyncadd.s32 $0xFFFFFFFF  }
0xa5: {  	s26 =	simm.s32 $execute0_lowered;
	[smem:$0x3FD2] =	sst s25  }
0xa6: {  	s4 =	sshll.u32 s26, $0x1;
	_ =	strace $0x80000046;
	[dreg:$0x1] =	wrdreg $0xFFFFFFFF  }
0xa7: {  	s28 =	simm.s32 $_size_execute0_lowered;
	s2 =	sadd.s32 s2, s4;
	[dreg:$0x0] =	wrdreg $0x0  }
0xa8: {  	s4 =	sshll.u32 s28, $0x1;
	[dreg:$0x2] =	wrdreg s2  }
0xa9: {  	[dreg:$0x3] =	wrdreg s4  }
0xaa: {  	[dreg:$0x4] =	wrdreg $0xC0  }
0xab: {  	_ =	task [dreg:s6], $0x5FFFF  }
0xac: {  	[dreg:$0x1] =	wrdreg $0xFFFFFFFF  }
0xad: {  	[dreg:$0x0] =	wrdreg $0x60  }
0xae: {  	[dreg:$0x2] =	wrdreg s24  }
0xaf: {  	[dreg:$0x3] =	wrdreg $0x18BA00  }
0xb0: {  	[dreg:$0x4] =	wrdreg $0x9  }
0xb1: {  	_ =	task.clear_ibuf [dreg:s6], $0x5FFFF;
	_ =	strace $0x90000046  }
0xb2: {  	s29 =	simm.s32 $0x9;
	_ =	strace $0x80000048  }
0xb3: {  	_ =	swait.ge [sflag:s29], $0x1  }
0xb4: {  	[sflag:s29] =	ssyncadd.s32 $0xFFFFFFFF  }
0xb5: {  	_ =	strace $0x90000048  }
0xb6: {  	_ =	sfence  }
0xb7: {  	s30 =	sld [smem:$0x0];
	_ =	sdelay $0x2  }
0xb8: {  	s31 =	sshll.u32 s1, $0xD;
	s1 =	sshrl.u32 s1, $0x2  }
0xb9: {  	s3 =	sand.u32 $0x4000, s31;
	s1 =	sadd.s32 s1, s30  }
0xba: {  	s0 =	sor.u32 s3, s0;
	s1 =	sshll.u32 s1, $0x11  }
0xbb: {  	s0 =	sor.u32 s1, s0  }
0xbc: {  	s0 =	sadd.s32 $0x8F2B, s0  }
0xbd: {  	[sflag:s0] =	ssyncadd.remote.s32 $0x1  }
0xbe: {  	_ =	sfence.sel $0xFFFF  }
0xbf: {  	[dreg:$0x0] =	wrdreg $0xFFFFFFFF;
	(pc) =	sbr.abs _section_cstart, $3  }
0xc0: {  	[dreg:$0x1] =	wrdreg $0xFFFFFFFF  }
0xc1: {  	_ =	task.clear_ibuf [dreg:s6], $0x2FFFF;
	_ =	strace $0x9FFFFFFF  }
0xc2: {  	(tm) =	ssettm $0x7FFFFFFF  }
0xc3: {  	_ =	shalt  }
tec
execute0_lowered:
.L_overlay_start_1:
0x0: {  	(tag) =	ssettag $0x1  }
0x1: {  	s1 =	srdreg.scid;
	s4 =	rddreg [dreg:$0x0]  }
0x2: {  	s0 =	stileid.u32;
	s2 =	rddreg [dreg:$0x1];
	s3 =	simm.s32 $0x0  }
0x3: {  	s10 =	simm.s32 $0x1;
	s11 =	simm.s32 $0x50;
	s12 =	simm.s32 $0x2710  }
0x4: {  	s13 =	simm.s32 $0x2;
	s14 =	simm.s32 $0x5320;
	s6 =	smul.u32 $0x2710, s0  }
0x5: {  	s15 =	simm.s32 $0x0;
	s5 =	sand.u32 $0x1, s1;
	s8 =	smul.u32 $0x9C40, s0  }
0x6: {  	[smem:$0x7FF] =	sst s3;
	s7 =	smul.u32 $0x27100, s5;
	s5 =	ssub.s32 $0x2, s5  }
0x7: {  	s1 =	rddreg [dreg:$0x2];
	_ =	strace $0x80000047;
	s9 =	sshrl.u32 s5, $0x1  }
0x8: {  	s31 =	sshrl.u32 s8, $0x2;
	s8 =	simm.s32 $0x2C10;
	s6 =	sadd.s32 s6, s7  }
0x9: {  	s9 =	ssub.s32 s5, s9;
	s7 =	sshrl.u32 s6, $0x3;
	s6 =	sadd.s32 s6, s4  }
0xa: {  	s7 =	sadd.s32 s7, s4;
	s4 =	sadd.s32 s31, s2;
	s5 =	sadd.s32 $0x15A00, s6  }
0xb: {  	v0 =	vimm.f32 $1.000000000e+00;
	v1 =	vimm.f32 $0.0e+00;
	s6 =	smax.u32 s9, $0x1;
	s9 =	simm.s32 $0x3;
	s7 =	sadd.s32 $0xBC00, s7  }
.LBB2_1:
0xc: {  	s16 =	simm.s32 $0x40;
	s17 =	simm.s32 $0x0  }
.LBB2_2:
0xd: {  	p0 =	sne.s32 s16, $0x13C0;
	[tilespmem:s17+$0x2710] =	vst v0;
	s17 =	smov.u32 s16;
	s16 =	sadd.s32 $0x40, s16  }
.Ltmp0:
0xe: {  	(pc) =	sbr.rel @p0 .LBB2_2-.Ltmp0, $2  }
0xf: {  	_ =	sdelay $0x2  }
0x10: {  	s17 =	sshra.s32 s17, $0x2  }
0x11: {  	[tilespmem:s17+$0x2710] =	vst v0;
	s16 =	simm.s32 $0x40;
	s17 =	simm.s32 $0x0  }
.LBB2_4:
0x12: {  	p0 =	sne.s32 s16, $0x9C00;
	[tilespmem:s17+$0x2C10] =	vst v1;
	s17 =	smov.u32 s16;
	s16 =	sadd.s32 $0x40, s16  }
.Ltmp1:
0x13: {  	(pc) =	sbr.rel @p0 .LBB2_4-.Ltmp1, $2  }
0x14: {  	_ =	sdelay $0x2  }
0x15: {  	s17 =	sshra.s32 s17, $0x2  }
0x16: {  	[tilespmem:s17+$0x2C10] =	vst v1;
	s16 =	simm.s32 $0x0;
	s17 =	simm.s32 $0x200  }
.LBB2_6:
0x17: {  	p0 =	sne.s32 s17, $0x4E000;
	[tilespmem:s16+$0x5390] =	vst v1  }
0x18: {  	[tilespmem:s16+$0x5320] =	vst v1  }
0x19: {  	[tilespmem:s16+$0x5330] =	vst v1  }
.Ltmp2:
0x1a: {  	[tilespmem:s16+$0x5340] =	vst v1;
	(pc) =	sbr.rel @p0 .LBB2_6-.Ltmp2, $4  }
0x1b: {  	[tilespmem:s16+$0x5350] =	vst v1  }
0x1c: {  	[tilespmem:s16+$0x5360] =	vst v1  }
0x1d: {  	[tilespmem:s16+$0x5370] =	vst v1  }
0x1e: {  	[tilespmem:s16+$0x5380] =	vst v1;
	s16 =	sshra.s32 s17, $0x2;
	s17 =	sadd.s32 $0x200, s17  }
0x1f: {  	[tilespmem:s16+$0x5390] =	vst v1  }
0x20: {  	[tilespmem:s16+$0x5320] =	vst v1  }
0x21: {  	[tilespmem:s16+$0x5330] =	vst v1  }
0x22: {  	[tilespmem:s16+$0x5340] =	vst v1  }
0x23: {  	[tilespmem:s16+$0x5350] =	vst v1  }
0x24: {  	[tilespmem:s16+$0x5360] =	vst v1  }
0x25: {  	[tilespmem:s16+$0x5370] =	vst v1  }
0x26: {  	[tilespmem:s16+$0x5380] =	vst v1  }
0x27: {  	[spmem:s4] =	stream.linear.scatter [tilespmem:s8], [sflag:$0x3], $0x2710, $0x38;
	[tilespmem:$0x1B2B0] =	vst v63  }
0x28: {  	_ =	swait.ge [sflag:s9], $0x2710  }
0x29: {  	[sflag:s9] =	ssyncset.done $0x0  }
0x2a: {  	s16 =	simm.s32 $0x0;
	s17 =	simm.s32 $0x0;
	[sflag:s9] =	ssyncadd.s32 $0xFFFFD8F0  }
.LBB2_8:
0x2b: {  	p0 =	sne.s32 s17, $0x4D8  }
.Ltmp3:
0x2c: {  	_ = 	snop;
	(pc) =	sbr.rel @p0 .LBB2_8-.Ltmp3, $4  }
0x2d: {  	_ = 	snop  }
0x2e: {  	s18 =	sadd.s32 s17, s7  }
0x2f: {  	[tilespmem:s16], [sflag:$0x1] =	stream.linear.gather [hbm4b:s18+s3], $0x50, $0x38;
	[tilespmem:$0x1B2B0] =	vst v63  }
0x30: {  	s17 =	sadd.s32 $0xA, s17;
	s16 =	sadd.s32 $0x50, s16  }
0x31: {  	_ =	swait.ge [sflag:s10], $0x50  }
0x32: {  	s16 =	simm.s32 $0x7C;
	[sflag:s10] =	ssyncset.done $0x0  }
.LBB2_10:
0x33: {  	p0 =	sne.s32 s16, $0x1;
	s16 =	sadd.s32 $0xFFFFFFFF, s16;
	[sflag:s10] =	ssyncadd.s32 $0xFFFFFFB0  }
.Ltmp4:
0x34: {  	(pc) =	sbr.rel @p0 .LBB2_10-.Ltmp4, $3  }
0x35: {  	_ =	sdelay $0x1  }
0x36: {  	_ =	swait.ge [sflag:s10], $0x50  }
0x37: {  	[sflag:s10] =	ssyncset.done $0x0  }
0x38: {  	[sflag:s10] =	ssyncadd.s32 $0xFFFFFFB0  }
0x39: {  	s16 =	simm.s32 $0x0;
	[bflag:$0x0] =	sbarrier.arrive $0xFFFF  }
.LBB2_12:
0x3a: {  	p0 =	sne.s32 s16, $0x9B00  }
.Ltmp5:
0x3b: {  	_ = 	snop;
	(pc) =	sbr.rel @p0 .LBB2_12-.Ltmp5, $3  }
0x3c: {  	_ =	sdelay $0x1  }
0x3d: {  	s17 =	sshra.s32 s16, $0x2;
	s16 =	sadd.s32 $0x140, s16  }
0x3e: {  	[spmem:s2] =	stream.indirect.scatter.add.f32 [tilespmem:s12], [sflag:$0x2], $0x10, s17, s11, $0xb8;
	[tilespmem:$0x1B2B0] =	vst v63  }
0x3f: {  	_ =	swait.ge [sflag:s13], $0x500  }
0x40: {  	s16 =	simm.s32 $0x7C;
	[sflag:s13] =	ssyncset.done $0x0  }
.LBB2_14:
0x41: {  	p0 =	sne.s32 s16, $0x1;
	s16 =	sadd.s32 $0xFFFFFFFF, s16;
	[sflag:s13] =	ssyncadd.s32 $0xFFFFFB00  }
.Ltmp6:
0x42: {  	(pc) =	sbr.rel @p0 .LBB2_14-.Ltmp6, $3  }
0x43: {  	_ =	sdelay $0x1  }
0x44: {  	_ =	swait.ge [sflag:s13], $0x500  }
0x45: {  	[sflag:s13] =	ssyncset.done $0x0  }
0x46: {  	[sflag:s13] =	ssyncadd.s32 $0xFFFFFB00  }
0x47: {  	[bflag:$0x0] =	sbarrier.arrive $0xFFFF  }
0x48: {  	[tilespmem:s8], [sflag:$0x3] =	stream.linear.gather [spmem:s4], $0x2710, $0x38;
	[tilespmem:$0x1B2B0] =	vst v63  }
0x49: {  	_ =	swait.ge [sflag:s9], $0x2710  }
0x4a: {  	[sflag:s9] =	ssyncset.done $0x0  }
0x4b: {  	s18 =	simm.s32 $0x0;
	[sflag:s9] =	ssyncadd.s32 $0xFFFFD8F0  }
0x4c: {  	v2 =	vld [tilespmem:s18+$0x2C10];
	_ =	sdelay $0x3  }
0x4d: {  	s16 =	simm.s32 $0x5320;
	s17 =	simm.s32 $0x40  }
.LBB2_16:
0x4e: {  	s18 =	sshra.s32 s17, $0x2;
	p0 =	sne.s32 s17, $0x9C00;
	s17 =	sadd.s32 $0x40, s17;
	[tilespmem:s16+$0x0] =	vst v2  }
.Ltmp7:
0x4f: {  	v2 =	vld [tilespmem:s18+$0x2C10];
	(pc) =	sbr.rel @p0 .LBB2_16-.Ltmp7, $2  }
0x50: {  	_ =	sdelay $0x2  }
0x51: {  	s16 =	sadd.s32 $0x80, s16  }
0x52: {  	s15 =	sadd.s32 $0x1, s15  }
0x53: {  	p0 =	sne.s32 s15, s6  }
.Ltmp8:
0x54: {  	[tilespmem:s16+$0x0] =	vst v2;
	(pc) =	sbr.rel @p0 .LBB2_1-.Ltmp8, $4  }
0x55: {  	[hbm4b:s5+s3] =	stream.linear.scatter [tilespmem:s14], [sflag:$0x3], $0x13880, $0x38;
	[tilespmem:$0x1B2B0] =	vst v63  }
0x56: {  	_ =	swait.ge [sflag:s9], $0x13880  }
0x57: {  	[sflag:s9] =	ssyncset.done $0x0  }
0x58: {  	[sflag:s9] =	ssyncadd.s32 $0xFFFEC780  }
0x59: {  	_ =	sfence.sel $0x180000  }
0x5a: {  	[bflag:$0x0] =	sbarrier.arrive $0xFFFF  }
0x5b: {  	p0 =	sne.s32 s0, $0x0;
	_ =	strace $0x90000047  }
0x5c: {  	s0 =	sadd.s32 @!p0 $0x100000, s1;
	[bflag:$0x2] =	sbarrier.arrive $0xFFFF  }
0x5d: {  	[sflag:s0] =	ssyncadd.tile.s32 @!p0 $0x1;
	_ =	shalt  }
.Lfunc_end2:
_tile_overlayer_lowered:
.L_overlay_start_2:
0x5e: {  	(tag) =	ssettag $0x2  }
0x5f: {  	s0 =	rddreg [dreg:$0x0];
	s2 =	stileid.u32  }
0x60: {  	s1 =	rddreg [dreg:$0x1];
	p0 =	sne.s32 s2, $0x0  }
0x61: {  	s3 =	rddreg [dreg:$0x2];
	[bflag:$0x3] =	sbarrier.arrive $0xFFFF;
	s2 =	simm.s32 @!p0 $0x1C03  }
0x62: {  	[timem:s3], [sflag:s2] =	dma.local @!p0 [hbm:s0], s1  }
0x63: {  	s0 =	simm.s32 @!p0 $0x3  }
0x64: {  	_ =	swait.ge @!p0 [sflag:s0], s1  }
0x65: {  	s1 =	ssub.s32 @!p0 $0x0, s1;
	[sflag:s0] =	ssyncset.done @!p0 $0x0  }
0x66: {  	[sflag:s0] =	ssyncadd.s32 @!p0 s1  }
0x67: {  	[bflag:$0x3] =	sbarrier.arrive $0xFFFF  }
0x68: {  	_ =	shalt  }

</sc_bundles>
